<compile_context>
chip_gen: v7x
topology: tpu7x:2x2x1
jax: 0.10.2.dev20260603
libtpu: 0.0.44.dev20260713+nightly
codegen_flags: <defaults>
</compile_context>

<pallas_src>
import functools

import jax
import jax.numpy as jnp
from jax import lax
from jax.experimental import pallas as pl
from jax.experimental.pallas import tpu as pltpu
from jax.experimental.pallas import tpu_sc as plsc

_B = 8
_N = 2048
_S1 = 512
_S2 = 128
_K = 64
_LANG = 512
_R1 = 0.2
_R2 = 0.4
_NFREQ = 6


def _fps_call(n_sample, n_pts):
    rs = n_pts // 256

    def body(pos_ref, sel_ref):
        p = pos_ref[...]
        iota = (lax.broadcasted_iota(jnp.int32, (rs, 256), 0) * 256
                + lax.broadcasted_iota(jnp.int32, (rs, 256), 1))
        iota_cols = lax.broadcasted_iota(jnp.int32, (_B, n_sample), 1)

        def step(i, carry):
            last, dists, sel = carry
            oh = jnp.where(iota[None] == last[:, None, None], 1.0, 0.0)
            c = jnp.sum(p * oh[:, None], axis=(2, 3))
            diff = p - c[:, :, None, None]
            sq = diff * diff
            d = sq[:, 0] + sq[:, 1] + sq[:, 2]
            dists = jnp.minimum(dists, d)
            m = jnp.max(dists, axis=(1, 2))
            cand = jnp.where(dists == m[:, None, None], iota[None], n_pts)
            a = jnp.min(cand, axis=(1, 2))
            sel = jnp.where(iota_cols == i, a[:, None], sel)
            return a, dists, sel

        init = (jnp.zeros((_B,), jnp.int32),
                jnp.full((_B, rs, 256), jnp.inf, jnp.float32),
                jnp.zeros((_B, n_sample), jnp.int32))
        _, _, sel = lax.fori_loop(1, n_sample, step, init)
        sel_ref[...] = sel

    return pl.pallas_call(
        body,
        grid=(1,),
        in_specs=[pl.BlockSpec((_B, 3, rs, 256), lambda i: (0, 0, 0, 0))],
        out_specs=pl.BlockSpec((_B, n_sample), lambda i: (0, 0)),
        out_shape=jax.ShapeDtypeStruct((_B, n_sample), jnp.int32),
    )


def _group_call(n_sample, n_pts, radius, k):
    r2 = radius * radius

    def body(pos_ref, sel_ref, gidx_ref, valid_ref, cent_ref):
        b = pl.program_id(0)
        p = pos_ref[0]
        selc = sel_ref[0]
        iota_n = lax.broadcasted_iota(jnp.int32, (1, n_pts), 1)
        oh = jnp.where(selc == iota_n, 1.0, 0.0)
        px, py, pz = p[0:1], p[1:2], p[2:3]
        cx = jnp.sum(oh * px, axis=1, keepdims=True)
        cy = jnp.sum(oh * py, axis=1, keepdims=True)
        cz = jnp.sum(oh * pz, axis=1, keepdims=True)
        dx = cx - px
        dy = cy - py
        dz = cz - pz
        d2 = dx * dx + dy * dy + dz * dz
        neg = jnp.where(d2 <= r2, -d2, -jnp.inf)
        iota_sn = lax.broadcasted_iota(jnp.int32, (n_sample, n_pts), 1)
        iota_sk = lax.broadcasted_iota(jnp.int32, (n_sample, k), 1)

        def step(j, carry):
            neg, gidx, valid = carry
            m = jnp.max(neg, axis=1, keepdims=True)
            cand = jnp.where(neg == m, iota_sn, n_pts)
            a = jnp.min(cand, axis=1, keepdims=True)
            v = jnp.where(m > -jnp.inf, 1.0, 0.0)
            neg = jnp.where(iota_sn == a, -jnp.inf, neg)
            gidx = jnp.where(iota_sk == j, a + b * n_pts, gidx)
            valid = jnp.where(iota_sk == j, v, valid)
            return neg, gidx, valid

        init = (neg,
                jnp.zeros((n_sample, k), jnp.int32),
                jnp.zeros((n_sample, k), jnp.float32))
        _, gidx, valid = lax.fori_loop(0, k, step, init)
        gidx_ref[...] = gidx[None]
        valid_ref[...] = valid[None]
        cent_ref[...] = jnp.concatenate([cx, cy, cz], axis=1)[None]

    return pl.pallas_call(
        body,
        grid=(_B,),
        in_specs=[
            pl.BlockSpec((1, 3, n_pts), lambda b: (b, 0, 0)),
            pl.BlockSpec((1, n_sample, 1), lambda b: (b, 0, 0)),
        ],
        out_specs=[
            pl.BlockSpec((1, n_sample, k), lambda b: (b, 0, 0)),
            pl.BlockSpec((1, n_sample, k), lambda b: (b, 0, 0)),
            pl.BlockSpec((1, n_sample, 3), lambda b: (b, 0, 0)),
        ],
        out_shape=[
            jax.ShapeDtypeStruct((_B, n_sample, k), jnp.int32),
            jax.ShapeDtypeStruct((_B, n_sample, k), jnp.float32),
            jax.ShapeDtypeStruct((_B, n_sample, 3), jnp.float32),
        ],
        compiler_params=pltpu.CompilerParams(
            dimension_semantics=("parallel",)),
    )


def _sc_gather_rows(table, idx_flat, chunk):
    bn = idx_flat.shape[0]
    d = table.shape[1]
    info = plsc.get_sparse_core_info()
    nw = info.num_cores * info.num_subcores
    b_per_w = bn // nw
    n_inner = b_per_w // chunk
    mesh = plsc.VectorSubcoreMesh(core_axis_name="c", subcore_axis_name="s")

    @functools.partial(
        pl.kernel,
        mesh=mesh,
        out_type=jax.ShapeDtypeStruct((bn, d), jnp.float32),
        scratch_types=[
            pltpu.VMEM((chunk,), jnp.int32),
            pltpu.VMEM((chunk, d), jnp.float32),
            pltpu.SemaphoreType.DMA,
        ],
    )
    def k(table_hbm, idx_hbm, out_hbm, idx_v, rows_v, sem):
        wid = lax.axis_index("s") * info.num_cores + lax.axis_index("c")
        base = wid * b_per_w
        for t in range(n_inner):
            off = base + t * chunk
            pltpu.sync_copy(idx_hbm.at[pl.ds(off, chunk)], idx_v)
            pltpu.async_copy(table_hbm.at[idx_v], rows_v, sem).wait()
            pltpu.sync_copy(rows_v, out_hbm.at[pl.ds(off, chunk)])

    return k(table, idx_flat)


def _sc_gather_cols(table_flat, idx_flat, n_cols, chunk):
    bn = idx_flat.shape[0]
    v_words = table_flat.shape[0]
    info = plsc.get_sparse_core_info()
    nw = info.num_cores * info.num_subcores
    b_per_w = bn // nw
    n_inner = b_per_w // chunk
    n_vec = chunk // 16
    mesh = plsc.VectorSubcoreMesh(core_axis_name="c", subcore_axis_name="s")

    @functools.partial(
        pl.kernel,
        mesh=mesh,
        out_type=jax.ShapeDtypeStruct((n_cols, bn), jnp.float32),
        scratch_types=[
            pltpu.VMEM((v_words,), jnp.float32),
            pltpu.VMEM((chunk,), jnp.int32),
            pltpu.VMEM((n_cols, chunk), jnp.float32),
        ],
        compiler_params=pltpu.CompilerParams(needs_layout_passes=False),
    )
    def k(table_hbm, idx_hbm, out_hbm, tab_v, idx_v, stage_v):
        wid = lax.axis_index("s") * info.num_cores + lax.axis_index("c")
        base = wid * b_per_w
        pltpu.sync_copy(table_hbm, tab_v)
        for t in range(n_inner):
            off = base + t * chunk
            pltpu.sync_copy(idx_hbm.at[pl.ds(off, chunk)], idx_v)

            def body(i, carry):
                iv = idx_v[pl.ds(i * 16, 16)]
                fbase = iv * n_cols
                for c in range(n_cols):
                    vals = plsc.load_gather(tab_v, [fbase + c])
                    stage_v[c, pl.ds(i * 16, 16)] = vals
                return carry

            lax.fori_loop(0, n_vec, body, 0)
            pltpu.sync_copy(stage_v, out_hbm.at[:, pl.ds(off, chunk)])

    return k(table_flat, idx_flat)


def _posenc_rows(x_t):
    cols = [x_t]
    for f in range(_NFREQ):
        s = x_t * (2.0 ** f)
        cols.append(jnp.sin(s))
        cols.append(jnp.cos(s))
    return jnp.concatenate(cols, axis=0)


def _dot_t(a, b):
    return lax.dot_general(a, b, (((0,), (0,)), ((), ())),
                           preferred_element_type=jnp.float32)


def _mlp_call(n_sample, k, c_in, cat_pos, c_out, cs):
    nchunks = n_sample // cs
    rows = cs * k

    def body(gp_ref, gf_ref, cent_ref, valid_ref, cond_ref,
             fw_ref, fb_ref, w1f_ref, w1pe_ref, w1p_ref, b1_ref,
             w2_ref, b2_ref, w3_ref, b3_ref, out_ref):
        pos_j_t = gp_ref[0]
        cent_t = cent_ref[0]
        rep = jnp.where(
            lax.broadcasted_iota(jnp.int32, (cs, rows), 1) // k
            == lax.broadcasted_iota(jnp.int32, (cs, rows), 0),
            1.0, 0.0)
        cent_rep = jnp.dot(cent_t, rep, preferred_element_type=jnp.float32)
        rel_t = pos_j_t - cent_rep
        pe_t = _posenc_rows(rel_t)
        h = _dot_t(pe_t, w1pe_ref[...])
        if cat_pos:
            h = h + jnp.dot(gf_ref[0], w1f_ref[...],
                            preferred_element_type=jnp.float32)
        else:
            h = h + _dot_t(gf_ref[0], w1f_ref[...])
        h = h + _dot_t(pos_j_t, w1p_ref[...])
        h = jax.nn.relu(h + b1_ref[...])
        h = jax.nn.relu(jnp.dot(h, w2_ref[...],
                                preferred_element_type=jnp.float32) + b2_ref[...])
        h = jax.nn.relu(jnp.dot(h, w3_ref[...],
                                preferred_element_type=jnp.float32) + b3_ref[...])
        gb = jnp.dot(cond_ref[0], fw_ref[...],
                     preferred_element_type=jnp.float32) + fb_ref[...]
        gamma = gb[:, :c_out]
        beta = gb[:, c_out:]
        h = (1.0 + gamma) * h + beta
        h3 = h.reshape(cs, k, c_out)
        h3 = jnp.where(valid_ref[0][..., None] > 0.0, h3, -jnp.inf)
        hp = jnp.max(h3, axis=1)
        out_ref[...] = jnp.where(hp != -jnp.inf, hp, 0.0)[None]

    if cat_pos:
        feat_spec = pl.BlockSpec((1, rows, c_in), lambda b, c: (b, c, 0))
        d1f = (c_in, 128)
        h1 = 128
    else:
        feat_spec = pl.BlockSpec((1, c_in, rows), lambda b, c: (b, 0, c))
        d1f = (c_in, 64)
        h1 = 64
    return pl.pallas_call(
        body,
        grid=(_B, nchunks),
        in_specs=[
            pl.BlockSpec((1, 3, rows), lambda b, c: (b, 0, c)),
            feat_spec,
            pl.BlockSpec((1, 3, cs), lambda b, c: (b, 0, c)),
            pl.BlockSpec((1, cs, k), lambda b, c: (b, c, 0)),
            pl.BlockSpec((1, 1, _LANG), lambda b, c: (b, 0, 0)),
            pl.BlockSpec((_LANG, 2 * c_out), lambda b, c: (0, 0)),
            pl.BlockSpec((1, 2 * c_out), lambda b, c: (0, 0)),
            pl.BlockSpec(d1f, lambda b, c: (0, 0)),
            pl.BlockSpec((39, h1), lambda b, c: (0, 0)),
            pl.BlockSpec((3, h1), lambda b, c: (0, 0)),
            pl.BlockSpec((1, h1), lambda b, c: (0, 0)),
            pl.BlockSpec((h1, h1), lambda b, c: (0, 0)),
            pl.BlockSpec((1, h1), lambda b, c: (0, 0)),
            pl.BlockSpec((h1, c_out), lambda b, c: (0, 0)),
            pl.BlockSpec((1, c_out), lambda b, c: (0, 0)),
        ],
        out_specs=pl.BlockSpec((1, cs, c_out), lambda b, c: (b, c, 0)),
        out_shape=jax.ShapeDtypeStruct((_B, n_sample, c_out), jnp.float32),
        compiler_params=pltpu.CompilerParams(
            dimension_semantics=("parallel", "parallel")),
    )


def _global_call(n_sample, c_in, c_out):
    def body(h_ref, w_ref, b_ref, out_ref):
        h = jax.nn.relu(jnp.dot(h_ref[0], w_ref[...],
                                preferred_element_type=jnp.float32) + b_ref[...])
        out_ref[...] = h[None]

    return pl.pallas_call(
        body,
        grid=(_B,),
        in_specs=[
            pl.BlockSpec((1, n_sample, c_in), lambda b: (b, 0, 0)),
            pl.BlockSpec((c_in, c_out), lambda b: (0, 0)),
            pl.BlockSpec((1, c_out), lambda b: (0, 0)),
        ],
        out_specs=pl.BlockSpec((1, n_sample, c_out), lambda b: (b, 0, 0)),
        out_shape=jax.ShapeDtypeStruct((_B, n_sample, c_out), jnp.float32),
        compiler_params=pltpu.CompilerParams(
            dimension_semantics=("parallel",)),
    )


def _posout_call(n_sample, c_out):
    def body(p_ref, w_ref, b_ref, out_ref):
        x = p_ref[0]
        cols = [x]
        for f in range(_NFREQ):
            sf = x * (2.0 ** f)
            cols.append(jnp.sin(sf))
            cols.append(jnp.cos(sf))
        pe = jnp.concatenate(cols, axis=1)
        out_ref[...] = (jnp.dot(pe, w_ref[...],
                                preferred_element_type=jnp.float32)
                        + b_ref[...])[None]

    return pl.pallas_call(
        body,
        grid=(_B,),
        in_specs=[
            pl.BlockSpec((1, n_sample, 3), lambda b: (b, 0, 0)),
            pl.BlockSpec((39, c_out), lambda b: (0, 0)),
            pl.BlockSpec((1, c_out), lambda b: (0, 0)),
        ],
        out_specs=pl.BlockSpec((1, n_sample, c_out), lambda b: (b, 0, 0)),
        out_shape=jax.ShapeDtypeStruct((_B, n_sample, c_out), jnp.float32),
        compiler_params=pltpu.CompilerParams(
            dimension_semantics=("parallel",)),
    )


def _pad_cols(x, d):
    return jnp.pad(x, ((0, 0), (0, d - x.shape[1])))


def kernel(rgb, pos, batch, cond, params):
    del batch
    pos_b = pos.reshape(_B, _N, 3)
    rgb_b = rgb.reshape(_B, _N, 3)
    pos_t = jnp.transpose(pos_b, (0, 2, 1))
    cond3 = cond.reshape(_B, 1, _LANG)

    p1 = params['sa1']
    p2 = params['sa2']

    sel1 = _fps_call(_S1, _N)(pos_t.reshape(_B, 3, _N // 256, 256))
    sel1 = sel1.reshape(_B, _S1, 1)
    gidx1, valid1, cent1 = _group_call(_S1, _N, _R1, _K)(pos_t, sel1)
    table1 = jnp.concatenate(
        [pos_b.reshape(-1, 3), rgb_b.reshape(-1, 3)], axis=1).reshape(-1)
    g1t = _sc_gather_cols(table1, gidx1.reshape(-1), 6, 2048)
    g1t = jnp.transpose(g1t.reshape(6, _B, _S1 * _K), (1, 0, 2))
    cent1_t = jnp.transpose(cent1, (0, 2, 1))
    (w1a, b1a), (w1b, b1b), (w1c, b1c) = p1['local']
    pooled1 = _mlp_call(_S1, _K, 3, False, 128, 128)(
        g1t[:, 0:3], g1t[:, 3:6], cent1_t, valid1, cond3,
        p1['film_W'], p1['film_b'].reshape(1, -1),
        w1a[0:3], w1a[3:42], jnp.zeros((3, 64), jnp.float32),
        b1a.reshape(1, -1), w1b, b1b.reshape(1, -1), w1c, b1c.reshape(1, -1))
    (wg1, bg1), = p1['global']
    x1 = _global_call(_S1, 128, 128)(pooled1, wg1, bg1.reshape(1, -1))

    pos1 = cent1
    pos1_t = cent1_t
    sel2 = _fps_call(_S2, _S1)(pos1_t.reshape(_B, 3, _S1 // 256, 256))
    sel2 = sel2.reshape(_B, _S2, 1)
    gidx2, valid2, cent2 = _group_call(_S2, _S1, _R2, _K)(pos1_t, sel2)
    g2pt = _sc_gather_cols(pos1.reshape(-1), gidx2.reshape(-1), 3, 2048)
    g2pt = jnp.transpose(g2pt.reshape(3, _B, _S2 * _K), (1, 0, 2))
    g2x = _sc_gather_rows(x1.reshape(-1, 128), gidx2.reshape(-1), 512)
    g2x = g2x.reshape(_B, _S2 * _K, 128)
    cent2_t = jnp.transpose(cent2, (0, 2, 1))
    (w2a, b2a), (w2b, b2b), (w2c, b2c) = p2['local']
    pooled2 = _mlp_call(_S2, _K, 128, True, 256, 128)(
        g2pt, g2x, cent2_t, valid2, cond3,
        p2['film_W'], p2['film_b'].reshape(1, -1),
        w2a[0:128], w2a[128:167], w2a[167:170],
        b2a.reshape(1, -1), w2b, b2b.reshape(1, -1), w2c, b2c.reshape(1, -1))
    (wg2, bg2), = p2['global']
    x2 = _global_call(_S2, 256, 256)(pooled2, wg2, bg2.reshape(1, -1))

    pos_out = _posout_call(_S2, 256)(cent2, params['pe_W'],
                                     params['pe_b'].reshape(1, -1))
    return (x2, pos_out)

# --- scband reference (transcript-rebuilt; emitter-appended) ---
"""Pipeline reference for scband-backbone-23940147708299 (READ-ONLY COPY).

The authoritative reference and input builder live on the scoring server;
editing this copy changes nothing except your own understanding.
"""

import jax, jax.numpy as jnp
import numpy as np

B = 8
N = 2048
NUM_FREQS_PT = 6
NUM_FREQS_PE = 6
LANG_DIM = 512
HIDDEN_DIM = 256
S1 = 512
S2 = 128
R1 = 0.2
R2 = 0.4
K1 = 64
K2 = 64


def posenc(x, n_freqs):
    freqs = 2.0 ** jnp.arange(n_freqs, dtype=jnp.float32)
    xb = x[..., None, :] * freqs[:, None]
    enc = jnp.concatenate([jnp.sin(xb), jnp.cos(xb)], axis=-1)
    enc = enc.reshape(x.shape[:-1] + (-1,))
    return jnp.concatenate([x, enc], axis=-1)


def fps(pos, n_sample):
    n = pos.shape[0]
    def body(i, state):
        sel, dists = state
        last = sel[i - 1]
        d = jnp.sum((pos - pos[last]) ** 2, axis=-1)
        dists = jnp.minimum(dists, d)
        sel = sel.at[i].set(jnp.argmax(dists).astype(jnp.int32))
        return (sel, dists)
    sel0 = jnp.zeros((n_sample,), dtype=jnp.int32)
    dists0 = jnp.full((n,), jnp.inf, dtype=jnp.float32)
    sel, _ = jax.lax.fori_loop(1, n_sample, body, (sel0, dists0))
    return sel


def radius_group(centers, points, r, k):
    d2 = jnp.sum((centers[:, None, :] - points[None, :, :]) ** 2, axis=-1)
    mask = d2 <= r * r
    neg = jnp.where(mask, -d2, -jnp.inf)
    vals, idx = jax.lax.top_k(neg, k)
    valid = vals > -jnp.inf
    return idx, valid


def mlp(h, layers):
    for (W, b) in layers:
        h = jax.nn.relu(h @ W + b)
    return h


def sa_module(x, pos, cond, p, n_sample, r, k, cat_pos):
    sg = jax.lax.stop_gradient
    sel = fps(sg(pos), n_sample)
    centers = pos[sel]
    idx, valid = radius_group(sg(centers), sg(pos), r, k)
    pos_j = pos[idx]
    rel = pos_j - centers[:, None, :]
    pe = posenc(rel, NUM_FREQS_PT)
    parts = [x[idx], pe]
    if cat_pos:
        parts.append(pos_j)
    h = jnp.concatenate(parts, axis=-1)
    h = mlp(h, p['local'])
    gb = cond @ p['film_W'] + p['film_b']
    gamma, beta = jnp.split(gb, 2, axis=-1)
    h = (1.0 + gamma) * h + beta
    h = jnp.where(valid[..., None], h, -jnp.inf)
    h = jnp.max(h, axis=1)
    h = jnp.where(jnp.isfinite(h), h, 0.0)
    h = mlp(h, p['global'])
    return h, centers


def _forward(rgb, pos, cond, params):
    rgb_b = rgb.reshape(B, N, 3)
    pos_b = pos.reshape(B, N, 3)
    x1, pos1 = jax.vmap(lambda xx, pp, cc: sa_module(xx, pp, cc, params['sa1'], S1, R1, K1, False))(rgb_b, pos_b, cond)
    x2, pos2 = jax.vmap(lambda xx, pp, cc: sa_module(xx, pp, cc, params['sa2'], S2, R2, K2, True))(x1, pos1, cond)
    pe = posenc(pos2, NUM_FREQS_PE)
    pos_out = pe @ params['pe_W'] + params['pe_b']
    return (x2, pos_out)


def _make_params(key):
    ks = jax.random.split(key, 16)
    def lin(k, din, dout):
        kw, kb = jax.random.split(k)
        return (jax.random.normal(kw, (din, dout), jnp.float32) * 0.02,
                jax.random.normal(kb, (dout,), jnp.float32) * 0.02)
    params = {
        'sa1': {
            'local': [lin(ks[0], 42, 64), lin(ks[1], 64, 64), lin(ks[2], 64, 128)],
            'film_W': jax.random.normal(ks[3], (LANG_DIM, 256), jnp.float32) * 0.02,
            'film_b': jnp.zeros((256,), jnp.float32),
            'global': [lin(ks[4], 128, 128)],
        },
        'sa2': {
            'local': [lin(ks[5], 170, 128), lin(ks[6], 128, 128), lin(ks[7], 128, 256)],
            'film_W': jax.random.normal(ks[8], (LANG_DIM, 512), jnp.float32) * 0.02,
            'film_b': jnp.zeros((512,), jnp.float32),
            'global': [lin(ks[9], 256, 256)],
        },
        'pe_W': jax.random.normal(ks[10], (39, HIDDEN_DIM), jnp.float32) * 0.02,
        'pe_b': jnp.zeros((HIDDEN_DIM,), jnp.float32),
    }
    return params


def setup_inputs(seed: int = 0):
    key = jax.random.key(seed)
    k1, k2, k3, k4 = jax.random.split(key, 4)
    rgb = jax.random.uniform(k1, (B * N, 3), jnp.float32)
    pos = jax.random.uniform(k2, (B * N, 3), jnp.float32)
    batch = jnp.repeat(jnp.arange(B), N)
    cond = jax.random.normal(k3, (B, LANG_DIM), jnp.float32)
    params = _make_params(k4)
    return {'rgb': rgb, 'pos': pos, 'batch': batch, 'cond': cond, 'params': params}


def reference(rgb, pos, batch, cond, params):
    return _forward(rgb, pos, cond, params)

if __name__ == "__main__":
    import jax
    _d = setup_inputs()
    print(jax.jit(kernel)(*tuple(_d.values())))

</pallas_src>

<mosaic_0001>
#map = affine_map<(d0, d1) -> (0)>
#map1 = affine_map<(d0, d1) -> (0, 0)>
module attributes {stable_mosaic.version = 14 : i64} {
  func.func @k(%arg0: i32, %arg1: i32, %arg2: memref<12288xf32, #tpu.memory_space<hbm>>, %arg3: memref<65536xi32, #tpu.memory_space<hbm>>, %arg4: memref<3x65536xf32, #tpu.memory_space<hbm>>, %arg5: memref<12288xf32, #tpu.memory_space<vmem>>, %arg6: memref<2048xi32, #tpu.memory_space<vmem>>, %arg7: memref<3x2048xf32, #tpu.memory_space<vmem>>) attributes {dimension_semantics = [#tpu.dimension_semantics<core_parallel>, #tpu.dimension_semantics<subcore_parallel>], iteration_bounds = array<i64: 2, 16>, scalar_prefetch = 0 : i64, scratch_operands = 3 : i64, tpu.core_type = #tpu.core_type<sc_vector_subcore>, window_params = [{transform_indices = #map}, {transform_indices = #map}, {transform_indices = #map1}]} {
    %mul3A = arith.constant 2 : i32
    %mul3A_0 = arith.muli %arg1, %mul3A : i32
    %add3A = arith.addi %mul3A_0, %arg0 : i32
    %mul3A_1 = arith.constant 2048 : i32
    %mul3A_2 = arith.muli %add3A, %mul3A_1 : i32
    "tpu.region"() ({
      %run_scoped3A = tpu.sem_alloc : memref<!tpu.dma_semaphore, #tpu.memory_space<semaphore_mem>>
      tpu.enqueue_dma source(%arg2 : memref<12288xf32, #tpu.memory_space<hbm>>) target(%arg5 : memref<12288xf32, #tpu.memory_space<vmem>>) target_semaphore(%run_scoped3A : memref<!tpu.dma_semaphore, #tpu.memory_space<semaphore_mem>>)
      tpu.wait_dma2 semaphore(%run_scoped3A : memref<!tpu.dma_semaphore, #tpu.memory_space<semaphore_mem>>) src(%arg2 : memref<12288xf32, #tpu.memory_space<hbm>>) dst(%arg5 : memref<12288xf32, #tpu.memory_space<vmem>>)
      tpu.yield
    }) : () -> ()
    %add3A_3 = arith.constant 0 : i32
    %add3A_4 = arith.addi %mul3A_2, %add3A_3 : i32
    "tpu.region"() ({
      %run_scoped3A = tpu.sem_alloc : memref<!tpu.dma_semaphore, #tpu.memory_space<semaphore_mem>>
      %dma_start3A = tpu.memref_slice %arg3[%add3A_4] : memref<65536xi32, #tpu.memory_space<hbm>> -> memref<2048xi32, #tpu.memory_space<hbm>>
      %dma_start3A_10 = tpu.memref_slice %arg3[%add3A_4] : memref<65536xi32, #tpu.memory_space<hbm>> -> memref<2048xi32, #tpu.memory_space<hbm>>
      tpu.enqueue_dma source(%dma_start3A_10 : memref<2048xi32, #tpu.memory_space<hbm>>) target(%arg6 : memref<2048xi32, #tpu.memory_space<vmem>>) target_semaphore(%run_scoped3A : memref<!tpu.dma_semaphore, #tpu.memory_space<semaphore_mem>>)
      %dma_wait3A = tpu.memref_slice %arg3[%add3A_4] : memref<65536xi32, #tpu.memory_space<hbm>> -> memref<2048xi32, #tpu.memory_space<hbm>>
      %dma_wait3A_11 = tpu.memref_slice %arg3[%add3A_4] : memref<65536xi32, #tpu.memory_space<hbm>> -> memref<2048xi32, #tpu.memory_space<hbm>>
      tpu.wait_dma2 semaphore(%run_scoped3A : memref<!tpu.dma_semaphore, #tpu.memory_space<semaphore_mem>>) src(%dma_wait3A_11 : memref<2048xi32, #tpu.memory_space<hbm>>) dst(%arg6 : memref<2048xi32, #tpu.memory_space<vmem>>)
      tpu.yield
    }) : () -> ()
    %scan3A = arith.constant 0 : i32
    %scan3A_5 = arith.constant 0 : i32
    %scan3A_6 = arith.constant 128 : i32
    %scan3A_7 = arith.addi %scan3A_5, %scan3A_6 : i32
    %scan3A_8 = arith.constant 1 : i32
    scf.for %scan3A_10 = %scan3A_5 to %scan3A_7 step %scan3A_8  : i32 {
      %mul3A_11 = arith.constant 16 : i32
      %mul3A_12 = arith.muli %scan3A_10, %mul3A_11 : i32
      %get3A = arith.index_cast %mul3A_12 : i32 to index
      %get3A_13 = tpu.vector_load %arg6[%get3A] {strides = array<i32>} : memref<2048xi32, #tpu.memory_space<vmem>>, vector<16xi32>,
      %mul3A_14 = arith.constant 3 : i32
      %mul3A_15 = vector.broadcast %mul3A_14 : i32 to vector<16xi32>
      %mul3A_16 = arith.muli %get3A_13, %mul3A_15 : vector<16xi32>
      %add3A_17 = arith.constant 0 : i32
      %add3A_18 = vector.broadcast %add3A_17 : i32 to vector<16xi32>
      %add3A_19 = arith.addi %mul3A_16, %add3A_18 : vector<16xi32>
      %gather3A = tpu.vector_load_idx %arg5[%add3A_19] : memref<12288xf32, #tpu.memory_space<vmem>>[vector<16xi32>], vector<16xf32>,
      %mul3A_20 = arith.constant 16 : i32
      %mul3A_21 = arith.muli %scan3A_10, %mul3A_20 : i32
      %swap3A = arith.constant 0 : i32
      %swap3A_22 = arith.index_cast %swap3A : i32 to index
      %swap3A_23 = arith.index_cast %mul3A_21 : i32 to index
      %swap3A_24 = tpu.vector_load %arg7[%swap3A_22, %swap3A_23] {strides = array<i32>} : memref<3x2048xf32, #tpu.memory_space<vmem>>, vector<16xf32>,
      tpu.vector_store %arg7[%swap3A_22, %swap3A_23], %gather3A {strides = array<i32>} : memref<3x2048xf32, #tpu.memory_space<vmem>>, vector<16xf32>,
      %add3A_25 = arith.constant 1 : i32
      %add3A_26 = vector.broadcast %add3A_25 : i32 to vector<16xi32>
      %add3A_27 = arith.addi %mul3A_16, %add3A_26 : vector<16xi32>
      %gather3A_28 = tpu.vector_load_idx %arg5[%add3A_27] : memref<12288xf32, #tpu.memory_space<vmem>>[vector<16xi32>], vector<16xf32>,
      %mul3A_29 = arith.constant 16 : i32
      %mul3A_30 = arith.muli %scan3A_10, %mul3A_29 : i32
      %swap3A_31 = arith.constant 1 : i32
      %swap3A_32 = arith.index_cast %swap3A_31 : i32 to index
      %swap3A_33 = arith.index_cast %mul3A_30 : i32 to index
      %swap3A_34 = tpu.vector_load %arg7[%swap3A_32, %swap3A_33] {strides = array<i32>} : memref<3x2048xf32, #tpu.memory_space<vmem>>, vector<16xf32>,
      tpu.vector_store %arg7[%swap3A_32, %swap3A_33], %gather3A_28 {strides = array<i32>} : memref<3x2048xf32, #tpu.memory_space<vmem>>, vector<16xf32>,
      %add3A_35 = arith.constant 2 : i32
      %add3A_36 = vector.broadcast %add3A_35 : i32 to vector<16xi32>
      %add3A_37 = arith.addi %mul3A_16, %add3A_36 : vector<16xi32>
      %gather3A_38 = tpu.vector_load_idx %arg5[%add3A_37] : memref<12288xf32, #tpu.memory_space<vmem>>[vector<16xi32>], vector<16xf32>,
      %mul3A_39 = arith.constant 16 : i32
      %mul3A_40 = arith.muli %scan3A_10, %mul3A_39 : i32
      %swap3A_41 = arith.constant 2 : i32
      %swap3A_42 = arith.index_cast %swap3A_41 : i32 to index
      %swap3A_43 = arith.index_cast %mul3A_40 : i32 to index
      %swap3A_44 = tpu.vector_load %arg7[%swap3A_42, %swap3A_43] {strides = array<i32>} : memref<3x2048xf32, #tpu.memory_space<vmem>>, vector<16xf32>,
      tpu.vector_store %arg7[%swap3A_42, %swap3A_43], %gather3A_38 {strides = array<i32>} : memref<3x2048xf32, #tpu.memory_space<vmem>>, vector<16xf32>,
    }
    %scan3A_9 = arith.constant 128 : i32
    "tpu.region"() ({
      %run_scoped3A = tpu.sem_alloc : memref<!tpu.dma_semaphore, #tpu.memory_space<semaphore_mem>>
      %dma_start3A = arith.constant 0 : i32
      %dma_start3A_10 = tpu.memref_slice %arg4[%dma_start3A, %add3A_4] : memref<3x65536xf32, #tpu.memory_space<hbm>> -> memref<3x2048xf32, #tpu.memory_space<hbm>>
      %dma_start3A_11 = arith.constant 0 : i32
      %dma_start3A_12 = tpu.memref_slice %arg4[%dma_start3A_11, %add3A_4] : memref<3x65536xf32, #tpu.memory_space<hbm>> -> memref<3x2048xf32, #tpu.memory_space<hbm>>
      tpu.enqueue_dma source(%arg7 : memref<3x2048xf32, #tpu.memory_space<vmem>>) target(%dma_start3A_12 : memref<3x2048xf32, #tpu.memory_space<hbm>>) target_semaphore(%run_scoped3A : memref<!tpu.dma_semaphore, #tpu.memory_space<semaphore_mem>>)
      %dma_wait3A = arith.constant 0 : i32
      %dma_wait3A_13 = tpu.memref_slice %arg4[%dma_wait3A, %add3A_4] : memref<3x65536xf32, #tpu.memory_space<hbm>> -> memref<3x2048xf32, #tpu.memory_space<hbm>>
      %dma_wait3A_14 = arith.constant 0 : i32
      %dma_wait3A_15 = tpu.memref_slice %arg4[%dma_wait3A_14, %add3A_4] : memref<3x65536xf32, #tpu.memory_space<hbm>> -> memref<3x2048xf32, #tpu.memory_space<hbm>>
      tpu.wait_dma2 semaphore(%run_scoped3A : memref<!tpu.dma_semaphore, #tpu.memory_space<semaphore_mem>>) src(%arg7 : memref<3x2048xf32, #tpu.memory_space<vmem>>) dst(%dma_wait3A_15 : memref<3x2048xf32, #tpu.memory_space<hbm>>)
      tpu.yield
    }) : () -> ()
    return
  }
}

#map = affine_map<(d0, d1) -> (0)>
#map1 = affine_map<(d0, d1) -> (0, 0)>
module attributes {stable_mosaic.version = 14 : i64} {
  func.func @k(%arg0: i32, %arg1: i32, %arg2: memref<98304xf32, #tpu.memory_space<hbm>>, %arg3: memref<262144xi32, #tpu.memory_space<hbm>>, %arg4: memref<6x262144xf32, #tpu.memory_space<hbm>>, %arg5: memref<98304xf32, #tpu.memory_space<vmem>>, %arg6: memref<2048xi32, #tpu.memory_space<vmem>>, %arg7: memref<6x2048xf32, #tpu.memory_space<vmem>>) attributes {dimension_semantics = [#tpu.dimension_semantics<core_parallel>, #tpu.dimension_semantics<subcore_parallel>], iteration_bounds = array<i64: 2, 16>, scalar_prefetch = 0 : i64, scratch_operands = 3 : i64, tpu.core_type = #tpu.core_type<sc_vector_subcore>, window_params = [{transform_indices = #map}, {transform_indices = #map}, {transform_indices = #map1}]} {
    %mul3A = arith.constant 2 : i32
    %mul3A_0 = arith.muli %arg1, %mul3A : i32
    %add3A = arith.addi %mul3A_0, %arg0 : i32
    %mul3A_1 = arith.constant 8192 : i32
    %mul3A_2 = arith.muli %add3A, %mul3A_1 : i32
    "tpu.region"() ({
      %run_scoped3A = tpu.sem_alloc : memref<!tpu.dma_semaphore, #tpu.memory_space<semaphore_mem>>
      tpu.enqueue_dma source(%arg2 : memref<98304xf32, #tpu.memory_space<hbm>>) target(%arg5 : memref<98304xf32, #tpu.memory_space<vmem>>) target_semaphore(%run_scoped3A : memref<!tpu.dma_semaphore, #tpu.memory_space<semaphore_mem>>)
      tpu.wait_dma2 semaphore(%run_scoped3A : memref<!tpu.dma_semaphore, #tpu.memory_space<semaphore_mem>>) src(%arg2 : memref<98304xf32, #tpu.memory_space<hbm>>) dst(%arg5 : memref<98304xf32, #tpu.memory_space<vmem>>)
      tpu.yield
    }) : () -> ()
    %add3A_3 = arith.constant 0 : i32
    %add3A_4 = arith.addi %mul3A_2, %add3A_3 : i32
    "tpu.region"() ({
      %run_scoped3A = tpu.sem_alloc : memref<!tpu.dma_semaphore, #tpu.memory_space<semaphore_mem>>
      %dma_start3A = tpu.memref_slice %arg3[%add3A_4] : memref<262144xi32, #tpu.memory_space<hbm>> -> memref<2048xi32, #tpu.memory_space<hbm>>
      %dma_start3A_34 = tpu.memref_slice %arg3[%add3A_4] : memref<262144xi32, #tpu.memory_space<hbm>> -> memref<2048xi32, #tpu.memory_space<hbm>>
      tpu.enqueue_dma source(%dma_start3A_34 : memref<2048xi32, #tpu.memory_space<hbm>>) target(%arg6 : memref<2048xi32, #tpu.memory_space<vmem>>) target_semaphore(%run_scoped3A : memref<!tpu.dma_semaphore, #tpu.memory_space<semaphore_mem>>)
      %dma_wait3A = tpu.memref_slice %arg3[%add3A_4] : memref<262144xi32, #tpu.memory_space<hbm>> -> memref<2048xi32, #tpu.memory_space<hbm>>
      %dma_wait3A_35 = tpu.memref_slice %arg3[%add3A_4] : memref<262144xi32, #tpu.memory_space<hbm>> -> memref<2048xi32, #tpu.memory_space<hbm>>
      tpu.wait_dma2 semaphore(%run_scoped3A : memref<!tpu.dma_semaphore, #tpu.memory_space<semaphore_mem>>) src(%dma_wait3A_35 : memref<2048xi32, #tpu.memory_space<hbm>>) dst(%arg6 : memref<2048xi32, #tpu.memory_space<vmem>>)
      tpu.yield
    }) : () -> ()
    %scan3A = arith.constant 0 : i32
    %scan3A_5 = arith.constant 0 : i32
    %scan3A_6 = arith.constant 128 : i32
    %scan3A_7 = arith.addi %scan3A_5, %scan3A_6 : i32
    %scan3A_8 = arith.constant 1 : i32
    scf.for %scan3A_34 = %scan3A_5 to %scan3A_7 step %scan3A_8  : i32 {
      %mul3A_35 = arith.constant 16 : i32
      %mul3A_36 = arith.muli %scan3A_34, %mul3A_35 : i32
      %get3A = arith.index_cast %mul3A_36 : i32 to index
      %get3A_37 = tpu.vector_load %arg6[%get3A] {strides = array<i32>} : memref<2048xi32, #tpu.memory_space<vmem>>, vector<16xi32>,
      %mul3A_38 = arith.constant 6 : i32
      %mul3A_39 = vector.broadcast %mul3A_38 : i32 to vector<16xi32>
      %mul3A_40 = arith.muli %get3A_37, %mul3A_39 : vector<16xi32>
      %add3A_41 = arith.constant 0 : i32
      %add3A_42 = vector.broadcast %add3A_41 : i32 to vector<16xi32>
      %add3A_43 = arith.addi %mul3A_40, %add3A_42 : vector<16xi32>
      %gather3A = tpu.vector_load_idx %arg5[%add3A_43] : memref<98304xf32, #tpu.memory_space<vmem>>[vector<16xi32>], vector<16xf32>,
      %mul3A_44 = arith.constant 16 : i32
      %mul3A_45 = arith.muli %scan3A_34, %mul3A_44 : i32
      %swap3A = arith.constant 0 : i32
      %swap3A_46 = arith.index_cast %swap3A : i32 to index
      %swap3A_47 = arith.index_cast %mul3A_45 : i32 to index
      %swap3A_48 = tpu.vector_load %arg7[%swap3A_46, %swap3A_47] {strides = array<i32>} : memref<6x2048xf32, #tpu.memory_space<vmem>>, vector<16xf32>,
      tpu.vector_store %arg7[%swap3A_46, %swap3A_47], %gather3A {strides = array<i32>} : memref<6x2048xf32, #tpu.memory_space<vmem>>, vector<16xf32>,
      %add3A_49 = arith.constant 1 : i32
      %add3A_50 = vector.broadcast %add3A_49 : i32 to vector<16xi32>
      %add3A_51 = arith.addi %mul3A_40, %add3A_50 : vector<16xi32>
      %gather3A_52 = tpu.vector_load_idx %arg5[%add3A_51] : memref<98304xf32, #tpu.memory_space<vmem>>[vector<16xi32>], vector<16xf32>,
      %mul3A_53 = arith.constant 16 : i32
      %mul3A_54 = arith.muli %scan3A_34, %mul3A_53 : i32
      %swap3A_55 = arith.constant 1 : i32
      %swap3A_56 = arith.index_cast %swap3A_55 : i32 to index
      %swap3A_57 = arith.index_cast %mul3A_54 : i32 to index
      %swap3A_58 = tpu.vector_load %arg7[%swap3A_56, %swap3A_57] {strides = array<i32>} : memref<6x2048xf32, #tpu.memory_space<vmem>>, vector<16xf32>,
      tpu.vector_store %arg7[%swap3A_56, %swap3A_57], %gather3A_52 {strides = array<i32>} : memref<6x2048xf32, #tpu.memory_space<vmem>>, vector<16xf32>,
      %add3A_59 = arith.constant 2 : i32
      %add3A_60 = vector.broadcast %add3A_59 : i32 to vector<16xi32>
      %add3A_61 = arith.addi %mul3A_40, %add3A_60 : vector<16xi32>
      %gather3A_62 = tpu.vector_load_idx %arg5[%add3A_61] : memref<98304xf32, #tpu.memory_space<vmem>>[vector<16xi32>], vector<16xf32>,
      %mul3A_63 = arith.constant 16 : i32
      %mul3A_64 = arith.muli %scan3A_34, %mul3A_63 : i32
      %swap3A_65 = arith.constant 2 : i32
      %swap3A_66 = arith.index_cast %swap3A_65 : i32 to index
      %swap3A_67 = arith.index_cast %mul3A_64 : i32 to index
      %swap3A_68 = tpu.vector_load %arg7[%swap3A_66, %swap3A_67] {strides = array<i32>} : memref<6x2048xf32, #tpu.memory_space<vmem>>, vector<16xf32>,
      tpu.vector_store %arg7[%swap3A_66, %swap3A_67], %gather3A_62 {strides = array<i32>} : memref<6x2048xf32, #tpu.memory_space<vmem>>, vector<16xf32>,
      %add3A_69 = arith.constant 3 : i32
      %add3A_70 = vector.broadcast %add3A_69 : i32 to vector<16xi32>
      %add3A_71 = arith.addi %mul3A_40, %add3A_70 : vector<16xi32>
      %gather3A_72 = tpu.vector_load_idx %arg5[%add3A_71] : memref<98304xf32, #tpu.memory_space<vmem>>[vector<16xi32>], vector<16xf32>,
      %mul3A_73 = arith.constant 16 : i32
      %mul3A_74 = arith.muli %scan3A_34, %mul3A_73 : i32
      %swap3A_75 = arith.constant 3 : i32
      %swap3A_76 = arith.index_cast %swap3A_75 : i32 to index
      %swap3A_77 = arith.index_cast %mul3A_74 : i32 to index
      %swap3A_78 = tpu.vector_load %arg7[%swap3A_76, %swap3A_77] {strides = array<i32>} : memref<6x2048xf32, #tpu.memory_space<vmem>>, vector<16xf32>,
      tpu.vector_store %arg7[%swap3A_76, %swap3A_77], %gather3A_72 {strides = array<i32>} : memref<6x2048xf32, #tpu.memory_space<vmem>>, vector<16xf32>,
      %add3A_79 = arith.constant 4 : i32
      %add3A_80 = vector.broadcast %add3A_79 : i32 to vector<16xi32>
      %add3A_81 = arith.addi %mul3A_40, %add3A_80 : vector<16xi32>
      %gather3A_82 = tpu.vector_load_idx %arg5[%add3A_81] : memref<98304xf32, #tpu.memory_space<vmem>>[vector<16xi32>], vector<16xf32>,
      %mul3A_83 = arith.constant 16 : i32
      %mul3A_84 = arith.muli %scan3A_34, %mul3A_83 : i32
      %swap3A_85 = arith.constant 4 : i32
      %swap3A_86 = arith.index_cast %swap3A_85 : i32 to index
      %swap3A_87 = arith.index_cast %mul3A_84 : i32 to index
      %swap3A_88 = tpu.vector_load %arg7[%swap3A_86, %swap3A_87] {strides = array<i32>} : memref<6x2048xf32, #tpu.memory_space<vmem>>, vector<16xf32>,
      tpu.vector_store %arg7[%swap3A_86, %swap3A_87], %gather3A_82 {strides = array<i32>} : memref<6x2048xf32, #tpu.memory_space<vmem>>, vector<16xf32>,
      %add3A_89 = arith.constant 5 : i32
      %add3A_90 = vector.broadcast %add3A_89 : i32 to vector<16xi32>
      %add3A_91 = arith.addi %mul3A_40, %add3A_90 : vector<16xi32>
      %gather3A_92 = tpu.vector_load_idx %arg5[%add3A_91] : memref<98304xf32, #tpu.memory_space<vmem>>[vector<16xi32>], vector<16xf32>,
      %mul3A_93 = arith.constant 16 : i32
      %mul3A_94 = arith.muli %scan3A_34, %mul3A_93 : i32
      %swap3A_95 = arith.constant 5 : i32
      %swap3A_96 = arith.index_cast %swap3A_95 : i32 to index
      %swap3A_97 = arith.index_cast %mul3A_94 : i32 to index
      %swap3A_98 = tpu.vector_load %arg7[%swap3A_96, %swap3A_97] {strides = array<i32>} : memref<6x2048xf32, #tpu.memory_space<vmem>>, vector<16xf32>,
      tpu.vector_store %arg7[%swap3A_96, %swap3A_97], %gather3A_92 {strides = array<i32>} : memref<6x2048xf32, #tpu.memory_space<vmem>>, vector<16xf32>,
    }
    %scan3A_9 = arith.constant 128 : i32
    "tpu.region"() ({
      %run_scoped3A = tpu.sem_alloc : memref<!tpu.dma_semaphore, #tpu.memory_space<semaphore_mem>>
      %dma_start3A = arith.constant 0 : i32
      %dma_start3A_34 = tpu.memref_slice %arg4[%dma_start3A, %add3A_4] : memref<6x262144xf32, #tpu.memory_space<hbm>> -> memref<6x2048xf32, #tpu.memory_space<hbm>>
      %dma_start3A_35 = arith.constant 0 : i32
      %dma_start3A_36 = tpu.memref_slice %arg4[%dma_start3A_35, %add3A_4] : memref<6x262144xf32, #tpu.memory_space<hbm>> -> memref<6x2048xf32, #tpu.memory_space<hbm>>
      tpu.enqueue_dma source(%arg7 : memref<6x2048xf32, #tpu.memory_space<vmem>>) target(%dma_start3A_36 : memref<6x2048xf32, #tpu.memory_space<hbm>>) target_semaphore(%run_scoped3A : memref<!tpu.dma_semaphore, #tpu.memory_space<semaphore_mem>>)
      %dma_wait3A = arith.constant 0 : i32
      %dma_wait3A_37 = tpu.memref_slice %arg4[%dma_wait3A, %add3A_4] : memref<6x262144xf32, #tpu.memory_space<hbm>> -> memref<6x2048xf32, #tpu.memory_space<hbm>>
      %dma_wait3A_38 = arith.constant 0 : i32
      %dma_wait3A_39 = tpu.memref_slice %arg4[%dma_wait3A_38, %add3A_4] : memref<6x262144xf32, #tpu.memory_space<hbm>> -> memref<6x2048xf32, #tpu.memory_space<hbm>>
      tpu.wait_dma2 semaphore(%run_scoped3A : memref<!tpu.dma_semaphore, #tpu.memory_space<semaphore_mem>>) src(%arg7 : memref<6x2048xf32, #tpu.memory_space<vmem>>) dst(%dma_wait3A_39 : memref<6x2048xf32, #tpu.memory_space<hbm>>)
      tpu.yield
    }) : () -> ()
    %add3A_10 = arith.constant 2048 : i32
    %add3A_11 = arith.addi %mul3A_2, %add3A_10 : i32
    "tpu.region"() ({
      %run_scoped3A = tpu.sem_alloc : memref<!tpu.dma_semaphore, #tpu.memory_space<semaphore_mem>>
      %dma_start3A = tpu.memref_slice %arg3[%add3A_11] : memref<262144xi32, #tpu.memory_space<hbm>> -> memref<2048xi32, #tpu.memory_space<hbm>>
      %dma_start3A_34 = tpu.memref_slice %arg3[%add3A_11] : memref<262144xi32, #tpu.memory_space<hbm>> -> memref<2048xi32, #tpu.memory_space<hbm>>
      tpu.enqueue_dma source(%dma_start3A_34 : memref<2048xi32, #tpu.memory_space<hbm>>) target(%arg6 : memref<2048xi32, #tpu.memory_space<vmem>>) target_semaphore(%run_scoped3A : memref<!tpu.dma_semaphore, #tpu.memory_space<semaphore_mem>>)
      %dma_wait3A = tpu.memref_slice %arg3[%add3A_11] : memref<262144xi32, #tpu.memory_space<hbm>> -> memref<2048xi32, #tpu.memory_space<hbm>>
      %dma_wait3A_35 = tpu.memref_slice %arg3[%add3A_11] : memref<262144xi32, #tpu.memory_space<hbm>> -> memref<2048xi32, #tpu.memory_space<hbm>>
      tpu.wait_dma2 semaphore(%run_scoped3A : memref<!tpu.dma_semaphore, #tpu.memory_space<semaphore_mem>>) src(%dma_wait3A_35 : memref<2048xi32, #tpu.memory_space<hbm>>) dst(%arg6 : memref<2048xi32, #tpu.memory_space<vmem>>)
      tpu.yield
    }) : () -> ()
    %scan3A_12 = arith.constant 0 : i32
    %scan3A_13 = arith.constant 0 : i32
    %scan3A_14 = arith.constant 128 : i32
    %scan3A_15 = arith.addi %scan3A_13, %scan3A_14 : i32
    %scan3A_16 = arith.constant 1 : i32
    scf.for %scan3A_34 = %scan3A_13 to %scan3A_15 step %scan3A_16  : i32 {
      %mul3A_35 = arith.constant 16 : i32
      %mul3A_36 = arith.muli %scan3A_34, %mul3A_35 : i32
      %get3A = arith.index_cast %mul3A_36 : i32 to index
      %get3A_37 = tpu.vector_load %arg6[%get3A] {strides = array<i32>} : memref<2048xi32, #tpu.memory_space<vmem>>, vector<16xi32>,
      %mul3A_38 = arith.constant 6 : i32
      %mul3A_39 = vector.broadcast %mul3A_38 : i32 to vector<16xi32>
      %mul3A_40 = arith.muli %get3A_37, %mul3A_39 : vector<16xi32>
      %add3A_41 = arith.constant 0 : i32
      %add3A_42 = vector.broadcast %add3A_41 : i32 to vector<16xi32>
      %add3A_43 = arith.addi %mul3A_40, %add3A_42 : vector<16xi32>
      %gather3A = tpu.vector_load_idx %arg5[%add3A_43] : memref<98304xf32, #tpu.memory_space<vmem>>[vector<16xi32>], vector<16xf32>,
      %mul3A_44 = arith.constant 16 : i32
      %mul3A_45 = arith.muli %scan3A_34, %mul3A_44 : i32
      %swap3A = arith.constant 0 : i32
      %swap3A_46 = arith.index_cast %swap3A : i32 to index
      %swap3A_47 = arith.index_cast %mul3A_45 : i32 to index
      %swap3A_48 = tpu.vector_load %arg7[%swap3A_46, %swap3A_47] {strides = array<i32>} : memref<6x2048xf32, #tpu.memory_space<vmem>>, vector<16xf32>,
      tpu.vector_store %arg7[%swap3A_46, %swap3A_47], %gather3A {strides = array<i32>} : memref<6x2048xf32, #tpu.memory_space<vmem>>, vector<16xf32>,
      %add3A_49 = arith.constant 1 : i32
      %add3A_50 = vector.broadcast %add3A_49 : i32 to vector<16xi32>
      %add3A_51 = arith.addi %mul3A_40, %add3A_50 : vector<16xi32>
      %gather3A_52 = tpu.vector_load_idx %arg5[%add3A_51] : memref<98304xf32, #tpu.memory_space<vmem>>[vector<16xi32>], vector<16xf32>,
      %mul3A_53 = arith.constant 16 : i32
      %mul3A_54 = arith.muli %scan3A_34, %mul3A_53 : i32
      %swap3A_55 = arith.constant 1 : i32
      %swap3A_56 = arith.index_cast %swap3A_55 : i32 to index
      %swap3A_57 = arith.index_cast %mul3A_54 : i32 to index
      %swap3A_58 = tpu.vector_load %arg7[%swap3A_56, %swap3A_57] {strides = array<i32>} : memref<6x2048xf32, #tpu.memory_space<vmem>>, vector<16xf32>,
      tpu.vector_store %arg7[%swap3A_56, %swap3A_57], %gather3A_52 {strides = array<i32>} : memref<6x2048xf32, #tpu.memory_space<vmem>>, vector<16xf32>,
      %add3A_59 = arith.constant 2 : i32
      %add3A_60 = vector.broadcast %add3A_59 : i32 to vector<16xi32>
      %add3A_61 = arith.addi %mul3A_40, %add3A_60 : vector<16xi32>
      %gather3A_62 = tpu.vector_load_idx %arg5[%add3A_61] : memref<98304xf32, #tpu.memory_space<vmem>>[vector<16xi32>], vector<16xf32>,
      %mul3A_63 = arith.constant 16 : i32
      %mul3A_64 = arith.muli %scan3A_34, %mul3A_63 : i32
      %swap3A_65 = arith.constant 2 : i32
      %swap3A_66 = arith.index_cast %swap3A_65 : i32 to index
      %swap3A_67 = arith.index_cast %mul3A_64 : i32 to index
      %swap3A_68 = tpu.vector_load %arg7[%swap3A_66, %swap3A_67] {strides = array<i32>} : memref<6x2048xf32, #tpu.memory_space<vmem>>, vector<16xf32>,
      tpu.vector_store %arg7[%swap3A_66, %swap3A_67], %gather3A_62 {strides = array<i32>} : memref<6x2048xf32, #tpu.memory_space<vmem>>, vector<16xf32>,
      %add3A_69 = arith.constant 3 : i32
      %add3A_70 = vector.broadcast %add3A_69 : i32 to vector<16xi32>
      %add3A_71 = arith.addi %mul3A_40, %add3A_70 : vector<16xi32>
      %gather3A_72 = tpu.vector_load_idx %arg5[%add3A_71] : memref<98304xf32, #tpu.memory_space<vmem>>[vector<16xi32>], vector<16xf32>,
      %mul3A_73 = arith.constant 16 : i32
      %mul3A_74 = arith.muli %scan3A_34, %mul3A_73 : i32
      %swap3A_75 = arith.constant 3 : i32
      %swap3A_76 = arith.index_cast %swap3A_75 : i32 to index
      %swap3A_77 = arith.index_cast %mul3A_74 : i32 to index
      %swap3A_78 = tpu.vector_load %arg7[%swap3A_76, %swap3A_77] {strides = array<i32>} : memref<6x2048xf32, #tpu.memory_space<vmem>>, vector<16xf32>,
      tpu.vector_store %arg7[%swap3A_76, %swap3A_77], %gather3A_72 {strides = array<i32>} : memref<6x2048xf32, #tpu.memory_space<vmem>>, vector<16xf32>,
      %add3A_79 = arith.constant 4 : i32
      %add3A_80 = vector.broadcast %add3A_79 : i32 to vector<16xi32>
      %add3A_81 = arith.addi %mul3A_40, %add3A_80 : vector<16xi32>
      %gather3A_82 = tpu.vector_load_idx %arg5[%add3A_81] : memref<98304xf32, #tpu.memory_space<vmem>>[vector<16xi32>], vector<16xf32>,
      %mul3A_83 = arith.constant 16 : i32
      %mul3A_84 = arith.muli %scan3A_34, %mul3A_83 : i32
      %swap3A_85 = arith.constant 4 : i32
      %swap3A_86 = arith.index_cast %swap3A_85 : i32 to index
      %swap3A_87 = arith.index_cast %mul3A_84 : i32 to index
      %swap3A_88 = tpu.vector_load %arg7[%swap3A_86, %swap3A_87] {strides = array<i32>} : memref<6x2048xf32, #tpu.memory_space<vmem>>, vector<16xf32>,
      tpu.vector_store %arg7[%swap3A_86, %swap3A_87], %gather3A_82 {strides = array<i32>} : memref<6x2048xf32, #tpu.memory_space<vmem>>, vector<16xf32>,
      %add3A_89 = arith.constant 5 : i32
      %add3A_90 = vector.broadcast %add3A_89 : i32 to vector<16xi32>
      %add3A_91 = arith.addi %mul3A_40, %add3A_90 : vector<16xi32>
      %gather3A_92 = tpu.vector_load_idx %arg5[%add3A_91] : memref<98304xf32, #tpu.memory_space<vmem>>[vector<16xi32>], vector<16xf32>,
      %mul3A_93 = arith.constant 16 : i32
      %mul3A_94 = arith.muli %scan3A_34, %mul3A_93 : i32
      %swap3A_95 = arith.constant 5 : i32
      %swap3A_96 = arith.index_cast %swap3A_95 : i32 to index
      %swap3A_97 = arith.index_cast %mul3A_94 : i32 to index
      %swap3A_98 = tpu.vector_load %arg7[%swap3A_96, %swap3A_97] {strides = array<i32>} : memref<6x2048xf32, #tpu.memory_space<vmem>>, vector<16xf32>,
      tpu.vector_store %arg7[%swap3A_96, %swap3A_97], %gather3A_92 {strides = array<i32>} : memref<6x2048xf32, #tpu.memory_space<vmem>>, vector<16xf32>,
    }
    %scan3A_17 = arith.constant 128 : i32
    "tpu.region"() ({
      %run_scoped3A = tpu.sem_alloc : memref<!tpu.dma_semaphore, #tpu.memory_space<semaphore_mem>>
      %dma_start3A = arith.constant 0 : i32
      %dma_start3A_34 = tpu.memref_slice %arg4[%dma_start3A, %add3A_11] : memref<6x262144xf32, #tpu.memory_space<hbm>> -> memref<6x2048xf32, #tpu.memory_space<hbm>>
      %dma_start3A_35 = arith.constant 0 : i32
      %dma_start3A_36 = tpu.memref_slice %arg4[%dma_start3A_35, %add3A_11] : memref<6x262144xf32, #tpu.memory_space<hbm>> -> memref<6x2048xf32, #tpu.memory_space<hbm>>
      tpu.enqueue_dma source(%arg7 : memref<6x2048xf32, #tpu.memory_space<vmem>>) target(%dma_start3A_36 : memref<6x2048xf32, #tpu.memory_space<hbm>>) target_semaphore(%run_scoped3A : memref<!tpu.dma_semaphore, #tpu.memory_space<semaphore_mem>>)
      %dma_wait3A = arith.constant 0 : i32
      %dma_wait3A_37 = tpu.memref_slice %arg4[%dma_wait3A, %add3A_11] : memref<6x262144xf32, #tpu.memory_space<hbm>> -> memref<6x2048xf32, #tpu.memory_space<hbm>>
      %dma_wait3A_38 = arith.constant 0 : i32
      %dma_wait3A_39 = tpu.memref_slice %arg4[%dma_wait3A_38, %add3A_11] : memref<6x262144xf32, #tpu.memory_space<hbm>> -> memref<6x2048xf32, #tpu.memory_space<hbm>>
      tpu.wait_dma2 semaphore(%run_scoped3A : memref<!tpu.dma_semaphore, #tpu.memory_space<semaphore_mem>>) src(%arg7 : memref<6x2048xf32, #tpu.memory_space<vmem>>) dst(%dma_wait3A_39 : memref<6x2048xf32, #tpu.memory_space<hbm>>)
      tpu.yield
    }) : () -> ()
    %add3A_18 = arith.constant 4096 : i32
    %add3A_19 = arith.addi %mul3A_2, %add3A_18 : i32
    "tpu.region"() ({
      %run_scoped3A = tpu.sem_alloc : memref<!tpu.dma_semaphore, #tpu.memory_space<semaphore_mem>>
      %dma_start3A = tpu.memref_slice %arg3[%add3A_19] : memref<262144xi32, #tpu.memory_space<hbm>> -> memref<2048xi32, #tpu.memory_space<hbm>>
      %dma_start3A_34 = tpu.memref_slice %arg3[%add3A_19] : memref<262144xi32, #tpu.memory_space<hbm>> -> memref<2048xi32, #tpu.memory_space<hbm>>
      tpu.enqueue_dma source(%dma_start3A_34 : memref<2048xi32, #tpu.memory_space<hbm>>) target(%arg6 : memref<2048xi32, #tpu.memory_space<vmem>>) target_semaphore(%run_scoped3A : memref<!tpu.dma_semaphore, #tpu.memory_space<semaphore_mem>>)
      %dma_wait3A = tpu.memref_slice %arg3[%add3A_19] : memref<262144xi32, #tpu.memory_space<hbm>> -> memref<2048xi32, #tpu.memory_space<hbm>>
      %dma_wait3A_35 = tpu.memref_slice %arg3[%add3A_19] : memref<262144xi32, #tpu.memory_space<hbm>> -> memref<2048xi32, #tpu.memory_space<hbm>>
      tpu.wait_dma2 semaphore(%run_scoped3A : memref<!tpu.dma_semaphore, #tpu.memory_space<semaphore_mem>>) src(%dma_wait3A_35 : memref<2048xi32, #tpu.memory_space<hbm>>) dst(%arg6 : memref<2048xi32, #tpu.memory_space<vmem>>)
      tpu.yield
    }) : () -> ()
    %scan3A_20 = arith.constant 0 : i32
    %scan3A_21 = arith.constant 0 : i32
    %scan3A_22 = arith.constant 128 : i32
    %scan3A_23 = arith.addi %scan3A_21, %scan3A_22 : i32
    %scan3A_24 = arith.constant 1 : i32
    scf.for %scan3A_34 = %scan3A_21 to %scan3A_23 step %scan3A_24  : i32 {
      %mul3A_35 = arith.constant 16 : i32
      %mul3A_36 = arith.muli %scan3A_34, %mul3A_35 : i32
      %get3A = arith.index_cast %mul3A_36 : i32 to index
      %get3A_37 = tpu.vector_load %arg6[%get3A] {strides = array<i32>} : memref<2048xi32, #tpu.memory_space<vmem>>, vector<16xi32>,
      %mul3A_38 = arith.constant 6 : i32
      %mul3A_39 = vector.broadcast %mul3A_38 : i32 to vector<16xi32>
      %mul3A_40 = arith.muli %get3A_37, %mul3A_39 : vector<16xi32>
      %add3A_41 = arith.constant 0 : i32
      %add3A_42 = vector.broadcast %add3A_41 : i32 to vector<16xi32>
      %add3A_43 = arith.addi %mul3A_40, %add3A_42 : vector<16xi32>
      %gather3A = tpu.vector_load_idx %arg5[%add3A_43] : memref<98304xf32, #tpu.memory_space<vmem>>[vector<16xi32>], vector<16xf32>,
      %mul3A_44 = arith.constant 16 : i32
      %mul3A_45 = arith.muli %scan3A_34, %mul3A_44 : i32
      %swap3A = arith.constant 0 : i32
      %swap3A_46 = arith.index_cast %swap3A : i32 to index
      %swap3A_47 = arith.index_cast %mul3A_45 : i32 to index
      %swap3A_48 = tpu.vector_load %arg7[%swap3A_46, %swap3A_47] {strides = array<i32>} : memref<6x2048xf32, #tpu.memory_space<vmem>>, vector<16xf32>,
      tpu.vector_store %arg7[%swap3A_46, %swap3A_47], %gather3A {strides = array<i32>} : memref<6x2048xf32, #tpu.memory_space<vmem>>, vector<16xf32>,
      %add3A_49 = arith.constant 1 : i32
      %add3A_50 = vector.broadcast %add3A_49 : i32 to vector<16xi32>
      %add3A_51 = arith.addi %mul3A_40, %add3A_50 : vector<16xi32>
      %gather3A_52 = tpu.vector_load_idx %arg5[%add3A_51] : memref<98304xf32, #tpu.memory_space<vmem>>[vector<16xi32>], vector<16xf32>,
      %mul3A_53 = arith.constant 16 : i32
      %mul3A_54 = arith.muli %scan3A_34, %mul3A_53 : i32
      %swap3A_55 = arith.constant 1 : i32
      %swap3A_56 = arith.index_cast %swap3A_55 : i32 to index
      %swap3A_57 = arith.index_cast %mul3A_54 : i32 to index
      %swap3A_58 = tpu.vector_load %arg7[%swap3A_56, %swap3A_57] {strides = array<i32>} : memref<6x2048xf32, #tpu.memory_space<vmem>>, vector<16xf32>,
      tpu.vector_store %arg7[%swap3A_56, %swap3A_57], %gather3A_52 {strides = array<i32>} : memref<6x2048xf32, #tpu.memory_space<vmem>>, vector<16xf32>,
      %add3A_59 = arith.constant 2 : i32
      %add3A_60 = vector.broadcast %add3A_59 : i32 to vector<16xi32>
      %add3A_61 = arith.addi %mul3A_40, %add3A_60 : vector<16xi32>
      %gather3A_62 = tpu.vector_load_idx %arg5[%add3A_61] : memref<98304xf32, #tpu.memory_space<vmem>>[vector<16xi32>], vector<16xf32>,
      %mul3A_63 = arith.constant 16 : i32
      %mul3A_64 = arith.muli %scan3A_34, %mul3A_63 : i32
      %swap3A_65 = arith.constant 2 : i32
      %swap3A_66 = arith.index_cast %swap3A_65 : i32 to index
      %swap3A_67 = arith.index_cast %mul3A_64 : i32 to index
      %swap3A_68 = tpu.vector_load %arg7[%swap3A_66, %swap3A_67] {strides = array<i32>} : memref<6x2048xf32, #tpu.memory_space<vmem>>, vector<16xf32>,
      tpu.vector_store %arg7[%swap3A_66, %swap3A_67], %gather3A_62 {strides = array<i32>} : memref<6x2048xf32, #tpu.memory_space<vmem>>, vector<16xf32>,
      %add3A_69 = arith.constant 3 : i32
      %add3A_70 = vector.broadcast %add3A_69 : i32 to vector<16xi32>
      %add3A_71 = arith.addi %mul3A_40, %add3A_70 : vector<16xi32>
      %gather3A_72 = tpu.vector_load_idx %arg5[%add3A_71] : memref<98304xf32, #tpu.memory_space<vmem>>[vector<16xi32>], vector<16xf32>,
      %mul3A_73 = arith.constant 16 : i32
      %mul3A_74 = arith.muli %scan3A_34, %mul3A_73 : i32
      %swap3A_75 = arith.constant 3 : i32
      %swap3A_76 = arith.index_cast %swap3A_75 : i32 to index
      %swap3A_77 = arith.index_cast %mul3A_74 : i32 to index
      %swap3A_78 = tpu.vector_load %arg7[%swap3A_76, %swap3A_77] {strides = array<i32>} : memref<6x2048xf32, #tpu.memory_space<vmem>>, vector<16xf32>,
      tpu.vector_store %arg7[%swap3A_76, %swap3A_77], %gather3A_72 {strides = array<i32>} : memref<6x2048xf32, #tpu.memory_space<vmem>>, vector<16xf32>,
      %add3A_79 = arith.constant 4 : i32
      %add3A_80 = vector.broadcast %add3A_79 : i32 to vector<16xi32>
      %add3A_81 = arith.addi %mul3A_40, %add3A_80 : vector<16xi32>
      %gather3A_82 = tpu.vector_load_idx %arg5[%add3A_81] : memref<98304xf32, #tpu.memory_space<vmem>>[vector<16xi32>], vector<16xf32>,
      %mul3A_83 = arith.constant 16 : i32
      %mul3A_84 = arith.muli %scan3A_34, %mul3A_83 : i32
      %swap3A_85 = arith.constant 4 : i32
      %swap3A_86 = arith.index_cast %swap3A_85 : i32 to index
      %swap3A_87 = arith.index_cast %mul3A_84 : i32 to index
      %swap3A_88 = tpu.vector_load %arg7[%swap3A_86, %swap3A_87] {strides = array<i32>} : memref<6x2048xf32, #tpu.memory_space<vmem>>, vector<16xf32>,
      tpu.vector_store %arg7[%swap3A_86, %swap3A_87], %gather3A_82 {strides = array<i32>} : memref<6x2048xf32, #tpu.memory_space<vmem>>, vector<16xf32>,
      %add3A_89 = arith.constant 5 : i32
      %add3A_90 = vector.broadcast %add3A_89 : i32 to vector<16xi32>
      %add3A_91 = arith.addi %mul3A_40, %add3A_90 : vector<16xi32>
      %gather3A_92 = tpu.vector_load_idx %arg5[%add3A_91] : memref<98304xf32, #tpu.memory_space<vmem>>[vector<16xi32>], vector<16xf32>,
      %mul3A_93 = arith.constant 16 : i32
      %mul3A_94 = arith.muli %scan3A_34, %mul3A_93 : i32
      %swap3A_95 = arith.constant 5 : i32
      %swap3A_96 = arith.index_cast %swap3A_95 : i32 to index
      %swap3A_97 = arith.index_cast %mul3A_94 : i32 to index
      %swap3A_98 = tpu.vector_load %arg7[%swap3A_96, %swap3A_97] {strides = array<i32>} : memref<6x2048xf32, #tpu.memory_space<vmem>>, vector<16xf32>,
      tpu.vector_store %arg7[%swap3A_96, %swap3A_97], %gather3A_92 {strides = array<i32>} : memref<6x2048xf32, #tpu.memory_space<vmem>>, vector<16xf32>,
    }
    %scan3A_25 = arith.constant 128 : i32
    "tpu.region"() ({
      %run_scoped3A = tpu.sem_alloc : memref<!tpu.dma_semaphore, #tpu.memory_space<semaphore_mem>>
      %dma_start3A = arith.constant 0 : i32
      %dma_start3A_34 = tpu.memref_slice %arg4[%dma_start3A, %add3A_19] : memref<6x262144xf32, #tpu.memory_space<hbm>> -> memref<6x2048xf32, #tpu.memory_space<hbm>>
      %dma_start3A_35 = arith.constant 0 : i32
      %dma_start3A_36 = tpu.memref_slice %arg4[%dma_start3A_35, %add3A_19] : memref<6x262144xf32, #tpu.memory_space<hbm>> -> memref<6x2048xf32, #tpu.memory_space<hbm>>
      tpu.enqueue_dma source(%arg7 : memref<6x2048xf32, #tpu.memory_space<vmem>>) target(%dma_start3A_36 : memref<6x2048xf32, #tpu.memory_space<hbm>>) target_semaphore(%run_scoped3A : memref<!tpu.dma_semaphore, #tpu.memory_space<semaphore_mem>>)
      %dma_wait3A = arith.constant 0 : i32
      %dma_wait3A_37 = tpu.memref_slice %arg4[%dma_wait3A, %add3A_19] : memref<6x262144xf32, #tpu.memory_space<hbm>> -> memref<6x2048xf32, #tpu.memory_space<hbm>>
      %dma_wait3A_38 = arith.constant 0 : i32
      %dma_wait3A_39 = tpu.memref_slice %arg4[%dma_wait3A_38, %add3A_19] : memref<6x262144xf32, #tpu.memory_space<hbm>> -> memref<6x2048xf32, #tpu.memory_space<hbm>>
      tpu.wait_dma2 semaphore(%run_scoped3A : memref<!tpu.dma_semaphore, #tpu.memory_space<semaphore_mem>>) src(%arg7 : memref<6x2048xf32, #tpu.memory_space<vmem>>) dst(%dma_wait3A_39 : memref<6x2048xf32, #tpu.memory_space<hbm>>)
      tpu.yield
    }) : () -> ()
    %add3A_26 = arith.constant 6144 : i32
    %add3A_27 = arith.addi %mul3A_2, %add3A_26 : i32
    "tpu.region"() ({
      %run_scoped3A = tpu.sem_alloc : memref<!tpu.dma_semaphore, #tpu.memory_space<semaphore_mem>>
      %dma_start3A = tpu.memref_slice %arg3[%add3A_27] : memref<262144xi32, #tpu.memory_space<hbm>> -> memref<2048xi32, #tpu.memory_space<hbm>>
      %dma_start3A_34 = tpu.memref_slice %arg3[%add3A_27] : memref<262144xi32, #tpu.memory_space<hbm>> -> memref<2048xi32, #tpu.memory_space<hbm>>
      tpu.enqueue_dma source(%dma_start3A_34 : memref<2048xi32, #tpu.memory_space<hbm>>) target(%arg6 : memref<2048xi32, #tpu.memory_space<vmem>>) target_semaphore(%run_scoped3A : memref<!tpu.dma_semaphore, #tpu.memory_space<semaphore_mem>>)
      %dma_wait3A = tpu.memref_slice %arg3[%add3A_27] : memref<262144xi32, #tpu.memory_space<hbm>> -> memref<2048xi32, #tpu.memory_space<hbm>>
      %dma_wait3A_35 = tpu.memref_slice %arg3[%add3A_27] : memref<262144xi32, #tpu.memory_space<hbm>> -> memref<2048xi32, #tpu.memory_space<hbm>>
      tpu.wait_dma2 semaphore(%run_scoped3A : memref<!tpu.dma_semaphore, #tpu.memory_space<semaphore_mem>>) src(%dma_wait3A_35 : memref<2048xi32, #tpu.memory_space<hbm>>) dst(%arg6 : memref<2048xi32, #tpu.memory_space<vmem>>)
      tpu.yield
    }) : () -> ()
    %scan3A_28 = arith.constant 0 : i32
    %scan3A_29 = arith.constant 0 : i32
    %scan3A_30 = arith.constant 128 : i32
    %scan3A_31 = arith.addi %scan3A_29, %scan3A_30 : i32
    %scan3A_32 = arith.constant 1 : i32
    scf.for %scan3A_34 = %scan3A_29 to %scan3A_31 step %scan3A_32  : i32 {
      %mul3A_35 = arith.constant 16 : i32
      %mul3A_36 = arith.muli %scan3A_34, %mul3A_35 : i32
      %get3A = arith.index_cast %mul3A_36 : i32 to index
      %get3A_37 = tpu.vector_load %arg6[%get3A] {strides = array<i32>} : memref<2048xi32, #tpu.memory_space<vmem>>, vector<16xi32>,
      %mul3A_38 = arith.constant 6 : i32
      %mul3A_39 = vector.broadcast %mul3A_38 : i32 to vector<16xi32>
      %mul3A_40 = arith.muli %get3A_37, %mul3A_39 : vector<16xi32>
      %add3A_41 = arith.constant 0 : i32
      %add3A_42 = vector.broadcast %add3A_41 : i32 to vector<16xi32>
      %add3A_43 = arith.addi %mul3A_40, %add3A_42 : vector<16xi32>
      %gather3A = tpu.vector_load_idx %arg5[%add3A_43] : memref<98304xf32, #tpu.memory_space<vmem>>[vector<16xi32>], vector<16xf32>,
      %mul3A_44 = arith.constant 16 : i32
      %mul3A_45 = arith.muli %scan3A_34, %mul3A_44 : i32
      %swap3A = arith.constant 0 : i32
      %swap3A_46 = arith.index_cast %swap3A : i32 to index
      %swap3A_47 = arith.index_cast %mul3A_45 : i32 to index
      %swap3A_48 = tpu.vector_load %arg7[%swap3A_46, %swap3A_47] {strides = array<i32>} : memref<6x2048xf32, #tpu.memory_space<vmem>>, vector<16xf32>,
      tpu.vector_store %arg7[%swap3A_46, %swap3A_47], %gather3A {strides = array<i32>} : memref<6x2048xf32, #tpu.memory_space<vmem>>, vector<16xf32>,
      %add3A_49 = arith.constant 1 : i32
      %add3A_50 = vector.broadcast %add3A_49 : i32 to vector<16xi32>
      %add3A_51 = arith.addi %mul3A_40, %add3A_50 : vector<16xi32>
      %gather3A_52 = tpu.vector_load_idx %arg5[%add3A_51] : memref<98304xf32, #tpu.memory_space<vmem>>[vector<16xi32>], vector<16xf32>,
      %mul3A_53 = arith.constant 16 : i32
      %mul3A_54 = arith.muli %scan3A_34, %mul3A_53 : i32
      %swap3A_55 = arith.constant 1 : i32
      %swap3A_56 = arith.index_cast %swap3A_55 : i32 to index
      %swap3A_57 = arith.index_cast %mul3A_54 : i32 to index
      %swap3A_58 = tpu.vector_load %arg7[%swap3A_56, %swap3A_57] {strides = array<i32>} : memref<6x2048xf32, #tpu.memory_space<vmem>>, vector<16xf32>,
      tpu.vector_store %arg7[%swap3A_56, %swap3A_57], %gather3A_52 {strides = array<i32>} : memref<6x2048xf32, #tpu.memory_space<vmem>>, vector<16xf32>,
      %add3A_59 = arith.constant 2 : i32
      %add3A_60 = vector.broadcast %add3A_59 : i32 to vector<16xi32>
      %add3A_61 = arith.addi %mul3A_40, %add3A_60 : vector<16xi32>
      %gather3A_62 = tpu.vector_load_idx %arg5[%add3A_61] : memref<98304xf32, #tpu.memory_space<vmem>>[vector<16xi32>], vector<16xf32>,
      %mul3A_63 = arith.constant 16 : i32
      %mul3A_64 = arith.muli %scan3A_34, %mul3A_63 : i32
      %swap3A_65 = arith.constant 2 : i32
      %swap3A_66 = arith.index_cast %swap3A_65 : i32 to index
      %swap3A_67 = arith.index_cast %mul3A_64 : i32 to index
      %swap3A_68 = tpu.vector_load %arg7[%swap3A_66, %swap3A_67] {strides = array<i32>} : memref<6x2048xf32, #tpu.memory_space<vmem>>, vector<16xf32>,
      tpu.vector_store %arg7[%swap3A_66, %swap3A_67], %gather3A_62 {strides = array<i32>} : memref<6x2048xf32, #tpu.memory_space<vmem>>, vector<16xf32>,
      %add3A_69 = arith.constant 3 : i32
      %add3A_70 = vector.broadcast %add3A_69 : i32 to vector<16xi32>
      %add3A_71 = arith.addi %mul3A_40, %add3A_70 : vector<16xi32>
      %gather3A_72 = tpu.vector_load_idx %arg5[%add3A_71] : memref<98304xf32, #tpu.memory_space<vmem>>[vector<16xi32>], vector<16xf32>,
      %mul3A_73 = arith.constant 16 : i32
      %mul3A_74 = arith.muli %scan3A_34, %mul3A_73 : i32
      %swap3A_75 = arith.constant 3 : i32
      %swap3A_76 = arith.index_cast %swap3A_75 : i32 to index
      %swap3A_77 = arith.index_cast %mul3A_74 : i32 to index
      %swap3A_78 = tpu.vector_load %arg7[%swap3A_76, %swap3A_77] {strides = array<i32>} : memref<6x2048xf32, #tpu.memory_space<vmem>>, vector<16xf32>,
      tpu.vector_store %arg7[%swap3A_76, %swap3A_77], %gather3A_72 {strides = array<i32>} : memref<6x2048xf32, #tpu.memory_space<vmem>>, vector<16xf32>,
      %add3A_79 = arith.constant 4 : i32
      %add3A_80 = vector.broadcast %add3A_79 : i32 to vector<16xi32>
      %add3A_81 = arith.addi %mul3A_40, %add3A_80 : vector<16xi32>
      %gather3A_82 = tpu.vector_load_idx %arg5[%add3A_81] : memref<98304xf32, #tpu.memory_space<vmem>>[vector<16xi32>], vector<16xf32>,
      %mul3A_83 = arith.constant 16 : i32
      %mul3A_84 = arith.muli %scan3A_34, %mul3A_83 : i32
      %swap3A_85 = arith.constant 4 : i32
      %swap3A_86 = arith.index_cast %swap3A_85 : i32 to index
      %swap3A_87 = arith.index_cast %mul3A_84 : i32 to index
      %swap3A_88 = tpu.vector_load %arg7[%swap3A_86, %swap3A_87] {strides = array<i32>} : memref<6x2048xf32, #tpu.memory_space<vmem>>, vector<16xf32>,
      tpu.vector_store %arg7[%swap3A_86, %swap3A_87], %gather3A_82 {strides = array<i32>} : memref<6x2048xf32, #tpu.memory_space<vmem>>, vector<16xf32>,
      %add3A_89 = arith.constant 5 : i32
      %add3A_90 = vector.broadcast %add3A_89 : i32 to vector<16xi32>
      %add3A_91 = arith.addi %mul3A_40, %add3A_90 : vector<16xi32>
      %gather3A_92 = tpu.vector_load_idx %arg5[%add3A_91] : memref<98304xf32, #tpu.memory_space<vmem>>[vector<16xi32>], vector<16xf32>,
      %mul3A_93 = arith.constant 16 : i32
      %mul3A_94 = arith.muli %scan3A_34, %mul3A_93 : i32
      %swap3A_95 = arith.constant 5 : i32
      %swap3A_96 = arith.index_cast %swap3A_95 : i32 to index
      %swap3A_97 = arith.index_cast %mul3A_94 : i32 to index
      %swap3A_98 = tpu.vector_load %arg7[%swap3A_96, %swap3A_97] {strides = array<i32>} : memref<6x2048xf32, #tpu.memory_space<vmem>>, vector<16xf32>,
      tpu.vector_store %arg7[%swap3A_96, %swap3A_97], %gather3A_92 {strides = array<i32>} : memref<6x2048xf32, #tpu.memory_space<vmem>>, vector<16xf32>,
    }
    %scan3A_33 = arith.constant 128 : i32
    "tpu.region"() ({
      %run_scoped3A = tpu.sem_alloc : memref<!tpu.dma_semaphore, #tpu.memory_space<semaphore_mem>>
      %dma_start3A = arith.constant 0 : i32
      %dma_start3A_34 = tpu.memref_slice %arg4[%dma_start3A, %add3A_27] : memref<6x262144xf32, #tpu.memory_space<hbm>> -> memref<6x2048xf32, #tpu.memory_space<hbm>>
      %dma_start3A_35 = arith.constant 0 : i32
      %dma_start3A_36 = tpu.memref_slice %arg4[%dma_start3A_35, %add3A_27] : memref<6x262144xf32, #tpu.memory_space<hbm>> -> memref<6x2048xf32, #tpu.memory_space<hbm>>
      tpu.enqueue_dma source(%arg7 : memref<6x2048xf32, #tpu.memory_space<vmem>>) target(%dma_start3A_36 : memref<6x2048xf32, #tpu.memory_space<hbm>>) target_semaphore(%run_scoped3A : memref<!tpu.dma_semaphore, #tpu.memory_space<semaphore_mem>>)
      %dma_wait3A = arith.constant 0 : i32
      %dma_wait3A_37 = tpu.memref_slice %arg4[%dma_wait3A, %add3A_27] : memref<6x262144xf32, #tpu.memory_space<hbm>> -> memref<6x2048xf32, #tpu.memory_space<hbm>>
      %dma_wait3A_38 = arith.constant 0 : i32
      %dma_wait3A_39 = tpu.memref_slice %arg4[%dma_wait3A_38, %add3A_27] : memref<6x262144xf32, #tpu.memory_space<hbm>> -> memref<6x2048xf32, #tpu.memory_space<hbm>>
      tpu.wait_dma2 semaphore(%run_scoped3A : memref<!tpu.dma_semaphore, #tpu.memory_space<semaphore_mem>>) src(%arg7 : memref<6x2048xf32, #tpu.memory_space<vmem>>) dst(%dma_wait3A_39 : memref<6x2048xf32, #tpu.memory_space<hbm>>)
      tpu.yield
    }) : () -> ()
    return
  }
}

#map = affine_map<(d0, d1) -> (0, 0)>
#map1 = affine_map<(d0, d1) -> (0)>
module attributes {stable_mosaic.version = 14 : i64} {
  func.func @k(%arg0: i32, %arg1: i32, %arg2: memref<4096x128xf32, #tpu.memory_space<hbm>>, %arg3: memref<65536xi32, #tpu.memory_space<hbm>>, %arg4: memref<65536x128xf32, #tpu.memory_space<hbm>>, %arg5: memref<512xi32, #tpu.memory_space<vmem>>, %arg6: memref<512x128xf32, #tpu.memory_space<vmem>>, %arg7: memref<!tpu.dma_semaphore, #tpu.memory_space<semaphore_mem>>) attributes {dimension_semantics = [#tpu.dimension_semantics<core_parallel>, #tpu.dimension_semantics<subcore_parallel>], iteration_bounds = array<i64: 2, 16>, scalar_prefetch = 0 : i64, scratch_operands = 3 : i64, tpu.core_type = #tpu.core_type<sc_vector_subcore>, window_params = [{transform_indices = #map}, {transform_indices = #map1}, {transform_indices = #map}]} {
    %mul3A = arith.constant 2 : i32
    %mul3A_0 = arith.muli %arg1, %mul3A : i32
    %add3A = arith.addi %mul3A_0, %arg0 : i32
    %mul3A_1 = arith.constant 2048 : i32
    %mul3A_2 = arith.muli %add3A, %mul3A_1 : i32
    %add3A_3 = arith.constant 0 : i32
    %add3A_4 = arith.addi %mul3A_2, %add3A_3 : i32
    "tpu.region"() ({
      %run_scoped3A = tpu.sem_alloc : memref<!tpu.dma_semaphore, #tpu.memory_space<semaphore_mem>>
      %dma_start3A_33 = tpu.memref_slice %arg3[%add3A_4] : memref<65536xi32, #tpu.memory_space<hbm>> -> memref<512xi32, #tpu.memory_space<hbm>>
      %dma_start3A_34 = tpu.memref_slice %arg3[%add3A_4] : memref<65536xi32, #tpu.memory_space<hbm>> -> memref<512xi32, #tpu.memory_space<hbm>>
      tpu.enqueue_dma source(%dma_start3A_34 : memref<512xi32, #tpu.memory_space<hbm>>) target(%arg5 : memref<512xi32, #tpu.memory_space<vmem>>) target_semaphore(%run_scoped3A : memref<!tpu.dma_semaphore, #tpu.memory_space<semaphore_mem>>)
      %dma_wait3A_35 = tpu.memref_slice %arg3[%add3A_4] : memref<65536xi32, #tpu.memory_space<hbm>> -> memref<512xi32, #tpu.memory_space<hbm>>
      %dma_wait3A_36 = tpu.memref_slice %arg3[%add3A_4] : memref<65536xi32, #tpu.memory_space<hbm>> -> memref<512xi32, #tpu.memory_space<hbm>>
      tpu.wait_dma2 semaphore(%run_scoped3A : memref<!tpu.dma_semaphore, #tpu.memory_space<semaphore_mem>>) src(%dma_wait3A_36 : memref<512xi32, #tpu.memory_space<hbm>>) dst(%arg5 : memref<512xi32, #tpu.memory_space<vmem>>)
      tpu.yield
    }) : () -> ()
    %dma_start3A = arith.constant 0 : i32
    %dma_start3A_5 = arith.constant 0 : i32
    %dma_start3A_6 = tpu.memref_slice %arg2[%dma_start3A, %dma_start3A_5] : memref<4096x128xf32, #tpu.memory_space<hbm>> -> memref<4096x128xf32, #tpu.memory_space<hbm>>
    tpu.enqueue_indirect_dma source(%dma_start3A_6 : memref<4096x128xf32, #tpu.memory_space<hbm>>) target(%arg6 : memref<512x128xf32, #tpu.memory_space<vmem>>) offsets(%arg5 : memref<512xi32, #tpu.memory_space<vmem>>) semaphore(%arg7 : memref<!tpu.dma_semaphore, #tpu.memory_space<semaphore_mem>>)
    %dma_wait3A = arith.constant 0 : i32
    %dma_wait3A_7 = arith.constant 0 : i32
    %dma_wait3A_8 = tpu.memref_slice %arg2[%dma_wait3A, %dma_wait3A_7] : memref<4096x128xf32, #tpu.memory_space<hbm>> -> memref<4096x128xf32, #tpu.memory_space<hbm>>
    tpu.wait_indirect_dma semaphore(%arg7 : memref<!tpu.dma_semaphore, #tpu.memory_space<semaphore_mem>>) src(%dma_wait3A_8 : memref<4096x128xf32, #tpu.memory_space<hbm>>) dst(%arg6 : memref<512x128xf32, #tpu.memory_space<vmem>>)
    "tpu.region"() ({
      %run_scoped3A = tpu.sem_alloc : memref<!tpu.dma_semaphore, #tpu.memory_space<semaphore_mem>>
      %dma_start3A_33 = arith.constant 0 : i32
      %dma_start3A_34 = tpu.memref_slice %arg4[%add3A_4, %dma_start3A_33] : memref<65536x128xf32, #tpu.memory_space<hbm>> -> memref<512x128xf32, #tpu.memory_space<hbm>>
      %dma_start3A_35 = arith.constant 0 : i32
      %dma_start3A_36 = tpu.memref_slice %arg4[%add3A_4, %dma_start3A_35] : memref<65536x128xf32, #tpu.memory_space<hbm>> -> memref<512x128xf32, #tpu.memory_space<hbm>>
      tpu.enqueue_dma source(%arg6 : memref<512x128xf32, #tpu.memory_space<vmem>>) target(%dma_start3A_36 : memref<512x128xf32, #tpu.memory_space<hbm>>) target_semaphore(%run_scoped3A : memref<!tpu.dma_semaphore, #tpu.memory_space<semaphore_mem>>)
      %dma_wait3A_37 = arith.constant 0 : i32
      %dma_wait3A_38 = tpu.memref_slice %arg4[%add3A_4, %dma_wait3A_37] : memref<65536x128xf32, #tpu.memory_space<hbm>> -> memref<512x128xf32, #tpu.memory_space<hbm>>
      %dma_wait3A_39 = arith.constant 0 : i32
      %dma_wait3A_40 = tpu.memref_slice %arg4[%add3A_4, %dma_wait3A_39] : memref<65536x128xf32, #tpu.memory_space<hbm>> -> memref<512x128xf32, #tpu.memory_space<hbm>>
      tpu.wait_dma2 semaphore(%run_scoped3A : memref<!tpu.dma_semaphore, #tpu.memory_space<semaphore_mem>>) src(%arg6 : memref<512x128xf32, #tpu.memory_space<vmem>>) dst(%dma_wait3A_40 : memref<512x128xf32, #tpu.memory_space<hbm>>)
      tpu.yield
    }) : () -> ()
    %add3A_9 = arith.constant 512 : i32
    %add3A_10 = arith.addi %mul3A_2, %add3A_9 : i32
    "tpu.region"() ({
      %run_scoped3A = tpu.sem_alloc : memref<!tpu.dma_semaphore, #tpu.memory_space<semaphore_mem>>
      %dma_start3A_33 = tpu.memref_slice %arg3[%add3A_10] : memref<65536xi32, #tpu.memory_space<hbm>> -> memref<512xi32, #tpu.memory_space<hbm>>
      %dma_start3A_34 = tpu.memref_slice %arg3[%add3A_10] : memref<65536xi32, #tpu.memory_space<hbm>> -> memref<512xi32, #tpu.memory_space<hbm>>
      tpu.enqueue_dma source(%dma_start3A_34 : memref<512xi32, #tpu.memory_space<hbm>>) target(%arg5 : memref<512xi32, #tpu.memory_space<vmem>>) target_semaphore(%run_scoped3A : memref<!tpu.dma_semaphore, #tpu.memory_space<semaphore_mem>>)
      %dma_wait3A_35 = tpu.memref_slice %arg3[%add3A_10] : memref<65536xi32, #tpu.memory_space<hbm>> -> memref<512xi32, #tpu.memory_space<hbm>>
      %dma_wait3A_36 = tpu.memref_slice %arg3[%add3A_10] : memref<65536xi32, #tpu.memory_space<hbm>> -> memref<512xi32, #tpu.memory_space<hbm>>
      tpu.wait_dma2 semaphore(%run_scoped3A : memref<!tpu.dma_semaphore, #tpu.memory_space<semaphore_mem>>) src(%dma_wait3A_36 : memref<512xi32, #tpu.memory_space<hbm>>) dst(%arg5 : memref<512xi32, #tpu.memory_space<vmem>>)
      tpu.yield
    }) : () -> ()
    %dma_start3A_11 = arith.constant 0 : i32
    %dma_start3A_12 = arith.constant 0 : i32
    %dma_start3A_13 = tpu.memref_slice %arg2[%dma_start3A_11, %dma_start3A_12] : memref<4096x128xf32, #tpu.memory_space<hbm>> -> memref<4096x128xf32, #tpu.memory_space<hbm>>
    tpu.enqueue_indirect_dma source(%dma_start3A_13 : memref<4096x128xf32, #tpu.memory_space<hbm>>) target(%arg6 : memref<512x128xf32, #tpu.memory_space<vmem>>) offsets(%arg5 : memref<512xi32, #tpu.memory_space<vmem>>) semaphore(%arg7 : memref<!tpu.dma_semaphore, #tpu.memory_space<semaphore_mem>>)
    %dma_wait3A_14 = arith.constant 0 : i32
    %dma_wait3A_15 = arith.constant 0 : i32
    %dma_wait3A_16 = tpu.memref_slice %arg2[%dma_wait3A_14, %dma_wait3A_15] : memref<4096x128xf32, #tpu.memory_space<hbm>> -> memref<4096x128xf32, #tpu.memory_space<hbm>>
    tpu.wait_indirect_dma semaphore(%arg7 : memref<!tpu.dma_semaphore, #tpu.memory_space<semaphore_mem>>) src(%dma_wait3A_16 : memref<4096x128xf32, #tpu.memory_space<hbm>>) dst(%arg6 : memref<512x128xf32, #tpu.memory_space<vmem>>)
    "tpu.region"() ({
      %run_scoped3A = tpu.sem_alloc : memref<!tpu.dma_semaphore, #tpu.memory_space<semaphore_mem>>
      %dma_start3A_33 = arith.constant 0 : i32
      %dma_start3A_34 = tpu.memref_slice %arg4[%add3A_10, %dma_start3A_33] : memref<65536x128xf32, #tpu.memory_space<hbm>> -> memref<512x128xf32, #tpu.memory_space<hbm>>
      %dma_start3A_35 = arith.constant 0 : i32
      %dma_start3A_36 = tpu.memref_slice %arg4[%add3A_10, %dma_start3A_35] : memref<65536x128xf32, #tpu.memory_space<hbm>> -> memref<512x128xf32, #tpu.memory_space<hbm>>
      tpu.enqueue_dma source(%arg6 : memref<512x128xf32, #tpu.memory_space<vmem>>) target(%dma_start3A_36 : memref<512x128xf32, #tpu.memory_space<hbm>>) target_semaphore(%run_scoped3A : memref<!tpu.dma_semaphore, #tpu.memory_space<semaphore_mem>>)
      %dma_wait3A_37 = arith.constant 0 : i32
      %dma_wait3A_38 = tpu.memref_slice %arg4[%add3A_10, %dma_wait3A_37] : memref<65536x128xf32, #tpu.memory_space<hbm>> -> memref<512x128xf32, #tpu.memory_space<hbm>>
      %dma_wait3A_39 = arith.constant 0 : i32
      %dma_wait3A_40 = tpu.memref_slice %arg4[%add3A_10, %dma_wait3A_39] : memref<65536x128xf32, #tpu.memory_space<hbm>> -> memref<512x128xf32, #tpu.memory_space<hbm>>
      tpu.wait_dma2 semaphore(%run_scoped3A : memref<!tpu.dma_semaphore, #tpu.memory_space<semaphore_mem>>) src(%arg6 : memref<512x128xf32, #tpu.memory_space<vmem>>) dst(%dma_wait3A_40 : memref<512x128xf32, #tpu.memory_space<hbm>>)
      tpu.yield
    }) : () -> ()
    %add3A_17 = arith.constant 1024 : i32
    %add3A_18 = arith.addi %mul3A_2, %add3A_17 : i32
    "tpu.region"() ({
      %run_scoped3A = tpu.sem_alloc : memref<!tpu.dma_semaphore, #tpu.memory_space<semaphore_mem>>
      %dma_start3A_33 = tpu.memref_slice %arg3[%add3A_18] : memref<65536xi32, #tpu.memory_space<hbm>> -> memref<512xi32, #tpu.memory_space<hbm>>
      %dma_start3A_34 = tpu.memref_slice %arg3[%add3A_18] : memref<65536xi32, #tpu.memory_space<hbm>> -> memref<512xi32, #tpu.memory_space<hbm>>
      tpu.enqueue_dma source(%dma_start3A_34 : memref<512xi32, #tpu.memory_space<hbm>>) target(%arg5 : memref<512xi32, #tpu.memory_space<vmem>>) target_semaphore(%run_scoped3A : memref<!tpu.dma_semaphore, #tpu.memory_space<semaphore_mem>>)
      %dma_wait3A_35 = tpu.memref_slice %arg3[%add3A_18] : memref<65536xi32, #tpu.memory_space<hbm>> -> memref<512xi32, #tpu.memory_space<hbm>>
      %dma_wait3A_36 = tpu.memref_slice %arg3[%add3A_18] : memref<65536xi32, #tpu.memory_space<hbm>> -> memref<512xi32, #tpu.memory_space<hbm>>
      tpu.wait_dma2 semaphore(%run_scoped3A : memref<!tpu.dma_semaphore, #tpu.memory_space<semaphore_mem>>) src(%dma_wait3A_36 : memref<512xi32, #tpu.memory_space<hbm>>) dst(%arg5 : memref<512xi32, #tpu.memory_space<vmem>>)
      tpu.yield
    }) : () -> ()
    %dma_start3A_19 = arith.constant 0 : i32
    %dma_start3A_20 = arith.constant 0 : i32
    %dma_start3A_21 = tpu.memref_slice %arg2[%dma_start3A_19, %dma_start3A_20] : memref<4096x128xf32, #tpu.memory_space<hbm>> -> memref<4096x128xf32, #tpu.memory_space<hbm>>
    tpu.enqueue_indirect_dma source(%dma_start3A_21 : memref<4096x128xf32, #tpu.memory_space<hbm>>) target(%arg6 : memref<512x128xf32, #tpu.memory_space<vmem>>) offsets(%arg5 : memref<512xi32, #tpu.memory_space<vmem>>) semaphore(%arg7 : memref<!tpu.dma_semaphore, #tpu.memory_space<semaphore_mem>>)
    %dma_wait3A_22 = arith.constant 0 : i32
    %dma_wait3A_23 = arith.constant 0 : i32
    %dma_wait3A_24 = tpu.memref_slice %arg2[%dma_wait3A_22, %dma_wait3A_23] : memref<4096x128xf32, #tpu.memory_space<hbm>> -> memref<4096x128xf32, #tpu.memory_space<hbm>>
    tpu.wait_indirect_dma semaphore(%arg7 : memref<!tpu.dma_semaphore, #tpu.memory_space<semaphore_mem>>) src(%dma_wait3A_24 : memref<4096x128xf32, #tpu.memory_space<hbm>>) dst(%arg6 : memref<512x128xf32, #tpu.memory_space<vmem>>)
    "tpu.region"() ({
      %run_scoped3A = tpu.sem_alloc : memref<!tpu.dma_semaphore, #tpu.memory_space<semaphore_mem>>
      %dma_start3A_33 = arith.constant 0 : i32
      %dma_start3A_34 = tpu.memref_slice %arg4[%add3A_18, %dma_start3A_33] : memref<65536x128xf32, #tpu.memory_space<hbm>> -> memref<512x128xf32, #tpu.memory_space<hbm>>
      %dma_start3A_35 = arith.constant 0 : i32
      %dma_start3A_36 = tpu.memref_slice %arg4[%add3A_18, %dma_start3A_35] : memref<65536x128xf32, #tpu.memory_space<hbm>> -> memref<512x128xf32, #tpu.memory_space<hbm>>
      tpu.enqueue_dma source(%arg6 : memref<512x128xf32, #tpu.memory_space<vmem>>) target(%dma_start3A_36 : memref<512x128xf32, #tpu.memory_space<hbm>>) target_semaphore(%run_scoped3A : memref<!tpu.dma_semaphore, #tpu.memory_space<semaphore_mem>>)
      %dma_wait3A_37 = arith.constant 0 : i32
      %dma_wait3A_38 = tpu.memref_slice %arg4[%add3A_18, %dma_wait3A_37] : memref<65536x128xf32, #tpu.memory_space<hbm>> -> memref<512x128xf32, #tpu.memory_space<hbm>>
      %dma_wait3A_39 = arith.constant 0 : i32
      %dma_wait3A_40 = tpu.memref_slice %arg4[%add3A_18, %dma_wait3A_39] : memref<65536x128xf32, #tpu.memory_space<hbm>> -> memref<512x128xf32, #tpu.memory_space<hbm>>
      tpu.wait_dma2 semaphore(%run_scoped3A : memref<!tpu.dma_semaphore, #tpu.memory_space<semaphore_mem>>) src(%arg6 : memref<512x128xf32, #tpu.memory_space<vmem>>) dst(%dma_wait3A_40 : memref<512x128xf32, #tpu.memory_space<hbm>>)
      tpu.yield
    }) : () -> ()
    %add3A_25 = arith.constant 1536 : i32
    %add3A_26 = arith.addi %mul3A_2, %add3A_25 : i32
    "tpu.region"() ({
      %run_scoped3A = tpu.sem_alloc : memref<!tpu.dma_semaphore, #tpu.memory_space<semaphore_mem>>
      %dma_start3A_33 = tpu.memref_slice %arg3[%add3A_26] : memref<65536xi32, #tpu.memory_space<hbm>> -> memref<512xi32, #tpu.memory_space<hbm>>
      %dma_start3A_34 = tpu.memref_slice %arg3[%add3A_26] : memref<65536xi32, #tpu.memory_space<hbm>> -> memref<512xi32, #tpu.memory_space<hbm>>
      tpu.enqueue_dma source(%dma_start3A_34 : memref<512xi32, #tpu.memory_space<hbm>>) target(%arg5 : memref<512xi32, #tpu.memory_space<vmem>>) target_semaphore(%run_scoped3A : memref<!tpu.dma_semaphore, #tpu.memory_space<semaphore_mem>>)
      %dma_wait3A_35 = tpu.memref_slice %arg3[%add3A_26] : memref<65536xi32, #tpu.memory_space<hbm>> -> memref<512xi32, #tpu.memory_space<hbm>>
      %dma_wait3A_36 = tpu.memref_slice %arg3[%add3A_26] : memref<65536xi32, #tpu.memory_space<hbm>> -> memref<512xi32, #tpu.memory_space<hbm>>
      tpu.wait_dma2 semaphore(%run_scoped3A : memref<!tpu.dma_semaphore, #tpu.memory_space<semaphore_mem>>) src(%dma_wait3A_36 : memref<512xi32, #tpu.memory_space<hbm>>) dst(%arg5 : memref<512xi32, #tpu.memory_space<vmem>>)
      tpu.yield
    }) : () -> ()
    %dma_start3A_27 = arith.constant 0 : i32
    %dma_start3A_28 = arith.constant 0 : i32
    %dma_start3A_29 = tpu.memref_slice %arg2[%dma_start3A_27, %dma_start3A_28] : memref<4096x128xf32, #tpu.memory_space<hbm>> -> memref<4096x128xf32, #tpu.memory_space<hbm>>
    tpu.enqueue_indirect_dma source(%dma_start3A_29 : memref<4096x128xf32, #tpu.memory_space<hbm>>) target(%arg6 : memref<512x128xf32, #tpu.memory_space<vmem>>) offsets(%arg5 : memref<512xi32, #tpu.memory_space<vmem>>) semaphore(%arg7 : memref<!tpu.dma_semaphore, #tpu.memory_space<semaphore_mem>>)
    %dma_wait3A_30 = arith.constant 0 : i32
    %dma_wait3A_31 = arith.constant 0 : i32
    %dma_wait3A_32 = tpu.memref_slice %arg2[%dma_wait3A_30, %dma_wait3A_31] : memref<4096x128xf32, #tpu.memory_space<hbm>> -> memref<4096x128xf32, #tpu.memory_space<hbm>>
    tpu.wait_indirect_dma semaphore(%arg7 : memref<!tpu.dma_semaphore, #tpu.memory_space<semaphore_mem>>) src(%dma_wait3A_32 : memref<4096x128xf32, #tpu.memory_space<hbm>>) dst(%arg6 : memref<512x128xf32, #tpu.memory_space<vmem>>)
    "tpu.region"() ({
      %run_scoped3A = tpu.sem_alloc : memref<!tpu.dma_semaphore, #tpu.memory_space<semaphore_mem>>
      %dma_start3A_33 = arith.constant 0 : i32
      %dma_start3A_34 = tpu.memref_slice %arg4[%add3A_26, %dma_start3A_33] : memref<65536x128xf32, #tpu.memory_space<hbm>> -> memref<512x128xf32, #tpu.memory_space<hbm>>
      %dma_start3A_35 = arith.constant 0 : i32
      %dma_start3A_36 = tpu.memref_slice %arg4[%add3A_26, %dma_start3A_35] : memref<65536x128xf32, #tpu.memory_space<hbm>> -> memref<512x128xf32, #tpu.memory_space<hbm>>
      tpu.enqueue_dma source(%arg6 : memref<512x128xf32, #tpu.memory_space<vmem>>) target(%dma_start3A_36 : memref<512x128xf32, #tpu.memory_space<hbm>>) target_semaphore(%run_scoped3A : memref<!tpu.dma_semaphore, #tpu.memory_space<semaphore_mem>>)
      %dma_wait3A_37 = arith.constant 0 : i32
      %dma_wait3A_38 = tpu.memref_slice %arg4[%add3A_26, %dma_wait3A_37] : memref<65536x128xf32, #tpu.memory_space<hbm>> -> memref<512x128xf32, #tpu.memory_space<hbm>>
      %dma_wait3A_39 = arith.constant 0 : i32
      %dma_wait3A_40 = tpu.memref_slice %arg4[%add3A_26, %dma_wait3A_39] : memref<65536x128xf32, #tpu.memory_space<hbm>> -> memref<512x128xf32, #tpu.memory_space<hbm>>
      tpu.wait_dma2 semaphore(%run_scoped3A : memref<!tpu.dma_semaphore, #tpu.memory_space<semaphore_mem>>) src(%arg6 : memref<512x128xf32, #tpu.memory_space<vmem>>) dst(%dma_wait3A_40 : memref<512x128xf32, #tpu.memory_space<hbm>>)
      tpu.yield
    }) : () -> ()
    return
  }
}

module attributes {stable_mosaic.version = 14 : i64} {
  func.func @body(%arg0: i32, %arg1: memref<8x3x8x256xf32, #tpu.memory_space<vmem>>, %arg2: memref<8x512xi32, #tpu.memory_space<vmem>>) attributes {dimension_semantics = [#tpu.dimension_semantics<arbitrary>], iteration_bounds = array<i64: 1>, scalar_prefetch = 0 : i64, scratch_operands = 0 : i64, tpu.core_type = #tpu.core_type<tc>, window_params = [{pipeline_mode = #tpu.pipeline_mode<synchronous>, transform_indices = @transform_0, window_bounds = array<i64: 8, 3, 8, 256>}, {pipeline_mode = #tpu.pipeline_mode<synchronous>, transform_indices = @transform_1, window_bounds = array<i64: 8, 512>}]} {
    %get3A = arith.constant 0 : index
    %get3A_0 = arith.constant 0 : index
    %get3A_1 = arith.constant 0 : index
    %get3A_2 = arith.constant 0 : index
    %get3A_3 = vector.load %arg1[%get3A, %get3A_0, %get3A_1, %get3A_2] : memref<8x3x8x256xf32, #tpu.memory_space<vmem>>, vector<8x3x8x256xf32>
    %iota3A = tpu.iota {dimensions = array<i32: 0>} : vector<8x256xi32>
    %mul3A = arith.constant 256 : i32
    %mul3A_4 = vector.broadcast %mul3A : i32 to vector<8x256xi32>
    %mul3A_5 = arith.muli %iota3A, %mul3A_4 : vector<8x256xi32>
    %iota3A_6 = tpu.iota {dimensions = array<i32: 1>} : vector<8x256xi32>
    %add3A = arith.addi %mul3A_5, %iota3A_6 : vector<8x256xi32>
    %iota3A_7 = tpu.iota {dimensions = array<i32: 1>} : vector<8x512xi32>
    %broadcast_in_dim3A = arith.constant 0 : i32
    %broadcast_in_dim3A_8 = vector.broadcast %broadcast_in_dim3A : i32 to vector<8xi32>
    %broadcast_in_dim3A_9 = arith.constant 0x7F800000 : f32
    %broadcast_in_dim3A_10 = vector.broadcast %broadcast_in_dim3A_9 : f32 to vector<8x8x256xf32>
    %broadcast_in_dim3A_11 = arith.constant 0 : i32
    %broadcast_in_dim3A_12 = vector.broadcast %broadcast_in_dim3A_11 : i32 to vector<8x512xi32>
    %scan3A = arith.constant 1 : i32
    %scan3A_13 = arith.constant 511 : i32
    %scan3A_14 = arith.addi %scan3A, %scan3A_13 : i32
    %scan3A_15 = arith.constant 1 : i32
    %scan3A_16:3 = scf.for %scan3A_20 = %scan3A to %scan3A_14 step %scan3A_15 iter_args(%scan3A_21 = %broadcast_in_dim3A_8, %scan3A_22 = %broadcast_in_dim3A_10, %scan3A_23 = %broadcast_in_dim3A_12) -> (vector<8xi32>, vector<8x8x256xf32>, vector<8x512xi32>)  : i32 {
      %broadcast_in_dim3A_24 = vector.shape_cast %add3A : vector<8x256xi32> to vector<1x8x256xi32>
      %broadcast_in_dim3A_25 = vector.shape_cast %scan3A_21 : vector<8xi32> to vector<8x1x1xi32>
      %eq3A = vector.broadcast %broadcast_in_dim3A_24 : vector<1x8x256xi32> to vector<8x8x256xi32>
      %eq3A_26 = vector.broadcast %broadcast_in_dim3A_25 : vector<8x1x1xi32> to vector<8x8x256xi32>
      %eq3A_27 = arith.cmpi eq, %eq3A, %eq3A_26 : vector<8x8x256xi32>
      %jit3A = arith.constant 1.000000e+00 : f32
      %jit3A_28 = arith.constant 0.000000e+00 : f32
      %broadcast_in_dim3A_29 = vector.broadcast %jit3A : f32 to vector<8x8x256xf32>
      %broadcast_in_dim3A_30 = vector.broadcast %jit3A_28 : f32 to vector<8x8x256xf32>
      %select_n3A = arith.select %eq3A_27, %broadcast_in_dim3A_29, %broadcast_in_dim3A_30 : vector<8x8x256xi1>, vector<8x8x256xf32>
      %broadcast_in_dim3A_31 = vector.shape_cast %select_n3A : vector<8x8x256xf32> to vector<8x1x8x256xf32>
      %mul3A_32 = vector.broadcast %broadcast_in_dim3A_31 : vector<8x1x8x256xf32> to vector<8x3x8x256xf32>
      %mul3A_33 = arith.mulf %get3A_3, %mul3A_32 : vector<8x3x8x256xf32>
      %reduce_sum3A = arith.constant dense<0.000000e+00> : vector<8x3xf32>
      %reduce_sum3A_34 = vector.multi_reduction <add>, %mul3A_33, %reduce_sum3A [2, 3] : vector<8x3x8x256xf32> to vector<8x3xf32>
      %broadcast_in_dim3A_35 = vector.shape_cast %reduce_sum3A_34 : vector<8x3xf32> to vector<8x3x1x1xf32>
      %sub3A = vector.broadcast %broadcast_in_dim3A_35 : vector<8x3x1x1xf32> to vector<8x3x8x256xf32>
      %sub3A_36 = arith.subf %get3A_3, %sub3A : vector<8x3x8x256xf32>
      %mul3A_37 = arith.mulf %sub3A_36, %sub3A_36 : vector<8x3x8x256xf32>
      %slice3A = vector.extract_strided_slice %mul3A_37 {offsets = [0, 0, 0, 0], sizes = [8, 1, 8, 256], strides = [1, 1, 1, 1]} : vector<8x3x8x256xf32> to vector<8x1x8x256xf32>
      %squeeze3A = vector.shape_cast %slice3A : vector<8x1x8x256xf32> to vector<8x8x256xf32>
      %slice3A_38 = vector.extract_strided_slice %mul3A_37 {offsets = [0, 1, 0, 0], sizes = [8, 1, 8, 256], strides = [1, 1, 1, 1]} : vector<8x3x8x256xf32> to vector<8x1x8x256xf32>
      %squeeze3A_39 = vector.shape_cast %slice3A_38 : vector<8x1x8x256xf32> to vector<8x8x256xf32>
      %add3A_40 = arith.addf %squeeze3A, %squeeze3A_39 : vector<8x8x256xf32>
      %slice3A_41 = vector.extract_strided_slice %mul3A_37 {offsets = [0, 2, 0, 0], sizes = [8, 1, 8, 256], strides = [1, 1, 1, 1]} : vector<8x3x8x256xf32> to vector<8x1x8x256xf32>
      %squeeze3A_42 = vector.shape_cast %slice3A_41 : vector<8x1x8x256xf32> to vector<8x8x256xf32>
      %add3A_43 = arith.addf %add3A_40, %squeeze3A_42 : vector<8x8x256xf32>
      %min3A = arith.minimumf %scan3A_22, %add3A_43 : vector<8x8x256xf32>
      %reduce_max3A = arith.constant dense<0xFF800000> : vector<8xf32>
      %reduce_max3A_44 = vector.multi_reduction <maximumf>, %min3A, %reduce_max3A [1, 2] : vector<8x8x256xf32> to vector<8xf32>
      %broadcast_in_dim3A_45 = vector.shape_cast %reduce_max3A_44 : vector<8xf32> to vector<8x1x1xf32>
      %eq3A_46 = vector.broadcast %broadcast_in_dim3A_45 : vector<8x1x1xf32> to vector<8x8x256xf32>
      %eq3A_47 = arith.cmpf oeq, %min3A, %eq3A_46 : vector<8x8x256xf32>
      %broadcast_in_dim3A_48 = vector.shape_cast %add3A : vector<8x256xi32> to vector<1x8x256xi32>
      %jit3A_49 = arith.constant 2048 : i32
      %broadcast_in_dim3A_50 = vector.shape_cast %broadcast_in_dim3A_48 : vector<1x8x256xi32> to vector<1x8x256xi32>
      %broadcast_in_dim3A_51 = vector.broadcast %broadcast_in_dim3A_50 : vector<1x8x256xi32> to vector<8x8x256xi32>
      %broadcast_in_dim3A_52 = vector.broadcast %jit3A_49 : i32 to vector<8x8x256xi32>
      %select_n3A_53 = arith.select %eq3A_47, %broadcast_in_dim3A_51, %broadcast_in_dim3A_52 : vector<8x8x256xi1>, vector<8x8x256xi32>
      %reduce_min3A = arith.constant dense<2147483647> : vector<8xi32>
      %reduce_min3A_54 = vector.multi_reduction <minsi>, %select_n3A_53, %reduce_min3A [1, 2] : vector<8x8x256xi32> to vector<8xi32>
      %eq3A_55 = vector.broadcast %scan3A_20 : i32 to vector<8x512xi32>
      %eq3A_56 = arith.cmpi eq, %iota3A_7, %eq3A_55 : vector<8x512xi32>
      %broadcast_in_dim3A_57 = vector.shape_cast %reduce_min3A_54 : vector<8xi32> to vector<8x1xi32>
      %broadcast_in_dim3A_58 = vector.shape_cast %broadcast_in_dim3A_57 : vector<8x1xi32> to vector<8x1xi32>
      %broadcast_in_dim3A_59 = vector.broadcast %broadcast_in_dim3A_58 : vector<8x1xi32> to vector<8x512xi32>
      %select_n3A_60 = arith.select %eq3A_56, %broadcast_in_dim3A_59, %scan3A_23 : vector<8x512xi1>, vector<8x512xi32>
      scf.yield %reduce_min3A_54, %min3A, %select_n3A_60 : vector<8xi32>, vector<8x8x256xf32>, vector<8x512xi32>
    }
    %scan3A_17 = arith.constant 511 : i32
    %swap3A = arith.constant 0 : index
    %swap3A_18 = arith.constant 0 : index
    %swap3A_19 = vector.load %arg2[%swap3A, %swap3A_18] : memref<8x512xi32, #tpu.memory_space<vmem>>, vector<8x512xi32>
    tpu.vector_store %arg2[%swap3A, %swap3A_18], %scan3A_16#2 {strides = array<i32>} : memref<8x512xi32, #tpu.memory_space<vmem>>, vector<8x512xi32>,
    return
  }
  func.func @transform_0(%arg0: i32) -> (i32, i32, i32, i32) {
    %c0_i32 = arith.constant 0 : i32
    %c0_i32_0 = arith.constant 0 : i32
    %c0_i32_1 = arith.constant 0 : i32
    %c0_i32_2 = arith.constant 0 : i32
    %c0_i32_3 = arith.constant 0 : i32
    return %c0_i32, %c0_i32_0, %c0_i32_1, %c0_i32_2 : i32, i32, i32, i32
  }
  func.func @transform_1(%arg0: i32) -> (i32, i32) {
    %c0_i32 = arith.constant 0 : i32
    %c0_i32_0 = arith.constant 0 : i32
    %c0_i32_1 = arith.constant 0 : i32
    return %c0_i32, %c0_i32_0 : i32, i32
  }
}

module attributes {stable_mosaic.version = 14 : i64} {
  func.func @body(%arg0: i32, %arg1: memref<1x3x2048xf32, #tpu.memory_space<vmem>>, %arg2: memref<1x512x1xi32, #tpu.memory_space<vmem>>, %arg3: memref<1x512x64xi32, #tpu.memory_space<vmem>>, %arg4: memref<1x512x64xf32, #tpu.memory_space<vmem>>, %arg5: memref<1x512x3xf32, #tpu.memory_space<vmem>>) attributes {dimension_semantics = [#tpu.dimension_semantics<parallel>], iteration_bounds = array<i64: 8>, scalar_prefetch = 0 : i64, scratch_operands = 0 : i64, tpu.core_type = #tpu.core_type<tc>, window_params = [{transform_indices = @transform_0, window_bounds = array<i64: 1, 3, 2048>}, {transform_indices = @transform_1, window_bounds = array<i64: 1, 512, 1>}, {transform_indices = @transform_2, window_bounds = array<i64: 1, 512, 64>}, {transform_indices = @transform_3, window_bounds = array<i64: 1, 512, 64>}, {transform_indices = @transform_4, window_bounds = array<i64: 1, 512, 3>}]} {
    %get3A = arith.constant 0 : index
    %get3A_0 = arith.constant 0 : index
    %get3A_1 = arith.constant 0 : index
    %get3A_2 = vector.load %arg1[%get3A, %get3A_0, %get3A_1] : memref<1x3x2048xf32, #tpu.memory_space<vmem>>, vector<1x3x2048xf32>
    %get3A_3 = vector.shape_cast %get3A_2 : vector<1x3x2048xf32> to vector<3x2048xf32>
    %get3A_4 = arith.constant 0 : index
    %get3A_5 = arith.constant 0 : index
    %get3A_6 = arith.constant 0 : index
    %get3A_7 = vector.load %arg2[%get3A_4, %get3A_5, %get3A_6] : memref<1x512x1xi32, #tpu.memory_space<vmem>>, vector<1x512x1xi32>
    %get3A_8 = vector.shape_cast %get3A_7 : vector<1x512x1xi32> to vector<512x1xi32>
    %iota3A = tpu.iota {dimensions = array<i32: 1>} : vector<1x2048xi32>
    %eq3A = vector.broadcast %get3A_8 : vector<512x1xi32> to vector<512x2048xi32>
    %eq3A_9 = vector.broadcast %iota3A : vector<1x2048xi32> to vector<512x2048xi32>
    %eq3A_10 = arith.cmpi eq, %eq3A, %eq3A_9 : vector<512x2048xi32>
    %jit3A = arith.constant 1.000000e+00 : f32
    %jit3A_11 = arith.constant 0.000000e+00 : f32
    %broadcast_in_dim3A = vector.broadcast %jit3A : f32 to vector<512x2048xf32>
    %broadcast_in_dim3A_12 = vector.broadcast %jit3A_11 : f32 to vector<512x2048xf32>
    %select_n3A = arith.select %eq3A_10, %broadcast_in_dim3A, %broadcast_in_dim3A_12 : vector<512x2048xi1>, vector<512x2048xf32>
    %slice3A = vector.extract_strided_slice %get3A_3 {offsets = [0, 0], sizes = [1, 2048], strides = [1, 1]} : vector<3x2048xf32> to vector<1x2048xf32>
    %slice3A_13 = vector.extract_strided_slice %get3A_3 {offsets = [1, 0], sizes = [1, 2048], strides = [1, 1]} : vector<3x2048xf32> to vector<1x2048xf32>
    %slice3A_14 = vector.extract_strided_slice %get3A_3 {offsets = [2, 0], sizes = [1, 2048], strides = [1, 1]} : vector<3x2048xf32> to vector<1x2048xf32>
    %mul3A = vector.broadcast %slice3A : vector<1x2048xf32> to vector<512x2048xf32>
    %mul3A_15 = arith.mulf %select_n3A, %mul3A : vector<512x2048xf32>
    %reduce_sum3A = arith.constant dense<0.000000e+00> : vector<512xf32>
    %reduce_sum3A_16 = vector.multi_reduction <add>, %mul3A_15, %reduce_sum3A [1] : vector<512x2048xf32> to vector<512xf32>
    %broadcast_in_dim3A_17 = vector.shape_cast %reduce_sum3A_16 : vector<512xf32> to vector<512x1xf32>
    %mul3A_18 = vector.broadcast %slice3A_13 : vector<1x2048xf32> to vector<512x2048xf32>
    %mul3A_19 = arith.mulf %select_n3A, %mul3A_18 : vector<512x2048xf32>
    %reduce_sum3A_20 = arith.constant dense<0.000000e+00> : vector<512xf32>
    %reduce_sum3A_21 = vector.multi_reduction <add>, %mul3A_19, %reduce_sum3A_20 [1] : vector<512x2048xf32> to vector<512xf32>
    %broadcast_in_dim3A_22 = vector.shape_cast %reduce_sum3A_21 : vector<512xf32> to vector<512x1xf32>
    %mul3A_23 = vector.broadcast %slice3A_14 : vector<1x2048xf32> to vector<512x2048xf32>
    %mul3A_24 = arith.mulf %select_n3A, %mul3A_23 : vector<512x2048xf32>
    %reduce_sum3A_25 = arith.constant dense<0.000000e+00> : vector<512xf32>
    %reduce_sum3A_26 = vector.multi_reduction <add>, %mul3A_24, %reduce_sum3A_25 [1] : vector<512x2048xf32> to vector<512xf32>
    %broadcast_in_dim3A_27 = vector.shape_cast %reduce_sum3A_26 : vector<512xf32> to vector<512x1xf32>
    %sub3A = vector.broadcast %broadcast_in_dim3A_17 : vector<512x1xf32> to vector<512x2048xf32>
    %sub3A_28 = vector.broadcast %slice3A : vector<1x2048xf32> to vector<512x2048xf32>
    %sub3A_29 = arith.subf %sub3A, %sub3A_28 : vector<512x2048xf32>
    %sub3A_30 = vector.broadcast %broadcast_in_dim3A_22 : vector<512x1xf32> to vector<512x2048xf32>
    %sub3A_31 = vector.broadcast %slice3A_13 : vector<1x2048xf32> to vector<512x2048xf32>
    %sub3A_32 = arith.subf %sub3A_30, %sub3A_31 : vector<512x2048xf32>
    %sub3A_33 = vector.broadcast %broadcast_in_dim3A_27 : vector<512x1xf32> to vector<512x2048xf32>
    %sub3A_34 = vector.broadcast %slice3A_14 : vector<1x2048xf32> to vector<512x2048xf32>
    %sub3A_35 = arith.subf %sub3A_33, %sub3A_34 : vector<512x2048xf32>
    %mul3A_36 = arith.mulf %sub3A_29, %sub3A_29 : vector<512x2048xf32>
    %mul3A_37 = arith.mulf %sub3A_32, %sub3A_32 : vector<512x2048xf32>
    %add3A = arith.addf %mul3A_36, %mul3A_37 : vector<512x2048xf32>
    %mul3A_38 = arith.mulf %sub3A_35, %sub3A_35 : vector<512x2048xf32>
    %add3A_39 = arith.addf %add3A, %mul3A_38 : vector<512x2048xf32>
    %le3A = arith.constant 4.000000e-02 : f32
    %le3A_40 = vector.broadcast %le3A : f32 to vector<512x2048xf32>
    %le3A_41 = arith.cmpf ole, %add3A_39, %le3A_40 : vector<512x2048xf32>
    %neg3A = arith.constant 0.000000e+00 : f32
    %neg3A_42 = vector.broadcast %neg3A : f32 to vector<512x2048xf32>
    %neg3A_43 = arith.subf %neg3A_42, %add3A_39 : vector<512x2048xf32>
    %jit3A_44 = arith.constant 0xFF800000 : f32
    %broadcast_in_dim3A_45 = vector.broadcast %jit3A_44 : f32 to vector<512x2048xf32>
    %select_n3A_46 = arith.select %le3A_41, %neg3A_43, %broadcast_in_dim3A_45 : vector<512x2048xi1>, vector<512x2048xf32>
    %iota3A_47 = tpu.iota {dimensions = array<i32: 1>} : vector<512x2048xi32>
    %iota3A_48 = tpu.iota {dimensions = array<i32: 1>} : vector<512x64xi32>
    %broadcast_in_dim3A_49 = arith.constant 0 : i32
    %broadcast_in_dim3A_50 = vector.broadcast %broadcast_in_dim3A_49 : i32 to vector<512x64xi32>
    %broadcast_in_dim3A_51 = arith.constant 0.000000e+00 : f32
    %broadcast_in_dim3A_52 = vector.broadcast %broadcast_in_dim3A_51 : f32 to vector<512x64xf32>
    %scan3A = arith.constant 0 : i32
    %scan3A_53 = arith.constant 64 : i32
    %scan3A_54 = arith.addi %scan3A, %scan3A_53 : i32
    %scan3A_55 = arith.constant 1 : i32
    %scan3A_56:3 = scf.for %scan3A_72 = %scan3A to %scan3A_54 step %scan3A_55 iter_args(%scan3A_73 = %select_n3A_46, %scan3A_74 = %broadcast_in_dim3A_50, %scan3A_75 = %broadcast_in_dim3A_52) -> (vector<512x2048xf32>, vector<512x64xi32>, vector<512x64xf32>)  : i32 {
      %reduce_max3A = arith.constant dense<0xFF800000> : vector<512xf32>
      %reduce_max3A_76 = vector.multi_reduction <maximumf>, %scan3A_73, %reduce_max3A [1] : vector<512x2048xf32> to vector<512xf32>
      %broadcast_in_dim3A_77 = vector.shape_cast %reduce_max3A_76 : vector<512xf32> to vector<512x1xf32>
      %eq3A_78 = vector.broadcast %broadcast_in_dim3A_77 : vector<512x1xf32> to vector<512x2048xf32>
      %eq3A_79 = arith.cmpf oeq, %scan3A_73, %eq3A_78 : vector<512x2048xf32>
      %jit3A_80 = arith.constant 2048 : i32
      %broadcast_in_dim3A_81 = vector.broadcast %jit3A_80 : i32 to vector<512x2048xi32>
      %select_n3A_82 = arith.select %eq3A_79, %iota3A_47, %broadcast_in_dim3A_81 : vector<512x2048xi1>, vector<512x2048xi32>
      %reduce_min3A = arith.constant dense<2147483647> : vector<512xi32>
      %reduce_min3A_83 = vector.multi_reduction <minsi>, %select_n3A_82, %reduce_min3A [1] : vector<512x2048xi32> to vector<512xi32>
      %broadcast_in_dim3A_84 = vector.shape_cast %reduce_min3A_83 : vector<512xi32> to vector<512x1xi32>
      %gt3A = arith.constant 0xFF800000 : f32
      %gt3A_85 = vector.broadcast %gt3A : f32 to vector<512x1xf32>
      %gt3A_86 = arith.cmpf ogt, %broadcast_in_dim3A_77, %gt3A_85 : vector<512x1xf32>
      %jit3A_87 = arith.constant 1.000000e+00 : f32
      %jit3A_88 = arith.constant 0.000000e+00 : f32
      %broadcast_in_dim3A_89 = vector.broadcast %jit3A_87 : f32 to vector<512x1xf32>
      %broadcast_in_dim3A_90 = vector.broadcast %jit3A_88 : f32 to vector<512x1xf32>
      %select_n3A_91 = arith.select %gt3A_86, %broadcast_in_dim3A_89, %broadcast_in_dim3A_90 : vector<512x1xi1>, vector<512x1xf32>
      %eq3A_92 = vector.broadcast %broadcast_in_dim3A_84 : vector<512x1xi32> to vector<512x2048xi32>
      %eq3A_93 = arith.cmpi eq, %iota3A_47, %eq3A_92 : vector<512x2048xi32>
      %jit3A_94 = arith.constant 0xFF800000 : f32
      %broadcast_in_dim3A_95 = vector.broadcast %jit3A_94 : f32 to vector<512x2048xf32>
      %select_n3A_96 = arith.select %eq3A_93, %broadcast_in_dim3A_95, %scan3A_73 : vector<512x2048xi1>, vector<512x2048xf32>
      %eq3A_97 = vector.broadcast %scan3A_72 : i32 to vector<512x64xi32>
      %eq3A_98 = arith.cmpi eq, %iota3A_48, %eq3A_97 : vector<512x64xi32>
      %mul3A_99 = arith.constant 2048 : i32
      %mul3A_100 = arith.muli %arg0, %mul3A_99 : i32
      %add3A_101 = vector.broadcast %mul3A_100 : i32 to vector<512x1xi32>
      %add3A_102 = arith.addi %broadcast_in_dim3A_84, %add3A_101 : vector<512x1xi32>
      %broadcast_in_dim3A_103 = vector.shape_cast %add3A_102 : vector<512x1xi32> to vector<512x1xi32>
      %broadcast_in_dim3A_104 = vector.broadcast %broadcast_in_dim3A_103 : vector<512x1xi32> to vector<512x64xi32>
      %select_n3A_105 = arith.select %eq3A_98, %broadcast_in_dim3A_104, %scan3A_74 : vector<512x64xi1>, vector<512x64xi32>
      %eq3A_106 = vector.broadcast %scan3A_72 : i32 to vector<512x64xi32>
      %eq3A_107 = arith.cmpi eq, %iota3A_48, %eq3A_106 : vector<512x64xi32>
      %broadcast_in_dim3A_108 = vector.shape_cast %select_n3A_91 : vector<512x1xf32> to vector<512x1xf32>
      %broadcast_in_dim3A_109 = vector.broadcast %broadcast_in_dim3A_108 : vector<512x1xf32> to vector<512x64xf32>
      %select_n3A_110 = arith.select %eq3A_107, %broadcast_in_dim3A_109, %scan3A_75 : vector<512x64xi1>, vector<512x64xf32>
      scf.yield %select_n3A_96, %select_n3A_105, %select_n3A_110 : vector<512x2048xf32>, vector<512x64xi32>, vector<512x64xf32>
    }
    %scan3A_57 = arith.constant 64 : i32
    %broadcast_in_dim3A_58 = vector.shape_cast %scan3A_56#1 : vector<512x64xi32> to vector<1x512x64xi32>
    %swap3A = arith.constant 0 : index
    %swap3A_59 = arith.constant 0 : index
    %swap3A_60 = arith.constant 0 : index
    %swap3A_61 = vector.load %arg3[%swap3A, %swap3A_59, %swap3A_60] : memref<1x512x64xi32, #tpu.memory_space<vmem>>, vector<1x512x64xi32>
    tpu.vector_store %arg3[%swap3A, %swap3A_59, %swap3A_60], %broadcast_in_dim3A_58 {strides = array<i32>} : memref<1x512x64xi32, #tpu.memory_space<vmem>>, vector<1x512x64xi32>,
    %broadcast_in_dim3A_62 = vector.shape_cast %scan3A_56#2 : vector<512x64xf32> to vector<1x512x64xf32>
    %swap3A_63 = arith.constant 0 : index
    %swap3A_64 = arith.constant 0 : index
    %swap3A_65 = arith.constant 0 : index
    %swap3A_66 = vector.load %arg4[%swap3A_63, %swap3A_64, %swap3A_65] : memref<1x512x64xf32, #tpu.memory_space<vmem>>, vector<1x512x64xf32>
    tpu.vector_store %arg4[%swap3A_63, %swap3A_64, %swap3A_65], %broadcast_in_dim3A_62 {strides = array<i32>} : memref<1x512x64xf32, #tpu.memory_space<vmem>>, vector<1x512x64xf32>,
    %concatenate3A = tpu.concatenate %broadcast_in_dim3A_17, %broadcast_in_dim3A_22, %broadcast_in_dim3A_27 in 1 : vector<512x1xf32>, vector<512x1xf32>, vector<512x1xf32> -> vector<512x3xf32>
    %broadcast_in_dim3A_67 = vector.shape_cast %concatenate3A : vector<512x3xf32> to vector<1x512x3xf32>
    %swap3A_68 = arith.constant 0 : index
    %swap3A_69 = arith.constant 0 : index
    %swap3A_70 = arith.constant 0 : index
    %swap3A_71 = vector.load %arg5[%swap3A_68, %swap3A_69, %swap3A_70] : memref<1x512x3xf32, #tpu.memory_space<vmem>>, vector<1x512x3xf32>
    tpu.vector_store %arg5[%swap3A_68, %swap3A_69, %swap3A_70], %broadcast_in_dim3A_67 {strides = array<i32>} : memref<1x512x3xf32, #tpu.memory_space<vmem>>, vector<1x512x3xf32>,
    return
  }
  func.func @transform_0(%arg0: i32) -> (i32, i32, i32) {
    %c0_i32 = arith.constant 0 : i32
    %c0_i32_0 = arith.constant 0 : i32
    %c0_i32_1 = arith.constant 0 : i32
    return %arg0, %c0_i32, %c0_i32_0 : i32, i32, i32
  }
  func.func @transform_1(%arg0: i32) -> (i32, i32, i32) {
    %c0_i32 = arith.constant 0 : i32
    %c0_i32_0 = arith.constant 0 : i32
    %c0_i32_1 = arith.constant 0 : i32
    return %arg0, %c0_i32, %c0_i32_0 : i32, i32, i32
  }
  func.func @transform_2(%arg0: i32) -> (i32, i32, i32) {
    %c0_i32 = arith.constant 0 : i32
    %c0_i32_0 = arith.constant 0 : i32
    %c0_i32_1 = arith.constant 0 : i32
    return %arg0, %c0_i32, %c0_i32_0 : i32, i32, i32
  }
  func.func @transform_3(%arg0: i32) -> (i32, i32, i32) {
    %c0_i32 = arith.constant 0 : i32
    %c0_i32_0 = arith.constant 0 : i32
    %c0_i32_1 = arith.constant 0 : i32
    return %arg0, %c0_i32, %c0_i32_0 : i32, i32, i32
  }
  func.func @transform_4(%arg0: i32) -> (i32, i32, i32) {
    %c0_i32 = arith.constant 0 : i32
    %c0_i32_0 = arith.constant 0 : i32
    %c0_i32_1 = arith.constant 0 : i32
    return %arg0, %c0_i32, %c0_i32_0 : i32, i32, i32
  }
}

module attributes {stable_mosaic.version = 14 : i64} {
  func.func @body(%arg0: i32, %arg1: memref<8x3x2x256xf32, #tpu.memory_space<vmem>>, %arg2: memref<8x128xi32, #tpu.memory_space<vmem>>) attributes {dimension_semantics = [#tpu.dimension_semantics<arbitrary>], iteration_bounds = array<i64: 1>, scalar_prefetch = 0 : i64, scratch_operands = 0 : i64, tpu.core_type = #tpu.core_type<tc>, window_params = [{pipeline_mode = #tpu.pipeline_mode<synchronous>, transform_indices = @transform_0, window_bounds = array<i64: 8, 3, 2, 256>}, {pipeline_mode = #tpu.pipeline_mode<synchronous>, transform_indices = @transform_1, window_bounds = array<i64: 8, 128>}]} {
    %get3A = arith.constant 0 : index
    %get3A_0 = arith.constant 0 : index
    %get3A_1 = arith.constant 0 : index
    %get3A_2 = arith.constant 0 : index
    %get3A_3 = vector.load %arg1[%get3A, %get3A_0, %get3A_1, %get3A_2] : memref<8x3x2x256xf32, #tpu.memory_space<vmem>>, vector<8x3x2x256xf32>
    %iota3A = tpu.iota {dimensions = array<i32: 0>} : vector<2x256xi32>
    %mul3A = arith.constant 256 : i32
    %mul3A_4 = vector.broadcast %mul3A : i32 to vector<2x256xi32>
    %mul3A_5 = arith.muli %iota3A, %mul3A_4 : vector<2x256xi32>
    %iota3A_6 = tpu.iota {dimensions = array<i32: 1>} : vector<2x256xi32>
    %add3A = arith.addi %mul3A_5, %iota3A_6 : vector<2x256xi32>
    %iota3A_7 = tpu.iota {dimensions = array<i32: 1>} : vector<8x128xi32>
    %broadcast_in_dim3A = arith.constant 0 : i32
    %broadcast_in_dim3A_8 = vector.broadcast %broadcast_in_dim3A : i32 to vector<8xi32>
    %broadcast_in_dim3A_9 = arith.constant 0x7F800000 : f32
    %broadcast_in_dim3A_10 = vector.broadcast %broadcast_in_dim3A_9 : f32 to vector<8x2x256xf32>
    %broadcast_in_dim3A_11 = arith.constant 0 : i32
    %broadcast_in_dim3A_12 = vector.broadcast %broadcast_in_dim3A_11 : i32 to vector<8x128xi32>
    %scan3A = arith.constant 1 : i32
    %scan3A_13 = arith.constant 127 : i32
    %scan3A_14 = arith.addi %scan3A, %scan3A_13 : i32
    %scan3A_15 = arith.constant 1 : i32
    %scan3A_16:3 = scf.for %scan3A_20 = %scan3A to %scan3A_14 step %scan3A_15 iter_args(%scan3A_21 = %broadcast_in_dim3A_8, %scan3A_22 = %broadcast_in_dim3A_10, %scan3A_23 = %broadcast_in_dim3A_12) -> (vector<8xi32>, vector<8x2x256xf32>, vector<8x128xi32>)  : i32 {
      %broadcast_in_dim3A_24 = vector.shape_cast %add3A : vector<2x256xi32> to vector<1x2x256xi32>
      %broadcast_in_dim3A_25 = vector.shape_cast %scan3A_21 : vector<8xi32> to vector<8x1x1xi32>
      %eq3A = vector.broadcast %broadcast_in_dim3A_24 : vector<1x2x256xi32> to vector<8x2x256xi32>
      %eq3A_26 = vector.broadcast %broadcast_in_dim3A_25 : vector<8x1x1xi32> to vector<8x2x256xi32>
      %eq3A_27 = arith.cmpi eq, %eq3A, %eq3A_26 : vector<8x2x256xi32>
      %jit3A = arith.constant 1.000000e+00 : f32
      %jit3A_28 = arith.constant 0.000000e+00 : f32
      %broadcast_in_dim3A_29 = vector.broadcast %jit3A : f32 to vector<8x2x256xf32>
      %broadcast_in_dim3A_30 = vector.broadcast %jit3A_28 : f32 to vector<8x2x256xf32>
      %select_n3A = arith.select %eq3A_27, %broadcast_in_dim3A_29, %broadcast_in_dim3A_30 : vector<8x2x256xi1>, vector<8x2x256xf32>
      %broadcast_in_dim3A_31 = vector.shape_cast %select_n3A : vector<8x2x256xf32> to vector<8x1x2x256xf32>
      %mul3A_32 = vector.broadcast %broadcast_in_dim3A_31 : vector<8x1x2x256xf32> to vector<8x3x2x256xf32>
      %mul3A_33 = arith.mulf %get3A_3, %mul3A_32 : vector<8x3x2x256xf32>
      %reduce_sum3A = arith.constant dense<0.000000e+00> : vector<8x3xf32>
      %reduce_sum3A_34 = vector.multi_reduction <add>, %mul3A_33, %reduce_sum3A [2, 3] : vector<8x3x2x256xf32> to vector<8x3xf32>
      %broadcast_in_dim3A_35 = vector.shape_cast %reduce_sum3A_34 : vector<8x3xf32> to vector<8x3x1x1xf32>
      %sub3A = vector.broadcast %broadcast_in_dim3A_35 : vector<8x3x1x1xf32> to vector<8x3x2x256xf32>
      %sub3A_36 = arith.subf %get3A_3, %sub3A : vector<8x3x2x256xf32>
      %mul3A_37 = arith.mulf %sub3A_36, %sub3A_36 : vector<8x3x2x256xf32>
      %slice3A = vector.extract_strided_slice %mul3A_37 {offsets = [0, 0, 0, 0], sizes = [8, 1, 2, 256], strides = [1, 1, 1, 1]} : vector<8x3x2x256xf32> to vector<8x1x2x256xf32>
      %squeeze3A = vector.shape_cast %slice3A : vector<8x1x2x256xf32> to vector<8x2x256xf32>
      %slice3A_38 = vector.extract_strided_slice %mul3A_37 {offsets = [0, 1, 0, 0], sizes = [8, 1, 2, 256], strides = [1, 1, 1, 1]} : vector<8x3x2x256xf32> to vector<8x1x2x256xf32>
      %squeeze3A_39 = vector.shape_cast %slice3A_38 : vector<8x1x2x256xf32> to vector<8x2x256xf32>
      %add3A_40 = arith.addf %squeeze3A, %squeeze3A_39 : vector<8x2x256xf32>
      %slice3A_41 = vector.extract_strided_slice %mul3A_37 {offsets = [0, 2, 0, 0], sizes = [8, 1, 2, 256], strides = [1, 1, 1, 1]} : vector<8x3x2x256xf32> to vector<8x1x2x256xf32>
      %squeeze3A_42 = vector.shape_cast %slice3A_41 : vector<8x1x2x256xf32> to vector<8x2x256xf32>
      %add3A_43 = arith.addf %add3A_40, %squeeze3A_42 : vector<8x2x256xf32>
      %min3A = arith.minimumf %scan3A_22, %add3A_43 : vector<8x2x256xf32>
      %reduce_max3A = arith.constant dense<0xFF800000> : vector<8xf32>
      %reduce_max3A_44 = vector.multi_reduction <maximumf>, %min3A, %reduce_max3A [1, 2] : vector<8x2x256xf32> to vector<8xf32>
      %broadcast_in_dim3A_45 = vector.shape_cast %reduce_max3A_44 : vector<8xf32> to vector<8x1x1xf32>
      %eq3A_46 = vector.broadcast %broadcast_in_dim3A_45 : vector<8x1x1xf32> to vector<8x2x256xf32>
      %eq3A_47 = arith.cmpf oeq, %min3A, %eq3A_46 : vector<8x2x256xf32>
      %broadcast_in_dim3A_48 = vector.shape_cast %add3A : vector<2x256xi32> to vector<1x2x256xi32>
      %jit3A_49 = arith.constant 512 : i32
      %broadcast_in_dim3A_50 = vector.shape_cast %broadcast_in_dim3A_48 : vector<1x2x256xi32> to vector<1x2x256xi32>
      %broadcast_in_dim3A_51 = vector.broadcast %broadcast_in_dim3A_50 : vector<1x2x256xi32> to vector<8x2x256xi32>
      %broadcast_in_dim3A_52 = vector.broadcast %jit3A_49 : i32 to vector<8x2x256xi32>
      %select_n3A_53 = arith.select %eq3A_47, %broadcast_in_dim3A_51, %broadcast_in_dim3A_52 : vector<8x2x256xi1>, vector<8x2x256xi32>
      %reduce_min3A = arith.constant dense<2147483647> : vector<8xi32>
      %reduce_min3A_54 = vector.multi_reduction <minsi>, %select_n3A_53, %reduce_min3A [1, 2] : vector<8x2x256xi32> to vector<8xi32>
      %eq3A_55 = vector.broadcast %scan3A_20 : i32 to vector<8x128xi32>
      %eq3A_56 = arith.cmpi eq, %iota3A_7, %eq3A_55 : vector<8x128xi32>
      %broadcast_in_dim3A_57 = vector.shape_cast %reduce_min3A_54 : vector<8xi32> to vector<8x1xi32>
      %broadcast_in_dim3A_58 = vector.shape_cast %broadcast_in_dim3A_57 : vector<8x1xi32> to vector<8x1xi32>
      %broadcast_in_dim3A_59 = vector.broadcast %broadcast_in_dim3A_58 : vector<8x1xi32> to vector<8x128xi32>
      %select_n3A_60 = arith.select %eq3A_56, %broadcast_in_dim3A_59, %scan3A_23 : vector<8x128xi1>, vector<8x128xi32>
      scf.yield %reduce_min3A_54, %min3A, %select_n3A_60 : vector<8xi32>, vector<8x2x256xf32>, vector<8x128xi32>
    }
    %scan3A_17 = arith.constant 127 : i32
    %swap3A = arith.constant 0 : index
    %swap3A_18 = arith.constant 0 : index
    %swap3A_19 = vector.load %arg2[%swap3A, %swap3A_18] : memref<8x128xi32, #tpu.memory_space<vmem>>, vector<8x128xi32>
    tpu.vector_store %arg2[%swap3A, %swap3A_18], %scan3A_16#2 {strides = array<i32>} : memref<8x128xi32, #tpu.memory_space<vmem>>, vector<8x128xi32>,
    return
  }
  func.func @transform_0(%arg0: i32) -> (i32, i32, i32, i32) {
    %c0_i32 = arith.constant 0 : i32
    %c0_i32_0 = arith.constant 0 : i32
    %c0_i32_1 = arith.constant 0 : i32
    %c0_i32_2 = arith.constant 0 : i32
    %c0_i32_3 = arith.constant 0 : i32
    return %c0_i32, %c0_i32_0, %c0_i32_1, %c0_i32_2 : i32, i32, i32, i32
  }
  func.func @transform_1(%arg0: i32) -> (i32, i32) {
    %c0_i32 = arith.constant 0 : i32
    %c0_i32_0 = arith.constant 0 : i32
    %c0_i32_1 = arith.constant 0 : i32
    return %c0_i32, %c0_i32_0 : i32, i32
  }
}

module attributes {stable_mosaic.version = 14 : i64} {
  func.func @body(%arg0: i32, %arg1: memref<1x3x512xf32, #tpu.memory_space<vmem>>, %arg2: memref<1x128x1xi32, #tpu.memory_space<vmem>>, %arg3: memref<1x128x64xi32, #tpu.memory_space<vmem>>, %arg4: memref<1x128x64xf32, #tpu.memory_space<vmem>>, %arg5: memref<1x128x3xf32, #tpu.memory_space<vmem>>) attributes {dimension_semantics = [#tpu.dimension_semantics<parallel>], iteration_bounds = array<i64: 8>, scalar_prefetch = 0 : i64, scratch_operands = 0 : i64, tpu.core_type = #tpu.core_type<tc>, window_params = [{transform_indices = @transform_0, window_bounds = array<i64: 1, 3, 512>}, {transform_indices = @transform_1, window_bounds = array<i64: 1, 128, 1>}, {transform_indices = @transform_2, window_bounds = array<i64: 1, 128, 64>}, {transform_indices = @transform_3, window_bounds = array<i64: 1, 128, 64>}, {transform_indices = @transform_4, window_bounds = array<i64: 1, 128, 3>}]} {
    %get3A = arith.constant 0 : index
    %get3A_0 = arith.constant 0 : index
    %get3A_1 = arith.constant 0 : index
    %get3A_2 = vector.load %arg1[%get3A, %get3A_0, %get3A_1] : memref<1x3x512xf32, #tpu.memory_space<vmem>>, vector<1x3x512xf32>
    %get3A_3 = vector.shape_cast %get3A_2 : vector<1x3x512xf32> to vector<3x512xf32>
    %get3A_4 = arith.constant 0 : index
    %get3A_5 = arith.constant 0 : index
    %get3A_6 = arith.constant 0 : index
    %get3A_7 = vector.load %arg2[%get3A_4, %get3A_5, %get3A_6] : memref<1x128x1xi32, #tpu.memory_space<vmem>>, vector<1x128x1xi32>
    %get3A_8 = vector.shape_cast %get3A_7 : vector<1x128x1xi32> to vector<128x1xi32>
    %iota3A = tpu.iota {dimensions = array<i32: 1>} : vector<1x512xi32>
    %eq3A = vector.broadcast %get3A_8 : vector<128x1xi32> to vector<128x512xi32>
    %eq3A_9 = vector.broadcast %iota3A : vector<1x512xi32> to vector<128x512xi32>
    %eq3A_10 = arith.cmpi eq, %eq3A, %eq3A_9 : vector<128x512xi32>
    %jit3A = arith.constant 1.000000e+00 : f32
    %jit3A_11 = arith.constant 0.000000e+00 : f32
    %broadcast_in_dim3A = vector.broadcast %jit3A : f32 to vector<128x512xf32>
    %broadcast_in_dim3A_12 = vector.broadcast %jit3A_11 : f32 to vector<128x512xf32>
    %select_n3A = arith.select %eq3A_10, %broadcast_in_dim3A, %broadcast_in_dim3A_12 : vector<128x512xi1>, vector<128x512xf32>
    %slice3A = vector.extract_strided_slice %get3A_3 {offsets = [0, 0], sizes = [1, 512], strides = [1, 1]} : vector<3x512xf32> to vector<1x512xf32>
    %slice3A_13 = vector.extract_strided_slice %get3A_3 {offsets = [1, 0], sizes = [1, 512], strides = [1, 1]} : vector<3x512xf32> to vector<1x512xf32>
    %slice3A_14 = vector.extract_strided_slice %get3A_3 {offsets = [2, 0], sizes = [1, 512], strides = [1, 1]} : vector<3x512xf32> to vector<1x512xf32>
    %mul3A = vector.broadcast %slice3A : vector<1x512xf32> to vector<128x512xf32>
    %mul3A_15 = arith.mulf %select_n3A, %mul3A : vector<128x512xf32>
    %reduce_sum3A = arith.constant dense<0.000000e+00> : vector<128xf32>
    %reduce_sum3A_16 = vector.multi_reduction <add>, %mul3A_15, %reduce_sum3A [1] : vector<128x512xf32> to vector<128xf32>
    %broadcast_in_dim3A_17 = vector.shape_cast %reduce_sum3A_16 : vector<128xf32> to vector<128x1xf32>
    %mul3A_18 = vector.broadcast %slice3A_13 : vector<1x512xf32> to vector<128x512xf32>
    %mul3A_19 = arith.mulf %select_n3A, %mul3A_18 : vector<128x512xf32>
    %reduce_sum3A_20 = arith.constant dense<0.000000e+00> : vector<128xf32>
    %reduce_sum3A_21 = vector.multi_reduction <add>, %mul3A_19, %reduce_sum3A_20 [1] : vector<128x512xf32> to vector<128xf32>
    %broadcast_in_dim3A_22 = vector.shape_cast %reduce_sum3A_21 : vector<128xf32> to vector<128x1xf32>
    %mul3A_23 = vector.broadcast %slice3A_14 : vector<1x512xf32> to vector<128x512xf32>
    %mul3A_24 = arith.mulf %select_n3A, %mul3A_23 : vector<128x512xf32>
    %reduce_sum3A_25 = arith.constant dense<0.000000e+00> : vector<128xf32>
    %reduce_sum3A_26 = vector.multi_reduction <add>, %mul3A_24, %reduce_sum3A_25 [1] : vector<128x512xf32> to vector<128xf32>
    %broadcast_in_dim3A_27 = vector.shape_cast %reduce_sum3A_26 : vector<128xf32> to vector<128x1xf32>
    %sub3A = vector.broadcast %broadcast_in_dim3A_17 : vector<128x1xf32> to vector<128x512xf32>
    %sub3A_28 = vector.broadcast %slice3A : vector<1x512xf32> to vector<128x512xf32>
    %sub3A_29 = arith.subf %sub3A, %sub3A_28 : vector<128x512xf32>
    %sub3A_30 = vector.broadcast %broadcast_in_dim3A_22 : vector<128x1xf32> to vector<128x512xf32>
    %sub3A_31 = vector.broadcast %slice3A_13 : vector<1x512xf32> to vector<128x512xf32>
    %sub3A_32 = arith.subf %sub3A_30, %sub3A_31 : vector<128x512xf32>
    %sub3A_33 = vector.broadcast %broadcast_in_dim3A_27 : vector<128x1xf32> to vector<128x512xf32>
    %sub3A_34 = vector.broadcast %slice3A_14 : vector<1x512xf32> to vector<128x512xf32>
    %sub3A_35 = arith.subf %sub3A_33, %sub3A_34 : vector<128x512xf32>
    %mul3A_36 = arith.mulf %sub3A_29, %sub3A_29 : vector<128x512xf32>
    %mul3A_37 = arith.mulf %sub3A_32, %sub3A_32 : vector<128x512xf32>
    %add3A = arith.addf %mul3A_36, %mul3A_37 : vector<128x512xf32>
    %mul3A_38 = arith.mulf %sub3A_35, %sub3A_35 : vector<128x512xf32>
    %add3A_39 = arith.addf %add3A, %mul3A_38 : vector<128x512xf32>
    %le3A = arith.constant 1.600000e-01 : f32
    %le3A_40 = vector.broadcast %le3A : f32 to vector<128x512xf32>
    %le3A_41 = arith.cmpf ole, %add3A_39, %le3A_40 : vector<128x512xf32>
    %neg3A = arith.constant 0.000000e+00 : f32
    %neg3A_42 = vector.broadcast %neg3A : f32 to vector<128x512xf32>
    %neg3A_43 = arith.subf %neg3A_42, %add3A_39 : vector<128x512xf32>
    %jit3A_44 = arith.constant 0xFF800000 : f32
    %broadcast_in_dim3A_45 = vector.broadcast %jit3A_44 : f32 to vector<128x512xf32>
    %select_n3A_46 = arith.select %le3A_41, %neg3A_43, %broadcast_in_dim3A_45 : vector<128x512xi1>, vector<128x512xf32>
    %iota3A_47 = tpu.iota {dimensions = array<i32: 1>} : vector<128x512xi32>
    %iota3A_48 = tpu.iota {dimensions = array<i32: 1>} : vector<128x64xi32>
    %broadcast_in_dim3A_49 = arith.constant 0 : i32
    %broadcast_in_dim3A_50 = vector.broadcast %broadcast_in_dim3A_49 : i32 to vector<128x64xi32>
    %broadcast_in_dim3A_51 = arith.constant 0.000000e+00 : f32
    %broadcast_in_dim3A_52 = vector.broadcast %broadcast_in_dim3A_51 : f32 to vector<128x64xf32>
    %scan3A = arith.constant 0 : i32
    %scan3A_53 = arith.constant 64 : i32
    %scan3A_54 = arith.addi %scan3A, %scan3A_53 : i32
    %scan3A_55 = arith.constant 1 : i32
    %scan3A_56:3 = scf.for %scan3A_72 = %scan3A to %scan3A_54 step %scan3A_55 iter_args(%scan3A_73 = %select_n3A_46, %scan3A_74 = %broadcast_in_dim3A_50, %scan3A_75 = %broadcast_in_dim3A_52) -> (vector<128x512xf32>, vector<128x64xi32>, vector<128x64xf32>)  : i32 {
      %reduce_max3A = arith.constant dense<0xFF800000> : vector<128xf32>
      %reduce_max3A_76 = vector.multi_reduction <maximumf>, %scan3A_73, %reduce_max3A [1] : vector<128x512xf32> to vector<128xf32>
      %broadcast_in_dim3A_77 = vector.shape_cast %reduce_max3A_76 : vector<128xf32> to vector<128x1xf32>
      %eq3A_78 = vector.broadcast %broadcast_in_dim3A_77 : vector<128x1xf32> to vector<128x512xf32>
      %eq3A_79 = arith.cmpf oeq, %scan3A_73, %eq3A_78 : vector<128x512xf32>
      %jit3A_80 = arith.constant 512 : i32
      %broadcast_in_dim3A_81 = vector.broadcast %jit3A_80 : i32 to vector<128x512xi32>
      %select_n3A_82 = arith.select %eq3A_79, %iota3A_47, %broadcast_in_dim3A_81 : vector<128x512xi1>, vector<128x512xi32>
      %reduce_min3A = arith.constant dense<2147483647> : vector<128xi32>
      %reduce_min3A_83 = vector.multi_reduction <minsi>, %select_n3A_82, %reduce_min3A [1] : vector<128x512xi32> to vector<128xi32>
      %broadcast_in_dim3A_84 = vector.shape_cast %reduce_min3A_83 : vector<128xi32> to vector<128x1xi32>
      %gt3A = arith.constant 0xFF800000 : f32
      %gt3A_85 = vector.broadcast %gt3A : f32 to vector<128x1xf32>
      %gt3A_86 = arith.cmpf ogt, %broadcast_in_dim3A_77, %gt3A_85 : vector<128x1xf32>
      %jit3A_87 = arith.constant 1.000000e+00 : f32
      %jit3A_88 = arith.constant 0.000000e+00 : f32
      %broadcast_in_dim3A_89 = vector.broadcast %jit3A_87 : f32 to vector<128x1xf32>
      %broadcast_in_dim3A_90 = vector.broadcast %jit3A_88 : f32 to vector<128x1xf32>
      %select_n3A_91 = arith.select %gt3A_86, %broadcast_in_dim3A_89, %broadcast_in_dim3A_90 : vector<128x1xi1>, vector<128x1xf32>
      %eq3A_92 = vector.broadcast %broadcast_in_dim3A_84 : vector<128x1xi32> to vector<128x512xi32>
      %eq3A_93 = arith.cmpi eq, %iota3A_47, %eq3A_92 : vector<128x512xi32>
      %jit3A_94 = arith.constant 0xFF800000 : f32
      %broadcast_in_dim3A_95 = vector.broadcast %jit3A_94 : f32 to vector<128x512xf32>
      %select_n3A_96 = arith.select %eq3A_93, %broadcast_in_dim3A_95, %scan3A_73 : vector<128x512xi1>, vector<128x512xf32>
      %eq3A_97 = vector.broadcast %scan3A_72 : i32 to vector<128x64xi32>
      %eq3A_98 = arith.cmpi eq, %iota3A_48, %eq3A_97 : vector<128x64xi32>
      %mul3A_99 = arith.constant 512 : i32
      %mul3A_100 = arith.muli %arg0, %mul3A_99 : i32
      %add3A_101 = vector.broadcast %mul3A_100 : i32 to vector<128x1xi32>
      %add3A_102 = arith.addi %broadcast_in_dim3A_84, %add3A_101 : vector<128x1xi32>
      %broadcast_in_dim3A_103 = vector.shape_cast %add3A_102 : vector<128x1xi32> to vector<128x1xi32>
      %broadcast_in_dim3A_104 = vector.broadcast %broadcast_in_dim3A_103 : vector<128x1xi32> to vector<128x64xi32>
      %select_n3A_105 = arith.select %eq3A_98, %broadcast_in_dim3A_104, %scan3A_74 : vector<128x64xi1>, vector<128x64xi32>
      %eq3A_106 = vector.broadcast %scan3A_72 : i32 to vector<128x64xi32>
      %eq3A_107 = arith.cmpi eq, %iota3A_48, %eq3A_106 : vector<128x64xi32>
      %broadcast_in_dim3A_108 = vector.shape_cast %select_n3A_91 : vector<128x1xf32> to vector<128x1xf32>
      %broadcast_in_dim3A_109 = vector.broadcast %broadcast_in_dim3A_108 : vector<128x1xf32> to vector<128x64xf32>
      %select_n3A_110 = arith.select %eq3A_107, %broadcast_in_dim3A_109, %scan3A_75 : vector<128x64xi1>, vector<128x64xf32>
      scf.yield %select_n3A_96, %select_n3A_105, %select_n3A_110 : vector<128x512xf32>, vector<128x64xi32>, vector<128x64xf32>
    }
    %scan3A_57 = arith.constant 64 : i32
    %broadcast_in_dim3A_58 = vector.shape_cast %scan3A_56#1 : vector<128x64xi32> to vector<1x128x64xi32>
    %swap3A = arith.constant 0 : index
    %swap3A_59 = arith.constant 0 : index
    %swap3A_60 = arith.constant 0 : index
    %swap3A_61 = vector.load %arg3[%swap3A, %swap3A_59, %swap3A_60] : memref<1x128x64xi32, #tpu.memory_space<vmem>>, vector<1x128x64xi32>
    tpu.vector_store %arg3[%swap3A, %swap3A_59, %swap3A_60], %broadcast_in_dim3A_58 {strides = array<i32>} : memref<1x128x64xi32, #tpu.memory_space<vmem>>, vector<1x128x64xi32>,
    %broadcast_in_dim3A_62 = vector.shape_cast %scan3A_56#2 : vector<128x64xf32> to vector<1x128x64xf32>
    %swap3A_63 = arith.constant 0 : index
    %swap3A_64 = arith.constant 0 : index
    %swap3A_65 = arith.constant 0 : index
    %swap3A_66 = vector.load %arg4[%swap3A_63, %swap3A_64, %swap3A_65] : memref<1x128x64xf32, #tpu.memory_space<vmem>>, vector<1x128x64xf32>
    tpu.vector_store %arg4[%swap3A_63, %swap3A_64, %swap3A_65], %broadcast_in_dim3A_62 {strides = array<i32>} : memref<1x128x64xf32, #tpu.memory_space<vmem>>, vector<1x128x64xf32>,
    %concatenate3A = tpu.concatenate %broadcast_in_dim3A_17, %broadcast_in_dim3A_22, %broadcast_in_dim3A_27 in 1 : vector<128x1xf32>, vector<128x1xf32>, vector<128x1xf32> -> vector<128x3xf32>
    %broadcast_in_dim3A_67 = vector.shape_cast %concatenate3A : vector<128x3xf32> to vector<1x128x3xf32>
    %swap3A_68 = arith.constant 0 : index
    %swap3A_69 = arith.constant 0 : index
    %swap3A_70 = arith.constant 0 : index
    %swap3A_71 = vector.load %arg5[%swap3A_68, %swap3A_69, %swap3A_70] : memref<1x128x3xf32, #tpu.memory_space<vmem>>, vector<1x128x3xf32>
    tpu.vector_store %arg5[%swap3A_68, %swap3A_69, %swap3A_70], %broadcast_in_dim3A_67 {strides = array<i32>} : memref<1x128x3xf32, #tpu.memory_space<vmem>>, vector<1x128x3xf32>,
    return
  }
  func.func @transform_0(%arg0: i32) -> (i32, i32, i32) {
    %c0_i32 = arith.constant 0 : i32
    %c0_i32_0 = arith.constant 0 : i32
    %c0_i32_1 = arith.constant 0 : i32
    return %arg0, %c0_i32, %c0_i32_0 : i32, i32, i32
  }
  func.func @transform_1(%arg0: i32) -> (i32, i32, i32) {
    %c0_i32 = arith.constant 0 : i32
    %c0_i32_0 = arith.constant 0 : i32
    %c0_i32_1 = arith.constant 0 : i32
    return %arg0, %c0_i32, %c0_i32_0 : i32, i32, i32
  }
  func.func @transform_2(%arg0: i32) -> (i32, i32, i32) {
    %c0_i32 = arith.constant 0 : i32
    %c0_i32_0 = arith.constant 0 : i32
    %c0_i32_1 = arith.constant 0 : i32
    return %arg0, %c0_i32, %c0_i32_0 : i32, i32, i32
  }
  func.func @transform_3(%arg0: i32) -> (i32, i32, i32) {
    %c0_i32 = arith.constant 0 : i32
    %c0_i32_0 = arith.constant 0 : i32
    %c0_i32_1 = arith.constant 0 : i32
    return %arg0, %c0_i32, %c0_i32_0 : i32, i32, i32
  }
  func.func @transform_4(%arg0: i32) -> (i32, i32, i32) {
    %c0_i32 = arith.constant 0 : i32
    %c0_i32_0 = arith.constant 0 : i32
    %c0_i32_1 = arith.constant 0 : i32
    return %arg0, %c0_i32, %c0_i32_0 : i32, i32, i32
  }
}

module attributes {stable_mosaic.version = 14 : i64} {
  func.func @body(%arg0: i32, %arg1: i32, %arg2: memref<1x3x8192xf32, #tpu.memory_space<vmem>>, %arg3: memref<1x3x8192xf32, #tpu.memory_space<vmem>>, %arg4: memref<1x3x128xf32, #tpu.memory_space<vmem>>, %arg5: memref<1x128x64xf32, #tpu.memory_space<vmem>>, %arg6: memref<1x1x512xf32, #tpu.memory_space<vmem>>, %arg7: memref<512x256xf32, #tpu.memory_space<vmem>>, %arg8: memref<1x256xf32, #tpu.memory_space<vmem>>, %arg9: memref<3x64xf32, #tpu.memory_space<vmem>>, %arg10: memref<39x64xf32, #tpu.memory_space<vmem>>, %arg11: memref<3x64xf32, #tpu.memory_space<vmem>>, %arg12: memref<1x64xf32, #tpu.memory_space<vmem>>, %arg13: memref<64x64xf32, #tpu.memory_space<vmem>>, %arg14: memref<1x64xf32, #tpu.memory_space<vmem>>, %arg15: memref<64x128xf32, #tpu.memory_space<vmem>>, %arg16: memref<1x128xf32, #tpu.memory_space<vmem>>, %arg17: memref<1x128x128xf32, #tpu.memory_space<vmem>>) attributes {dimension_semantics = [#tpu.dimension_semantics<parallel>, #tpu.dimension_semantics<parallel>], iteration_bounds = array<i64: 8, 4>, scalar_prefetch = 0 : i64, scratch_operands = 0 : i64, tpu.core_type = #tpu.core_type<tc>, window_params = [{transform_indices = @transform_0, window_bounds = array<i64: 1, 3, 8192>}, {transform_indices = @transform_1, window_bounds = array<i64: 1, 3, 8192>}, {transform_indices = @transform_2, window_bounds = array<i64: 1, 3, 128>}, {transform_indices = @transform_3, window_bounds = array<i64: 1, 128, 64>}, {transform_indices = @transform_4, window_bounds = array<i64: 1, 1, 512>}, {pipeline_mode = #tpu.pipeline_mode<synchronous>, transform_indices = @transform_5, window_bounds = array<i64: 512, 256>}, {pipeline_mode = #tpu.pipeline_mode<synchronous>, transform_indices = @transform_6, window_bounds = array<i64: 1, 256>}, {pipeline_mode = #tpu.pipeline_mode<synchronous>, transform_indices = @transform_7, window_bounds = array<i64: 3, 64>}, {pipeline_mode = #tpu.pipeline_mode<synchronous>, transform_indices = @transform_8, window_bounds = array<i64: 39, 64>}, {pipeline_mode = #tpu.pipeline_mode<synchronous>, transform_indices = @transform_9, window_bounds = array<i64: 3, 64>}, {pipeline_mode = #tpu.pipeline_mode<synchronous>, transform_indices = @transform_10, window_bounds = array<i64: 1, 64>}, {pipeline_mode = #tpu.pipeline_mode<synchronous>, transform_indices = @transform_11, window_bounds = array<i64: 64, 64>}, {pipeline_mode = #tpu.pipeline_mode<synchronous>, transform_indices = @transform_12, window_bounds = array<i64: 1, 64>}, {pipeline_mode = #tpu.pipeline_mode<synchronous>, transform_indices = @transform_13, window_bounds = array<i64: 64, 128>}, {pipeline_mode = #tpu.pipeline_mode<synchronous>, transform_indices = @transform_14, window_bounds = array<i64: 1, 128>}, {transform_indices = @transform_15, window_bounds = array<i64: 1, 128, 128>}]} {
    %get3A = arith.constant 0 : index
    %get3A_0 = arith.constant 0 : index
    %get3A_1 = arith.constant 0 : index
    %get3A_2 = vector.load %arg2[%get3A, %get3A_0, %get3A_1] : memref<1x3x8192xf32, #tpu.memory_space<vmem>>, vector<1x3x8192xf32>
    %get3A_3 = vector.shape_cast %get3A_2 : vector<1x3x8192xf32> to vector<3x8192xf32>
    %get3A_4 = arith.constant 0 : index
    %get3A_5 = arith.constant 0 : index
    %get3A_6 = arith.constant 0 : index
    %get3A_7 = vector.load %arg4[%get3A_4, %get3A_5, %get3A_6] : memref<1x3x128xf32, #tpu.memory_space<vmem>>, vector<1x3x128xf32>
    %get3A_8 = vector.shape_cast %get3A_7 : vector<1x3x128xf32> to vector<3x128xf32>
    %iota3A = tpu.iota {dimensions = array<i32: 1>} : vector<128x8192xi32>
    %jit3A = arith.constant 64 : i32
    %div3A = vector.broadcast %jit3A : i32 to vector<128x8192xi32>
    %div3A_9 = arith.divsi %iota3A, %div3A : vector<128x8192xi32>
    %sign3A = arith.constant 0 : i32
    %sign3A_10 = vector.broadcast %sign3A : i32 to vector<128x8192xi32>
    %sign3A_11 = arith.cmpi sgt, %iota3A, %sign3A_10 : vector<128x8192xi32>
    %sign3A_12 = arith.extui %sign3A_11 : vector<128x8192xi1> to vector<128x8192xi32>
    %sign3A_13 = arith.constant 0 : i32
    %sign3A_14 = vector.broadcast %sign3A_13 : i32 to vector<128x8192xi32>
    %sign3A_15 = arith.cmpi slt, %iota3A, %sign3A_14 : vector<128x8192xi32>
    %sign3A_16 = arith.extui %sign3A_15 : vector<128x8192xi1> to vector<128x8192xi32>
    %sign3A_17 = arith.subi %sign3A_12, %sign3A_16 : vector<128x8192xi32>
    %sign3A_18 = arith.constant 0 : i32
    %sign3A_19 = arith.cmpi sgt, %jit3A, %sign3A_18 : i32
    %sign3A_20 = arith.extui %sign3A_19 : i1 to i32
    %sign3A_21 = arith.constant 0 : i32
    %sign3A_22 = arith.cmpi slt, %jit3A, %sign3A_21 : i32
    %sign3A_23 = arith.extui %sign3A_22 : i1 to i32
    %sign3A_24 = arith.subi %sign3A_20, %sign3A_23 : i32
    %ne3A = vector.broadcast %sign3A_24 : i32 to vector<128x8192xi32>
    %ne3A_25 = arith.cmpi ne, %sign3A_17, %ne3A : vector<128x8192xi32>
    %rem3A = vector.broadcast %jit3A : i32 to vector<128x8192xi32>
    %rem3A_26 = arith.remsi %iota3A, %rem3A : vector<128x8192xi32>
    %ne3A_27 = arith.constant 0 : i32
    %ne3A_28 = vector.broadcast %ne3A_27 : i32 to vector<128x8192xi32>
    %ne3A_29 = arith.cmpi ne, %rem3A_26, %ne3A_28 : vector<128x8192xi32>
    %and3A = arith.andi %ne3A_25, %ne3A_29 : vector<128x8192xi1>
    %sub3A = arith.constant 1 : i32
    %sub3A_30 = vector.broadcast %sub3A : i32 to vector<128x8192xi32>
    %sub3A_31 = arith.subi %div3A_9, %sub3A_30 : vector<128x8192xi32>
    %select_n3A = arith.select %and3A, %sub3A_31, %div3A_9 : vector<128x8192xi1>, vector<128x8192xi32>
    %iota3A_32 = tpu.iota {dimensions = array<i32: 0>} : vector<128x8192xi32>
    %eq3A = arith.cmpi eq, %select_n3A, %iota3A_32 : vector<128x8192xi32>
    %jit3A_33 = arith.constant 1.000000e+00 : f32
    %jit3A_34 = arith.constant 0.000000e+00 : f32
    %broadcast_in_dim3A = vector.broadcast %jit3A_33 : f32 to vector<128x8192xf32>
    %broadcast_in_dim3A_35 = vector.broadcast %jit3A_34 : f32 to vector<128x8192xf32>
    %select_n3A_36 = arith.select %eq3A, %broadcast_in_dim3A, %broadcast_in_dim3A_35 : vector<128x8192xi1>, vector<128x8192xf32>
    %dot_general3A = arith.constant dense<0.000000e+00> : vector<3x8192xf32>
    %dot_general3A_37 = tpu.matmul %get3A_8, %select_n3A_36, %dot_general3A {dimension_numbers = #tpu.dot_dimension_numbers<[1], [0], [0], [1], [0, 0, 1, 1], [], []>, transpose_lhs_hint = false} : vector<3x128xf32>, vector<128x8192xf32>, vector<3x8192xf32> -> vector<3x8192xf32>
    %sub3A_38 = arith.subf %get3A_3, %dot_general3A_37 : vector<3x8192xf32>
    %mul3A = arith.constant 1.000000e+00 : f32
    %mul3A_39 = vector.broadcast %mul3A : f32 to vector<3x8192xf32>
    %mul3A_40 = arith.mulf %sub3A_38, %mul3A_39 : vector<3x8192xf32>
    %sin3A = math.sin %mul3A_40 : vector<3x8192xf32>
    %cos3A = math.cos %mul3A_40 : vector<3x8192xf32>
    %mul3A_41 = arith.constant 2.000000e+00 : f32
    %mul3A_42 = vector.broadcast %mul3A_41 : f32 to vector<3x8192xf32>
    %mul3A_43 = arith.mulf %sub3A_38, %mul3A_42 : vector<3x8192xf32>
    %sin3A_44 = math.sin %mul3A_43 : vector<3x8192xf32>
    %cos3A_45 = math.cos %mul3A_43 : vector<3x8192xf32>
    %mul3A_46 = arith.constant 4.000000e+00 : f32
    %mul3A_47 = vector.broadcast %mul3A_46 : f32 to vector<3x8192xf32>
    %mul3A_48 = arith.mulf %sub3A_38, %mul3A_47 : vector<3x8192xf32>
    %sin3A_49 = math.sin %mul3A_48 : vector<3x8192xf32>
    %cos3A_50 = math.cos %mul3A_48 : vector<3x8192xf32>
    %mul3A_51 = arith.constant 8.000000e+00 : f32
    %mul3A_52 = vector.broadcast %mul3A_51 : f32 to vector<3x8192xf32>
    %mul3A_53 = arith.mulf %sub3A_38, %mul3A_52 : vector<3x8192xf32>
    %sin3A_54 = math.sin %mul3A_53 : vector<3x8192xf32>
    %cos3A_55 = math.cos %mul3A_53 : vector<3x8192xf32>
    %mul3A_56 = arith.constant 1.600000e+01 : f32
    %mul3A_57 = vector.broadcast %mul3A_56 : f32 to vector<3x8192xf32>
    %mul3A_58 = arith.mulf %sub3A_38, %mul3A_57 : vector<3x8192xf32>
    %sin3A_59 = math.sin %mul3A_58 : vector<3x8192xf32>
    %cos3A_60 = math.cos %mul3A_58 : vector<3x8192xf32>
    %mul3A_61 = arith.constant 3.200000e+01 : f32
    %mul3A_62 = vector.broadcast %mul3A_61 : f32 to vector<3x8192xf32>
    %mul3A_63 = arith.mulf %sub3A_38, %mul3A_62 : vector<3x8192xf32>
    %sin3A_64 = math.sin %mul3A_63 : vector<3x8192xf32>
    %cos3A_65 = math.cos %mul3A_63 : vector<3x8192xf32>
    %concatenate3A = tpu.concatenate %sub3A_38, %sin3A, %cos3A, %sin3A_44, %cos3A_45, %sin3A_49, %cos3A_50, %sin3A_54, %cos3A_55, %sin3A_59, %cos3A_60, %sin3A_64, %cos3A_65 in 0 : vector<3x8192xf32>, vector<3x8192xf32>, vector<3x8192xf32>, vector<3x8192xf32>, vector<3x8192xf32>, vector<3x8192xf32>, vector<3x8192xf32>, vector<3x8192xf32>, vector<3x8192xf32>, vector<3x8192xf32>, vector<3x8192xf32>, vector<3x8192xf32>, vector<3x8192xf32> -> vector<39x8192xf32>
    %get3A_66 = arith.constant 0 : index
    %get3A_67 = arith.constant 0 : index
    %get3A_68 = vector.load %arg10[%get3A_66, %get3A_67] : memref<39x64xf32, #tpu.memory_space<vmem>>, vector<39x64xf32>
    %dot_general3A_69 = arith.constant dense<0.000000e+00> : vector<8192x64xf32>
    %dot_general3A_70 = tpu.matmul %concatenate3A, %get3A_68, %dot_general3A_69 {dimension_numbers = #tpu.dot_dimension_numbers<[0], [0], [1], [1], [0, 1, 1, 1], [], []>, transpose_lhs_hint = false} : vector<39x8192xf32>, vector<39x64xf32>, vector<8192x64xf32> -> vector<8192x64xf32>
    %get3A_71 = arith.constant 0 : index
    %get3A_72 = arith.constant 0 : index
    %get3A_73 = arith.constant 0 : index
    %get3A_74 = vector.load %arg3[%get3A_71, %get3A_72, %get3A_73] : memref<1x3x8192xf32, #tpu.memory_space<vmem>>, vector<1x3x8192xf32>
    %get3A_75 = vector.shape_cast %get3A_74 : vector<1x3x8192xf32> to vector<3x8192xf32>
    %get3A_76 = arith.constant 0 : index
    %get3A_77 = arith.constant 0 : index
    %get3A_78 = vector.load %arg9[%get3A_76, %get3A_77] : memref<3x64xf32, #tpu.memory_space<vmem>>, vector<3x64xf32>
    %dot_general3A_79 = arith.constant dense<0.000000e+00> : vector<8192x64xf32>
    %dot_general3A_80 = tpu.matmul %get3A_75, %get3A_78, %dot_general3A_79 {dimension_numbers = #tpu.dot_dimension_numbers<[0], [0], [1], [1], [0, 1, 1, 1], [], []>, transpose_lhs_hint = false} : vector<3x8192xf32>, vector<3x64xf32>, vector<8192x64xf32> -> vector<8192x64xf32>
    %add3A = arith.addf %dot_general3A_70, %dot_general3A_80 : vector<8192x64xf32>
    %get3A_81 = arith.constant 0 : index
    %get3A_82 = arith.constant 0 : index
    %get3A_83 = vector.load %arg11[%get3A_81, %get3A_82] : memref<3x64xf32, #tpu.memory_space<vmem>>, vector<3x64xf32>
    %dot_general3A_84 = arith.constant dense<0.000000e+00> : vector<8192x64xf32>
    %dot_general3A_85 = tpu.matmul %get3A_3, %get3A_83, %dot_general3A_84 {dimension_numbers = #tpu.dot_dimension_numbers<[0], [0], [1], [1], [0, 1, 1, 1], [], []>, transpose_lhs_hint = false} : vector<3x8192xf32>, vector<3x64xf32>, vector<8192x64xf32> -> vector<8192x64xf32>
    %add3A_86 = arith.addf %add3A, %dot_general3A_85 : vector<8192x64xf32>
    %get3A_87 = arith.constant 0 : index
    %get3A_88 = arith.constant 0 : index
    %get3A_89 = vector.load %arg12[%get3A_87, %get3A_88] : memref<1x64xf32, #tpu.memory_space<vmem>>, vector<1x64xf32>
    %add3A_90 = vector.broadcast %get3A_89 : vector<1x64xf32> to vector<8192x64xf32>
    %add3A_91 = arith.addf %add3A_86, %add3A_90 : vector<8192x64xf32>
    %max3A = arith.constant 0.000000e+00 : f32
    %max3A_92 = vector.broadcast %max3A : f32 to vector<8192x64xf32>
    %max3A_93 = arith.maximumf %add3A_91, %max3A_92 : vector<8192x64xf32>
    %get3A_94 = arith.constant 0 : index
    %get3A_95 = arith.constant 0 : index
    %get3A_96 = vector.load %arg13[%get3A_94, %get3A_95] : memref<64x64xf32, #tpu.memory_space<vmem>>, vector<64x64xf32>
    %dot_general3A_97 = arith.constant dense<0.000000e+00> : vector<8192x64xf32>
    %dot_general3A_98 = tpu.matmul %max3A_93, %get3A_96, %dot_general3A_97 {dimension_numbers = #tpu.dot_dimension_numbers<[1], [0], [0], [1], [0, 0, 1, 1], [], []>, transpose_lhs_hint = false} : vector<8192x64xf32>, vector<64x64xf32>, vector<8192x64xf32> -> vector<8192x64xf32>
    %get3A_99 = arith.constant 0 : index
    %get3A_100 = arith.constant 0 : index
    %get3A_101 = vector.load %arg14[%get3A_99, %get3A_100] : memref<1x64xf32, #tpu.memory_space<vmem>>, vector<1x64xf32>
    %add3A_102 = vector.broadcast %get3A_101 : vector<1x64xf32> to vector<8192x64xf32>
    %add3A_103 = arith.addf %dot_general3A_98, %add3A_102 : vector<8192x64xf32>
    %max3A_104 = arith.constant 0.000000e+00 : f32
    %max3A_105 = vector.broadcast %max3A_104 : f32 to vector<8192x64xf32>
    %max3A_106 = arith.maximumf %add3A_103, %max3A_105 : vector<8192x64xf32>
    %get3A_107 = arith.constant 0 : index
    %get3A_108 = arith.constant 0 : index
    %get3A_109 = vector.load %arg15[%get3A_107, %get3A_108] : memref<64x128xf32, #tpu.memory_space<vmem>>, vector<64x128xf32>
    %dot_general3A_110 = arith.constant dense<0.000000e+00> : vector<8192x128xf32>
    %dot_general3A_111 = tpu.matmul %max3A_106, %get3A_109, %dot_general3A_110 {dimension_numbers = #tpu.dot_dimension_numbers<[1], [0], [0], [1], [0, 0, 1, 1], [], []>, transpose_lhs_hint = false} : vector<8192x64xf32>, vector<64x128xf32>, vector<8192x128xf32> -> vector<8192x128xf32>
    %get3A_112 = arith.constant 0 : index
    %get3A_113 = arith.constant 0 : index
    %get3A_114 = vector.load %arg16[%get3A_112, %get3A_113] : memref<1x128xf32, #tpu.memory_space<vmem>>, vector<1x128xf32>
    %add3A_115 = vector.broadcast %get3A_114 : vector<1x128xf32> to vector<8192x128xf32>
    %add3A_116 = arith.addf %dot_general3A_111, %add3A_115 : vector<8192x128xf32>
    %max3A_117 = arith.constant 0.000000e+00 : f32
    %max3A_118 = vector.broadcast %max3A_117 : f32 to vector<8192x128xf32>
    %max3A_119 = arith.maximumf %add3A_116, %max3A_118 : vector<8192x128xf32>
    %get3A_120 = arith.constant 0 : index
    %get3A_121 = arith.constant 0 : index
    %get3A_122 = arith.constant 0 : index
    %get3A_123 = vector.load %arg6[%get3A_120, %get3A_121, %get3A_122] : memref<1x1x512xf32, #tpu.memory_space<vmem>>, vector<1x1x512xf32>
    %get3A_124 = vector.shape_cast %get3A_123 : vector<1x1x512xf32> to vector<1x512xf32>
    %get3A_125 = arith.constant 0 : index
    %get3A_126 = arith.constant 0 : index
    %get3A_127 = vector.load %arg7[%get3A_125, %get3A_126] : memref<512x256xf32, #tpu.memory_space<vmem>>, vector<512x256xf32>
    %dot_general3A_128 = arith.constant dense<0.000000e+00> : vector<1x256xf32>
    %dot_general3A_129 = tpu.matmul %get3A_124, %get3A_127, %dot_general3A_128 {dimension_numbers = #tpu.dot_dimension_numbers<[1], [0], [0], [1], [0, 0, 1, 1], [], []>, transpose_lhs_hint = false} : vector<1x512xf32>, vector<512x256xf32>, vector<1x256xf32> -> vector<1x256xf32>
    %get3A_130 = arith.constant 0 : index
    %get3A_131 = arith.constant 0 : index
    %get3A_132 = vector.load %arg8[%get3A_130, %get3A_131] : memref<1x256xf32, #tpu.memory_space<vmem>>, vector<1x256xf32>
    %add3A_133 = arith.addf %dot_general3A_129, %get3A_132 : vector<1x256xf32>
    %slice3A = vector.extract_strided_slice %add3A_133 {offsets = [0, 0], sizes = [1, 128], strides = [1, 1]} : vector<1x256xf32> to vector<1x128xf32>
    %slice3A_134 = vector.extract_strided_slice %add3A_133 {offsets = [0, 128], sizes = [1, 128], strides = [1, 1]} : vector<1x256xf32> to vector<1x128xf32>
    %add3A_135 = arith.constant 1.000000e+00 : f32
    %add3A_136 = vector.broadcast %add3A_135 : f32 to vector<1x128xf32>
    %add3A_137 = arith.addf %add3A_136, %slice3A : vector<1x128xf32>
    %mul3A_138 = vector.broadcast %add3A_137 : vector<1x128xf32> to vector<8192x128xf32>
    %mul3A_139 = arith.mulf %mul3A_138, %max3A_119 : vector<8192x128xf32>
    %add3A_140 = vector.broadcast %slice3A_134 : vector<1x128xf32> to vector<8192x128xf32>
    %add3A_141 = arith.addf %mul3A_139, %add3A_140 : vector<8192x128xf32>
    %reshape3A = vector.shape_cast %add3A_141 : vector<8192x128xf32> to vector<128x64x128xf32>
    %get3A_142 = arith.constant 0 : index
    %get3A_143 = arith.constant 0 : index
    %get3A_144 = arith.constant 0 : index
    %get3A_145 = vector.load %arg5[%get3A_142, %get3A_143, %get3A_144] : memref<1x128x64xf32, #tpu.memory_space<vmem>>, vector<1x128x64xf32>
    %get3A_146 = vector.shape_cast %get3A_145 : vector<1x128x64xf32> to vector<128x64xf32>
    %broadcast_in_dim3A_147 = vector.shape_cast %get3A_146 : vector<128x64xf32> to vector<128x64x1xf32>
    %gt3A = arith.constant 0.000000e+00 : f32
    %gt3A_148 = vector.broadcast %gt3A : f32 to vector<128x64x1xf32>
    %gt3A_149 = arith.cmpf ogt, %broadcast_in_dim3A_147, %gt3A_148 : vector<128x64x1xf32>
    %jit3A_150 = arith.constant 0xFF800000 : f32
    %broadcast_in_dim3A_151 = vector.shape_cast %gt3A_149 : vector<128x64x1xi1> to vector<128x64x1xi1>
    %broadcast_in_dim3A_152 = vector.broadcast %broadcast_in_dim3A_151 : vector<128x64x1xi1> to vector<128x64x128xi1>
    %broadcast_in_dim3A_153 = vector.broadcast %jit3A_150 : f32 to vector<128x64x128xf32>
    %select_n3A_154 = arith.select %broadcast_in_dim3A_152, %reshape3A, %broadcast_in_dim3A_153 : vector<128x64x128xi1>, vector<128x64x128xf32>
    %reduce_max3A = arith.constant dense<0xFF800000> : vector<128x128xf32>
    %reduce_max3A_155 = vector.multi_reduction <maximumf>, %select_n3A_154, %reduce_max3A [1] : vector<128x64x128xf32> to vector<128x128xf32>
    %ne3A_156 = arith.constant 0xFF800000 : f32
    %ne3A_157 = vector.broadcast %ne3A_156 : f32 to vector<128x128xf32>
    %ne3A_158 = arith.cmpf one, %reduce_max3A_155, %ne3A_157 : vector<128x128xf32>
    %jit3A_159 = arith.constant 0.000000e+00 : f32
    %broadcast_in_dim3A_160 = vector.broadcast %jit3A_159 : f32 to vector<128x128xf32>
    %select_n3A_161 = arith.select %ne3A_158, %reduce_max3A_155, %broadcast_in_dim3A_160 : vector<128x128xi1>, vector<128x128xf32>
    %broadcast_in_dim3A_162 = vector.shape_cast %select_n3A_161 : vector<128x128xf32> to vector<1x128x128xf32>
    %swap3A = arith.constant 0 : index
    %swap3A_163 = arith.constant 0 : index
    %swap3A_164 = arith.constant 0 : index
    %swap3A_165 = vector.load %arg17[%swap3A, %swap3A_163, %swap3A_164] : memref<1x128x128xf32, #tpu.memory_space<vmem>>, vector<1x128x128xf32>
    tpu.vector_store %arg17[%swap3A, %swap3A_163, %swap3A_164], %broadcast_in_dim3A_162 {strides = array<i32>} : memref<1x128x128xf32, #tpu.memory_space<vmem>>, vector<1x128x128xf32>,
    return
  }
  func.func @transform_0(%arg0: i32, %arg1: i32) -> (i32, i32, i32) {
    %c0_i32 = arith.constant 0 : i32
    %c0_i32_0 = arith.constant 0 : i32
    return %arg0, %c0_i32, %arg1 : i32, i32, i32
  }
  func.func @transform_1(%arg0: i32, %arg1: i32) -> (i32, i32, i32) {
    %c0_i32 = arith.constant 0 : i32
    %c0_i32_0 = arith.constant 0 : i32
    return %arg0, %c0_i32, %arg1 : i32, i32, i32
  }
  func.func @transform_2(%arg0: i32, %arg1: i32) -> (i32, i32, i32) {
    %c0_i32 = arith.constant 0 : i32
    %c0_i32_0 = arith.constant 0 : i32
    return %arg0, %c0_i32, %arg1 : i32, i32, i32
  }
  func.func @transform_3(%arg0: i32, %arg1: i32) -> (i32, i32, i32) {
    %c0_i32 = arith.constant 0 : i32
    %c0_i32_0 = arith.constant 0 : i32
    return %arg0, %arg1, %c0_i32 : i32, i32, i32
  }
  func.func @transform_4(%arg0: i32, %arg1: i32) -> (i32, i32, i32) {
    %c0_i32 = arith.constant 0 : i32
    %c0_i32_0 = arith.constant 0 : i32
    %c0_i32_1 = arith.constant 0 : i32
    return %arg0, %c0_i32, %c0_i32_0 : i32, i32, i32
  }
  func.func @transform_5(%arg0: i32, %arg1: i32) -> (i32, i32) {
    %c0_i32 = arith.constant 0 : i32
    %c0_i32_0 = arith.constant 0 : i32
    %c0_i32_1 = arith.constant 0 : i32
    return %c0_i32, %c0_i32_0 : i32, i32
  }
  func.func @transform_6(%arg0: i32, %arg1: i32) -> (i32, i32) {
    %c0_i32 = arith.constant 0 : i32
    %c0_i32_0 = arith.constant 0 : i32
    %c0_i32_1 = arith.constant 0 : i32
    return %c0_i32, %c0_i32_0 : i32, i32
  }
  func.func @transform_7(%arg0: i32, %arg1: i32) -> (i32, i32) {
    %c0_i32 = arith.constant 0 : i32
    %c0_i32_0 = arith.constant 0 : i32
    %c0_i32_1 = arith.constant 0 : i32
    return %c0_i32, %c0_i32_0 : i32, i32
  }
  func.func @transform_8(%arg0: i32, %arg1: i32) -> (i32, i32) {
    %c0_i32 = arith.constant 0 : i32
    %c0_i32_0 = arith.constant 0 : i32
    %c0_i32_1 = arith.constant 0 : i32
    return %c0_i32, %c0_i32_0 : i32, i32
  }
  func.func @transform_9(%arg0: i32, %arg1: i32) -> (i32, i32) {
    %c0_i32 = arith.constant 0 : i32
    %c0_i32_0 = arith.constant 0 : i32
    %c0_i32_1 = arith.constant 0 : i32
    return %c0_i32, %c0_i32_0 : i32, i32
  }
  func.func @transform_10(%arg0: i32, %arg1: i32) -> (i32, i32) {
    %c0_i32 = arith.constant 0 : i32
    %c0_i32_0 = arith.constant 0 : i32
    %c0_i32_1 = arith.constant 0 : i32
    return %c0_i32, %c0_i32_0 : i32, i32
  }
  func.func @transform_11(%arg0: i32, %arg1: i32) -> (i32, i32) {
    %c0_i32 = arith.constant 0 : i32
    %c0_i32_0 = arith.constant 0 : i32
    %c0_i32_1 = arith.constant 0 : i32
    return %c0_i32, %c0_i32_0 : i32, i32
  }
  func.func @transform_12(%arg0: i32, %arg1: i32) -> (i32, i32) {
    %c0_i32 = arith.constant 0 : i32
    %c0_i32_0 = arith.constant 0 : i32
    %c0_i32_1 = arith.constant 0 : i32
    return %c0_i32, %c0_i32_0 : i32, i32
  }
  func.func @transform_13(%arg0: i32, %arg1: i32) -> (i32, i32) {
    %c0_i32 = arith.constant 0 : i32
    %c0_i32_0 = arith.constant 0 : i32
    %c0_i32_1 = arith.constant 0 : i32
    return %c0_i32, %c0_i32_0 : i32, i32
  }
  func.func @transform_14(%arg0: i32, %arg1: i32) -> (i32, i32) {
    %c0_i32 = arith.constant 0 : i32
    %c0_i32_0 = arith.constant 0 : i32
    %c0_i32_1 = arith.constant 0 : i32
    return %c0_i32, %c0_i32_0 : i32, i32
  }
  func.func @transform_15(%arg0: i32, %arg1: i32) -> (i32, i32, i32) {
    %c0_i32 = arith.constant 0 : i32
    %c0_i32_0 = arith.constant 0 : i32
    return %arg0, %arg1, %c0_i32 : i32, i32, i32
  }
}

module attributes {stable_mosaic.version = 14 : i64} {
  func.func @body(%arg0: i32, %arg1: memref<1x512x128xf32, #tpu.memory_space<vmem>>, %arg2: memref<128x128xf32, #tpu.memory_space<vmem>>, %arg3: memref<1x128xf32, #tpu.memory_space<vmem>>, %arg4: memref<1x512x128xf32, #tpu.memory_space<vmem>>) attributes {dimension_semantics = [#tpu.dimension_semantics<parallel>], iteration_bounds = array<i64: 8>, scalar_prefetch = 0 : i64, scratch_operands = 0 : i64, tpu.core_type = #tpu.core_type<tc>, window_params = [{transform_indices = @transform_0, window_bounds = array<i64: 1, 512, 128>}, {pipeline_mode = #tpu.pipeline_mode<synchronous>, transform_indices = @transform_1, window_bounds = array<i64: 128, 128>}, {pipeline_mode = #tpu.pipeline_mode<synchronous>, transform_indices = @transform_2, window_bounds = array<i64: 1, 128>}, {transform_indices = @transform_3, window_bounds = array<i64: 1, 512, 128>}]} {
    %get3A = arith.constant 0 : index
    %get3A_0 = arith.constant 0 : index
    %get3A_1 = arith.constant 0 : index
    %get3A_2 = vector.load %arg1[%get3A, %get3A_0, %get3A_1] : memref<1x512x128xf32, #tpu.memory_space<vmem>>, vector<1x512x128xf32>
    %get3A_3 = vector.shape_cast %get3A_2 : vector<1x512x128xf32> to vector<512x128xf32>
    %get3A_4 = arith.constant 0 : index
    %get3A_5 = arith.constant 0 : index
    %get3A_6 = vector.load %arg2[%get3A_4, %get3A_5] : memref<128x128xf32, #tpu.memory_space<vmem>>, vector<128x128xf32>
    %dot_general3A = arith.constant dense<0.000000e+00> : vector<512x128xf32>
    %dot_general3A_7 = tpu.matmul %get3A_3, %get3A_6, %dot_general3A {dimension_numbers = #tpu.dot_dimension_numbers<[1], [0], [0], [1], [0, 0, 1, 1], [], []>, transpose_lhs_hint = false} : vector<512x128xf32>, vector<128x128xf32>, vector<512x128xf32> -> vector<512x128xf32>
    %get3A_8 = arith.constant 0 : index
    %get3A_9 = arith.constant 0 : index
    %get3A_10 = vector.load %arg3[%get3A_8, %get3A_9] : memref<1x128xf32, #tpu.memory_space<vmem>>, vector<1x128xf32>
    %add3A = vector.broadcast %get3A_10 : vector<1x128xf32> to vector<512x128xf32>
    %add3A_11 = arith.addf %dot_general3A_7, %add3A : vector<512x128xf32>
    %max3A = arith.constant 0.000000e+00 : f32
    %max3A_12 = vector.broadcast %max3A : f32 to vector<512x128xf32>
    %max3A_13 = arith.maximumf %add3A_11, %max3A_12 : vector<512x128xf32>
    %broadcast_in_dim3A = vector.shape_cast %max3A_13 : vector<512x128xf32> to vector<1x512x128xf32>
    %swap3A = arith.constant 0 : index
    %swap3A_14 = arith.constant 0 : index
    %swap3A_15 = arith.constant 0 : index
    %swap3A_16 = vector.load %arg4[%swap3A, %swap3A_14, %swap3A_15] : memref<1x512x128xf32, #tpu.memory_space<vmem>>, vector<1x512x128xf32>
    tpu.vector_store %arg4[%swap3A, %swap3A_14, %swap3A_15], %broadcast_in_dim3A {strides = array<i32>} : memref<1x512x128xf32, #tpu.memory_space<vmem>>, vector<1x512x128xf32>,
    return
  }
  func.func @transform_0(%arg0: i32) -> (i32, i32, i32) {
    %c0_i32 = arith.constant 0 : i32
    %c0_i32_0 = arith.constant 0 : i32
    %c0_i32_1 = arith.constant 0 : i32
    return %arg0, %c0_i32, %c0_i32_0 : i32, i32, i32
  }
  func.func @transform_1(%arg0: i32) -> (i32, i32) {
    %c0_i32 = arith.constant 0 : i32
    %c0_i32_0 = arith.constant 0 : i32
    %c0_i32_1 = arith.constant 0 : i32
    return %c0_i32, %c0_i32_0 : i32, i32
  }
  func.func @transform_2(%arg0: i32) -> (i32, i32) {
    %c0_i32 = arith.constant 0 : i32
    %c0_i32_0 = arith.constant 0 : i32
    %c0_i32_1 = arith.constant 0 : i32
    return %c0_i32, %c0_i32_0 : i32, i32
  }
  func.func @transform_3(%arg0: i32) -> (i32, i32, i32) {
    %c0_i32 = arith.constant 0 : i32
    %c0_i32_0 = arith.constant 0 : i32
    %c0_i32_1 = arith.constant 0 : i32
    return %arg0, %c0_i32, %c0_i32_0 : i32, i32, i32
  }
}

module attributes {stable_mosaic.version = 14 : i64} {
  func.func @body(%arg0: i32, %arg1: memref<1x128x3xf32, #tpu.memory_space<vmem>>, %arg2: memref<39x256xf32, #tpu.memory_space<vmem>>, %arg3: memref<1x256xf32, #tpu.memory_space<vmem>>, %arg4: memref<1x128x256xf32, #tpu.memory_space<vmem>>) attributes {dimension_semantics = [#tpu.dimension_semantics<parallel>], iteration_bounds = array<i64: 8>, scalar_prefetch = 0 : i64, scratch_operands = 0 : i64, tpu.core_type = #tpu.core_type<tc>, window_params = [{transform_indices = @transform_0, window_bounds = array<i64: 1, 128, 3>}, {pipeline_mode = #tpu.pipeline_mode<synchronous>, transform_indices = @transform_1, window_bounds = array<i64: 39, 256>}, {pipeline_mode = #tpu.pipeline_mode<synchronous>, transform_indices = @transform_2, window_bounds = array<i64: 1, 256>}, {transform_indices = @transform_3, window_bounds = array<i64: 1, 128, 256>}]} {
    %get3A = arith.constant 0 : index
    %get3A_0 = arith.constant 0 : index
    %get3A_1 = arith.constant 0 : index
    %get3A_2 = vector.load %arg1[%get3A, %get3A_0, %get3A_1] : memref<1x128x3xf32, #tpu.memory_space<vmem>>, vector<1x128x3xf32>
    %get3A_3 = vector.shape_cast %get3A_2 : vector<1x128x3xf32> to vector<128x3xf32>
    %mul3A = arith.constant 1.000000e+00 : f32
    %mul3A_4 = vector.broadcast %mul3A : f32 to vector<128x3xf32>
    %mul3A_5 = arith.mulf %get3A_3, %mul3A_4 : vector<128x3xf32>
    %sin3A = math.sin %mul3A_5 : vector<128x3xf32>
    %cos3A = math.cos %mul3A_5 : vector<128x3xf32>
    %mul3A_6 = arith.constant 2.000000e+00 : f32
    %mul3A_7 = vector.broadcast %mul3A_6 : f32 to vector<128x3xf32>
    %mul3A_8 = arith.mulf %get3A_3, %mul3A_7 : vector<128x3xf32>
    %sin3A_9 = math.sin %mul3A_8 : vector<128x3xf32>
    %cos3A_10 = math.cos %mul3A_8 : vector<128x3xf32>
    %mul3A_11 = arith.constant 4.000000e+00 : f32
    %mul3A_12 = vector.broadcast %mul3A_11 : f32 to vector<128x3xf32>
    %mul3A_13 = arith.mulf %get3A_3, %mul3A_12 : vector<128x3xf32>
    %sin3A_14 = math.sin %mul3A_13 : vector<128x3xf32>
    %cos3A_15 = math.cos %mul3A_13 : vector<128x3xf32>
    %mul3A_16 = arith.constant 8.000000e+00 : f32
    %mul3A_17 = vector.broadcast %mul3A_16 : f32 to vector<128x3xf32>
    %mul3A_18 = arith.mulf %get3A_3, %mul3A_17 : vector<128x3xf32>
    %sin3A_19 = math.sin %mul3A_18 : vector<128x3xf32>
    %cos3A_20 = math.cos %mul3A_18 : vector<128x3xf32>
    %mul3A_21 = arith.constant 1.600000e+01 : f32
    %mul3A_22 = vector.broadcast %mul3A_21 : f32 to vector<128x3xf32>
    %mul3A_23 = arith.mulf %get3A_3, %mul3A_22 : vector<128x3xf32>
    %sin3A_24 = math.sin %mul3A_23 : vector<128x3xf32>
    %cos3A_25 = math.cos %mul3A_23 : vector<128x3xf32>
    %mul3A_26 = arith.constant 3.200000e+01 : f32
    %mul3A_27 = vector.broadcast %mul3A_26 : f32 to vector<128x3xf32>
    %mul3A_28 = arith.mulf %get3A_3, %mul3A_27 : vector<128x3xf32>
    %sin3A_29 = math.sin %mul3A_28 : vector<128x3xf32>
    %cos3A_30 = math.cos %mul3A_28 : vector<128x3xf32>
    %concatenate3A = tpu.concatenate %get3A_3, %sin3A, %cos3A, %sin3A_9, %cos3A_10, %sin3A_14, %cos3A_15, %sin3A_19, %cos3A_20, %sin3A_24, %cos3A_25, %sin3A_29, %cos3A_30 in 1 : vector<128x3xf32>, vector<128x3xf32>, vector<128x3xf32>, vector<128x3xf32>, vector<128x3xf32>, vector<128x3xf32>, vector<128x3xf32>, vector<128x3xf32>, vector<128x3xf32>, vector<128x3xf32>, vector<128x3xf32>, vector<128x3xf32>, vector<128x3xf32> -> vector<128x39xf32>
    %get3A_31 = arith.constant 0 : index
    %get3A_32 = arith.constant 0 : index
    %get3A_33 = vector.load %arg2[%get3A_31, %get3A_32] : memref<39x256xf32, #tpu.memory_space<vmem>>, vector<39x256xf32>
    %dot_general3A = arith.constant dense<0.000000e+00> : vector<128x256xf32>
    %dot_general3A_34 = tpu.matmul %concatenate3A, %get3A_33, %dot_general3A {dimension_numbers = #tpu.dot_dimension_numbers<[1], [0], [0], [1], [0, 0, 1, 1], [], []>, transpose_lhs_hint = false} : vector<128x39xf32>, vector<39x256xf32>, vector<128x256xf32> -> vector<128x256xf32>
    %get3A_35 = arith.constant 0 : index
    %get3A_36 = arith.constant 0 : index
    %get3A_37 = vector.load %arg3[%get3A_35, %get3A_36] : memref<1x256xf32, #tpu.memory_space<vmem>>, vector<1x256xf32>
    %add3A = vector.broadcast %get3A_37 : vector<1x256xf32> to vector<128x256xf32>
    %add3A_38 = arith.addf %dot_general3A_34, %add3A : vector<128x256xf32>
    %broadcast_in_dim3A = vector.shape_cast %add3A_38 : vector<128x256xf32> to vector<1x128x256xf32>
    %swap3A = arith.constant 0 : index
    %swap3A_39 = arith.constant 0 : index
    %swap3A_40 = arith.constant 0 : index
    %swap3A_41 = vector.load %arg4[%swap3A, %swap3A_39, %swap3A_40] : memref<1x128x256xf32, #tpu.memory_space<vmem>>, vector<1x128x256xf32>
    tpu.vector_store %arg4[%swap3A, %swap3A_39, %swap3A_40], %broadcast_in_dim3A {strides = array<i32>} : memref<1x128x256xf32, #tpu.memory_space<vmem>>, vector<1x128x256xf32>,
    return
  }
  func.func @transform_0(%arg0: i32) -> (i32, i32, i32) {
    %c0_i32 = arith.constant 0 : i32
    %c0_i32_0 = arith.constant 0 : i32
    %c0_i32_1 = arith.constant 0 : i32
    return %arg0, %c0_i32, %c0_i32_0 : i32, i32, i32
  }
  func.func @transform_1(%arg0: i32) -> (i32, i32) {
    %c0_i32 = arith.constant 0 : i32
    %c0_i32_0 = arith.constant 0 : i32
    %c0_i32_1 = arith.constant 0 : i32
    return %c0_i32, %c0_i32_0 : i32, i32
  }
  func.func @transform_2(%arg0: i32) -> (i32, i32) {
    %c0_i32 = arith.constant 0 : i32
    %c0_i32_0 = arith.constant 0 : i32
    %c0_i32_1 = arith.constant 0 : i32
    return %c0_i32, %c0_i32_0 : i32, i32
  }
  func.func @transform_3(%arg0: i32) -> (i32, i32, i32) {
    %c0_i32 = arith.constant 0 : i32
    %c0_i32_0 = arith.constant 0 : i32
    %c0_i32_1 = arith.constant 0 : i32
    return %arg0, %c0_i32, %c0_i32_0 : i32, i32, i32
  }
}

module attributes {stable_mosaic.version = 14 : i64} {
  func.func @body(%arg0: i32, %arg1: i32, %arg2: memref<1x3x8192xf32, #tpu.memory_space<vmem>>, %arg3: memref<1x8192x128xf32, #tpu.memory_space<vmem>>, %arg4: memref<1x3x128xf32, #tpu.memory_space<vmem>>, %arg5: memref<1x128x64xf32, #tpu.memory_space<vmem>>, %arg6: memref<1x1x512xf32, #tpu.memory_space<vmem>>, %arg7: memref<512x512xf32, #tpu.memory_space<vmem>>, %arg8: memref<1x512xf32, #tpu.memory_space<vmem>>, %arg9: memref<128x128xf32, #tpu.memory_space<vmem>>, %arg10: memref<39x128xf32, #tpu.memory_space<vmem>>, %arg11: memref<3x128xf32, #tpu.memory_space<vmem>>, %arg12: memref<1x128xf32, #tpu.memory_space<vmem>>, %arg13: memref<128x128xf32, #tpu.memory_space<vmem>>, %arg14: memref<1x128xf32, #tpu.memory_space<vmem>>, %arg15: memref<128x256xf32, #tpu.memory_space<vmem>>, %arg16: memref<1x256xf32, #tpu.memory_space<vmem>>, %arg17: memref<1x128x256xf32, #tpu.memory_space<vmem>>) attributes {dimension_semantics = [#tpu.dimension_semantics<parallel>, #tpu.dimension_semantics<parallel>], iteration_bounds = array<i64: 8, 1>, scalar_prefetch = 0 : i64, scratch_operands = 0 : i64, tpu.core_type = #tpu.core_type<tc>, window_params = [{transform_indices = @transform_0, window_bounds = array<i64: 1, 3, 8192>}, {transform_indices = @transform_1, window_bounds = array<i64: 1, 8192, 128>}, {transform_indices = @transform_2, window_bounds = array<i64: 1, 3, 128>}, {transform_indices = @transform_3, window_bounds = array<i64: 1, 128, 64>}, {transform_indices = @transform_4, window_bounds = array<i64: 1, 1, 512>}, {pipeline_mode = #tpu.pipeline_mode<synchronous>, transform_indices = @transform_5, window_bounds = array<i64: 512, 512>}, {pipeline_mode = #tpu.pipeline_mode<synchronous>, transform_indices = @transform_6, window_bounds = array<i64: 1, 512>}, {pipeline_mode = #tpu.pipeline_mode<synchronous>, transform_indices = @transform_7, window_bounds = array<i64: 128, 128>}, {pipeline_mode = #tpu.pipeline_mode<synchronous>, transform_indices = @transform_8, window_bounds = array<i64: 39, 128>}, {pipeline_mode = #tpu.pipeline_mode<synchronous>, transform_indices = @transform_9, window_bounds = array<i64: 3, 128>}, {pipeline_mode = #tpu.pipeline_mode<synchronous>, transform_indices = @transform_10, window_bounds = array<i64: 1, 128>}, {pipeline_mode = #tpu.pipeline_mode<synchronous>, transform_indices = @transform_11, window_bounds = array<i64: 128, 128>}, {pipeline_mode = #tpu.pipeline_mode<synchronous>, transform_indices = @transform_12, window_bounds = array<i64: 1, 128>}, {pipeline_mode = #tpu.pipeline_mode<synchronous>, transform_indices = @transform_13, window_bounds = array<i64: 128, 256>}, {pipeline_mode = #tpu.pipeline_mode<synchronous>, transform_indices = @transform_14, window_bounds = array<i64: 1, 256>}, {transform_indices = @transform_15, window_bounds = array<i64: 1, 128, 256>}]} {
    %get3A = arith.constant 0 : index
    %get3A_0 = arith.constant 0 : index
    %get3A_1 = arith.constant 0 : index
    %get3A_2 = vector.load %arg2[%get3A, %get3A_0, %get3A_1] : memref<1x3x8192xf32, #tpu.memory_space<vmem>>, vector<1x3x8192xf32>
    %get3A_3 = vector.shape_cast %get3A_2 : vector<1x3x8192xf32> to vector<3x8192xf32>
    %get3A_4 = arith.constant 0 : index
    %get3A_5 = arith.constant 0 : index
    %get3A_6 = arith.constant 0 : index
    %get3A_7 = vector.load %arg4[%get3A_4, %get3A_5, %get3A_6] : memref<1x3x128xf32, #tpu.memory_space<vmem>>, vector<1x3x128xf32>
    %get3A_8 = vector.shape_cast %get3A_7 : vector<1x3x128xf32> to vector<3x128xf32>
    %iota3A = tpu.iota {dimensions = array<i32: 1>} : vector<128x8192xi32>
    %jit3A = arith.constant 64 : i32
    %div3A = vector.broadcast %jit3A : i32 to vector<128x8192xi32>
    %div3A_9 = arith.divsi %iota3A, %div3A : vector<128x8192xi32>
    %sign3A = arith.constant 0 : i32
    %sign3A_10 = vector.broadcast %sign3A : i32 to vector<128x8192xi32>
    %sign3A_11 = arith.cmpi sgt, %iota3A, %sign3A_10 : vector<128x8192xi32>
    %sign3A_12 = arith.extui %sign3A_11 : vector<128x8192xi1> to vector<128x8192xi32>
    %sign3A_13 = arith.constant 0 : i32
    %sign3A_14 = vector.broadcast %sign3A_13 : i32 to vector<128x8192xi32>
    %sign3A_15 = arith.cmpi slt, %iota3A, %sign3A_14 : vector<128x8192xi32>
    %sign3A_16 = arith.extui %sign3A_15 : vector<128x8192xi1> to vector<128x8192xi32>
    %sign3A_17 = arith.subi %sign3A_12, %sign3A_16 : vector<128x8192xi32>
    %sign3A_18 = arith.constant 0 : i32
    %sign3A_19 = arith.cmpi sgt, %jit3A, %sign3A_18 : i32
    %sign3A_20 = arith.extui %sign3A_19 : i1 to i32
    %sign3A_21 = arith.constant 0 : i32
    %sign3A_22 = arith.cmpi slt, %jit3A, %sign3A_21 : i32
    %sign3A_23 = arith.extui %sign3A_22 : i1 to i32
    %sign3A_24 = arith.subi %sign3A_20, %sign3A_23 : i32
    %ne3A = vector.broadcast %sign3A_24 : i32 to vector<128x8192xi32>
    %ne3A_25 = arith.cmpi ne, %sign3A_17, %ne3A : vector<128x8192xi32>
    %rem3A = vector.broadcast %jit3A : i32 to vector<128x8192xi32>
    %rem3A_26 = arith.remsi %iota3A, %rem3A : vector<128x8192xi32>
    %ne3A_27 = arith.constant 0 : i32
    %ne3A_28 = vector.broadcast %ne3A_27 : i32 to vector<128x8192xi32>
    %ne3A_29 = arith.cmpi ne, %rem3A_26, %ne3A_28 : vector<128x8192xi32>
    %and3A = arith.andi %ne3A_25, %ne3A_29 : vector<128x8192xi1>
    %sub3A = arith.constant 1 : i32
    %sub3A_30 = vector.broadcast %sub3A : i32 to vector<128x8192xi32>
    %sub3A_31 = arith.subi %div3A_9, %sub3A_30 : vector<128x8192xi32>
    %select_n3A = arith.select %and3A, %sub3A_31, %div3A_9 : vector<128x8192xi1>, vector<128x8192xi32>
    %iota3A_32 = tpu.iota {dimensions = array<i32: 0>} : vector<128x8192xi32>
    %eq3A = arith.cmpi eq, %select_n3A, %iota3A_32 : vector<128x8192xi32>
    %jit3A_33 = arith.constant 1.000000e+00 : f32
    %jit3A_34 = arith.constant 0.000000e+00 : f32
    %broadcast_in_dim3A = vector.broadcast %jit3A_33 : f32 to vector<128x8192xf32>
    %broadcast_in_dim3A_35 = vector.broadcast %jit3A_34 : f32 to vector<128x8192xf32>
    %select_n3A_36 = arith.select %eq3A, %broadcast_in_dim3A, %broadcast_in_dim3A_35 : vector<128x8192xi1>, vector<128x8192xf32>
    %dot_general3A = arith.constant dense<0.000000e+00> : vector<3x8192xf32>
    %dot_general3A_37 = tpu.matmul %get3A_8, %select_n3A_36, %dot_general3A {dimension_numbers = #tpu.dot_dimension_numbers<[1], [0], [0], [1], [0, 0, 1, 1], [], []>, transpose_lhs_hint = false} : vector<3x128xf32>, vector<128x8192xf32>, vector<3x8192xf32> -> vector<3x8192xf32>
    %sub3A_38 = arith.subf %get3A_3, %dot_general3A_37 : vector<3x8192xf32>
    %mul3A = arith.constant 1.000000e+00 : f32
    %mul3A_39 = vector.broadcast %mul3A : f32 to vector<3x8192xf32>
    %mul3A_40 = arith.mulf %sub3A_38, %mul3A_39 : vector<3x8192xf32>
    %sin3A = math.sin %mul3A_40 : vector<3x8192xf32>
    %cos3A = math.cos %mul3A_40 : vector<3x8192xf32>
    %mul3A_41 = arith.constant 2.000000e+00 : f32
    %mul3A_42 = vector.broadcast %mul3A_41 : f32 to vector<3x8192xf32>
    %mul3A_43 = arith.mulf %sub3A_38, %mul3A_42 : vector<3x8192xf32>
    %sin3A_44 = math.sin %mul3A_43 : vector<3x8192xf32>
    %cos3A_45 = math.cos %mul3A_43 : vector<3x8192xf32>
    %mul3A_46 = arith.constant 4.000000e+00 : f32
    %mul3A_47 = vector.broadcast %mul3A_46 : f32 to vector<3x8192xf32>
    %mul3A_48 = arith.mulf %sub3A_38, %mul3A_47 : vector<3x8192xf32>
    %sin3A_49 = math.sin %mul3A_48 : vector<3x8192xf32>
    %cos3A_50 = math.cos %mul3A_48 : vector<3x8192xf32>
    %mul3A_51 = arith.constant 8.000000e+00 : f32
    %mul3A_52 = vector.broadcast %mul3A_51 : f32 to vector<3x8192xf32>
    %mul3A_53 = arith.mulf %sub3A_38, %mul3A_52 : vector<3x8192xf32>
    %sin3A_54 = math.sin %mul3A_53 : vector<3x8192xf32>
    %cos3A_55 = math.cos %mul3A_53 : vector<3x8192xf32>
    %mul3A_56 = arith.constant 1.600000e+01 : f32
    %mul3A_57 = vector.broadcast %mul3A_56 : f32 to vector<3x8192xf32>
    %mul3A_58 = arith.mulf %sub3A_38, %mul3A_57 : vector<3x8192xf32>
    %sin3A_59 = math.sin %mul3A_58 : vector<3x8192xf32>
    %cos3A_60 = math.cos %mul3A_58 : vector<3x8192xf32>
    %mul3A_61 = arith.constant 3.200000e+01 : f32
    %mul3A_62 = vector.broadcast %mul3A_61 : f32 to vector<3x8192xf32>
    %mul3A_63 = arith.mulf %sub3A_38, %mul3A_62 : vector<3x8192xf32>
    %sin3A_64 = math.sin %mul3A_63 : vector<3x8192xf32>
    %cos3A_65 = math.cos %mul3A_63 : vector<3x8192xf32>
    %concatenate3A = tpu.concatenate %sub3A_38, %sin3A, %cos3A, %sin3A_44, %cos3A_45, %sin3A_49, %cos3A_50, %sin3A_54, %cos3A_55, %sin3A_59, %cos3A_60, %sin3A_64, %cos3A_65 in 0 : vector<3x8192xf32>, vector<3x8192xf32>, vector<3x8192xf32>, vector<3x8192xf32>, vector<3x8192xf32>, vector<3x8192xf32>, vector<3x8192xf32>, vector<3x8192xf32>, vector<3x8192xf32>, vector<3x8192xf32>, vector<3x8192xf32>, vector<3x8192xf32>, vector<3x8192xf32> -> vector<39x8192xf32>
    %get3A_66 = arith.constant 0 : index
    %get3A_67 = arith.constant 0 : index
    %get3A_68 = vector.load %arg10[%get3A_66, %get3A_67] : memref<39x128xf32, #tpu.memory_space<vmem>>, vector<39x128xf32>
    %dot_general3A_69 = arith.constant dense<0.000000e+00> : vector<8192x128xf32>
    %dot_general3A_70 = tpu.matmul %concatenate3A, %get3A_68, %dot_general3A_69 {dimension_numbers = #tpu.dot_dimension_numbers<[0], [0], [1], [1], [0, 1, 1, 1], [], []>, transpose_lhs_hint = false} : vector<39x8192xf32>, vector<39x128xf32>, vector<8192x128xf32> -> vector<8192x128xf32>
    %get3A_71 = arith.constant 0 : index
    %get3A_72 = arith.constant 0 : index
    %get3A_73 = arith.constant 0 : index
    %get3A_74 = vector.load %arg3[%get3A_71, %get3A_72, %get3A_73] : memref<1x8192x128xf32, #tpu.memory_space<vmem>>, vector<1x8192x128xf32>
    %get3A_75 = vector.shape_cast %get3A_74 : vector<1x8192x128xf32> to vector<8192x128xf32>
    %get3A_76 = arith.constant 0 : index
    %get3A_77 = arith.constant 0 : index
    %get3A_78 = vector.load %arg9[%get3A_76, %get3A_77] : memref<128x128xf32, #tpu.memory_space<vmem>>, vector<128x128xf32>
    %dot_general3A_79 = arith.constant dense<0.000000e+00> : vector<8192x128xf32>
    %dot_general3A_80 = tpu.matmul %get3A_75, %get3A_78, %dot_general3A_79 {dimension_numbers = #tpu.dot_dimension_numbers<[1], [0], [0], [1], [0, 0, 1, 1], [], []>, transpose_lhs_hint = false} : vector<8192x128xf32>, vector<128x128xf32>, vector<8192x128xf32> -> vector<8192x128xf32>
    %add3A = arith.addf %dot_general3A_70, %dot_general3A_80 : vector<8192x128xf32>
    %get3A_81 = arith.constant 0 : index
    %get3A_82 = arith.constant 0 : index
    %get3A_83 = vector.load %arg11[%get3A_81, %get3A_82] : memref<3x128xf32, #tpu.memory_space<vmem>>, vector<3x128xf32>
    %dot_general3A_84 = arith.constant dense<0.000000e+00> : vector<8192x128xf32>
    %dot_general3A_85 = tpu.matmul %get3A_3, %get3A_83, %dot_general3A_84 {dimension_numbers = #tpu.dot_dimension_numbers<[0], [0], [1], [1], [0, 1, 1, 1], [], []>, transpose_lhs_hint = false} : vector<3x8192xf32>, vector<3x128xf32>, vector<8192x128xf32> -> vector<8192x128xf32>
    %add3A_86 = arith.addf %add3A, %dot_general3A_85 : vector<8192x128xf32>
    %get3A_87 = arith.constant 0 : index
    %get3A_88 = arith.constant 0 : index
    %get3A_89 = vector.load %arg12[%get3A_87, %get3A_88] : memref<1x128xf32, #tpu.memory_space<vmem>>, vector<1x128xf32>
    %add3A_90 = vector.broadcast %get3A_89 : vector<1x128xf32> to vector<8192x128xf32>
    %add3A_91 = arith.addf %add3A_86, %add3A_90 : vector<8192x128xf32>
    %max3A = arith.constant 0.000000e+00 : f32
    %max3A_92 = vector.broadcast %max3A : f32 to vector<8192x128xf32>
    %max3A_93 = arith.maximumf %add3A_91, %max3A_92 : vector<8192x128xf32>
    %get3A_94 = arith.constant 0 : index
    %get3A_95 = arith.constant 0 : index
    %get3A_96 = vector.load %arg13[%get3A_94, %get3A_95] : memref<128x128xf32, #tpu.memory_space<vmem>>, vector<128x128xf32>
    %dot_general3A_97 = arith.constant dense<0.000000e+00> : vector<8192x128xf32>
    %dot_general3A_98 = tpu.matmul %max3A_93, %get3A_96, %dot_general3A_97 {dimension_numbers = #tpu.dot_dimension_numbers<[1], [0], [0], [1], [0, 0, 1, 1], [], []>, transpose_lhs_hint = false} : vector<8192x128xf32>, vector<128x128xf32>, vector<8192x128xf32> -> vector<8192x128xf32>
    %get3A_99 = arith.constant 0 : index
    %get3A_100 = arith.constant 0 : index
    %get3A_101 = vector.load %arg14[%get3A_99, %get3A_100] : memref<1x128xf32, #tpu.memory_space<vmem>>, vector<1x128xf32>
    %add3A_102 = vector.broadcast %get3A_101 : vector<1x128xf32> to vector<8192x128xf32>
    %add3A_103 = arith.addf %dot_general3A_98, %add3A_102 : vector<8192x128xf32>
    %max3A_104 = arith.constant 0.000000e+00 : f32
    %max3A_105 = vector.broadcast %max3A_104 : f32 to vector<8192x128xf32>
    %max3A_106 = arith.maximumf %add3A_103, %max3A_105 : vector<8192x128xf32>
    %get3A_107 = arith.constant 0 : index
    %get3A_108 = arith.constant 0 : index
    %get3A_109 = vector.load %arg15[%get3A_107, %get3A_108] : memref<128x256xf32, #tpu.memory_space<vmem>>, vector<128x256xf32>
    %dot_general3A_110 = arith.constant dense<0.000000e+00> : vector<8192x256xf32>
    %dot_general3A_111 = tpu.matmul %max3A_106, %get3A_109, %dot_general3A_110 {dimension_numbers = #tpu.dot_dimension_numbers<[1], [0], [0], [1], [0, 0, 1, 1], [], []>, transpose_lhs_hint = false} : vector<8192x128xf32>, vector<128x256xf32>, vector<8192x256xf32> -> vector<8192x256xf32>
    %get3A_112 = arith.constant 0 : index
    %get3A_113 = arith.constant 0 : index
    %get3A_114 = vector.load %arg16[%get3A_112, %get3A_113] : memref<1x256xf32, #tpu.memory_space<vmem>>, vector<1x256xf32>
    %add3A_115 = vector.broadcast %get3A_114 : vector<1x256xf32> to vector<8192x256xf32>
    %add3A_116 = arith.addf %dot_general3A_111, %add3A_115 : vector<8192x256xf32>
    %max3A_117 = arith.constant 0.000000e+00 : f32
    %max3A_118 = vector.broadcast %max3A_117 : f32 to vector<8192x256xf32>
    %max3A_119 = arith.maximumf %add3A_116, %max3A_118 : vector<8192x256xf32>
    %get3A_120 = arith.constant 0 : index
    %get3A_121 = arith.constant 0 : index
    %get3A_122 = arith.constant 0 : index
    %get3A_123 = vector.load %arg6[%get3A_120, %get3A_121, %get3A_122] : memref<1x1x512xf32, #tpu.memory_space<vmem>>, vector<1x1x512xf32>
    %get3A_124 = vector.shape_cast %get3A_123 : vector<1x1x512xf32> to vector<1x512xf32>
    %get3A_125 = arith.constant 0 : index
    %get3A_126 = arith.constant 0 : index
    %get3A_127 = vector.load %arg7[%get3A_125, %get3A_126] : memref<512x512xf32, #tpu.memory_space<vmem>>, vector<512x512xf32>
    %dot_general3A_128 = arith.constant dense<0.000000e+00> : vector<1x512xf32>
    %dot_general3A_129 = tpu.matmul %get3A_124, %get3A_127, %dot_general3A_128 {dimension_numbers = #tpu.dot_dimension_numbers<[1], [0], [0], [1], [0, 0, 1, 1], [], []>, transpose_lhs_hint = false} : vector<1x512xf32>, vector<512x512xf32>, vector<1x512xf32> -> vector<1x512xf32>
    %get3A_130 = arith.constant 0 : index
    %get3A_131 = arith.constant 0 : index
    %get3A_132 = vector.load %arg8[%get3A_130, %get3A_131] : memref<1x512xf32, #tpu.memory_space<vmem>>, vector<1x512xf32>
    %add3A_133 = arith.addf %dot_general3A_129, %get3A_132 : vector<1x512xf32>
    %slice3A = vector.extract_strided_slice %add3A_133 {offsets = [0, 0], sizes = [1, 256], strides = [1, 1]} : vector<1x512xf32> to vector<1x256xf32>
    %slice3A_134 = vector.extract_strided_slice %add3A_133 {offsets = [0, 256], sizes = [1, 256], strides = [1, 1]} : vector<1x512xf32> to vector<1x256xf32>
    %add3A_135 = arith.constant 1.000000e+00 : f32
    %add3A_136 = vector.broadcast %add3A_135 : f32 to vector<1x256xf32>
    %add3A_137 = arith.addf %add3A_136, %slice3A : vector<1x256xf32>
    %mul3A_138 = vector.broadcast %add3A_137 : vector<1x256xf32> to vector<8192x256xf32>
    %mul3A_139 = arith.mulf %mul3A_138, %max3A_119 : vector<8192x256xf32>
    %add3A_140 = vector.broadcast %slice3A_134 : vector<1x256xf32> to vector<8192x256xf32>
    %add3A_141 = arith.addf %mul3A_139, %add3A_140 : vector<8192x256xf32>
    %reshape3A = vector.shape_cast %add3A_141 : vector<8192x256xf32> to vector<128x64x256xf32>
    %get3A_142 = arith.constant 0 : index
    %get3A_143 = arith.constant 0 : index
    %get3A_144 = arith.constant 0 : index
    %get3A_145 = vector.load %arg5[%get3A_142, %get3A_143, %get3A_144] : memref<1x128x64xf32, #tpu.memory_space<vmem>>, vector<1x128x64xf32>
    %get3A_146 = vector.shape_cast %get3A_145 : vector<1x128x64xf32> to vector<128x64xf32>
    %broadcast_in_dim3A_147 = vector.shape_cast %get3A_146 : vector<128x64xf32> to vector<128x64x1xf32>
    %gt3A = arith.constant 0.000000e+00 : f32
    %gt3A_148 = vector.broadcast %gt3A : f32 to vector<128x64x1xf32>
    %gt3A_149 = arith.cmpf ogt, %broadcast_in_dim3A_147, %gt3A_148 : vector<128x64x1xf32>
    %jit3A_150 = arith.constant 0xFF800000 : f32
    %broadcast_in_dim3A_151 = vector.shape_cast %gt3A_149 : vector<128x64x1xi1> to vector<128x64x1xi1>
    %broadcast_in_dim3A_152 = vector.broadcast %broadcast_in_dim3A_151 : vector<128x64x1xi1> to vector<128x64x256xi1>
    %broadcast_in_dim3A_153 = vector.broadcast %jit3A_150 : f32 to vector<128x64x256xf32>
    %select_n3A_154 = arith.select %broadcast_in_dim3A_152, %reshape3A, %broadcast_in_dim3A_153 : vector<128x64x256xi1>, vector<128x64x256xf32>
    %reduce_max3A = arith.constant dense<0xFF800000> : vector<128x256xf32>
    %reduce_max3A_155 = vector.multi_reduction <maximumf>, %select_n3A_154, %reduce_max3A [1] : vector<128x64x256xf32> to vector<128x256xf32>
    %ne3A_156 = arith.constant 0xFF800000 : f32
    %ne3A_157 = vector.broadcast %ne3A_156 : f32 to vector<128x256xf32>
    %ne3A_158 = arith.cmpf one, %reduce_max3A_155, %ne3A_157 : vector<128x256xf32>
    %jit3A_159 = arith.constant 0.000000e+00 : f32
    %broadcast_in_dim3A_160 = vector.broadcast %jit3A_159 : f32 to vector<128x256xf32>
    %select_n3A_161 = arith.select %ne3A_158, %reduce_max3A_155, %broadcast_in_dim3A_160 : vector<128x256xi1>, vector<128x256xf32>
    %broadcast_in_dim3A_162 = vector.shape_cast %select_n3A_161 : vector<128x256xf32> to vector<1x128x256xf32>
    %swap3A = arith.constant 0 : index
    %swap3A_163 = arith.constant 0 : index
    %swap3A_164 = arith.constant 0 : index
    %swap3A_165 = vector.load %arg17[%swap3A, %swap3A_163, %swap3A_164] : memref<1x128x256xf32, #tpu.memory_space<vmem>>, vector<1x128x256xf32>
    tpu.vector_store %arg17[%swap3A, %swap3A_163, %swap3A_164], %broadcast_in_dim3A_162 {strides = array<i32>} : memref<1x128x256xf32, #tpu.memory_space<vmem>>, vector<1x128x256xf32>,
    return
  }
  func.func @transform_0(%arg0: i32, %arg1: i32) -> (i32, i32, i32) {
    %c0_i32 = arith.constant 0 : i32
    %c0_i32_0 = arith.constant 0 : i32
    return %arg0, %c0_i32, %arg1 : i32, i32, i32
  }
  func.func @transform_1(%arg0: i32, %arg1: i32) -> (i32, i32, i32) {
    %c0_i32 = arith.constant 0 : i32
    %c0_i32_0 = arith.constant 0 : i32
    return %arg0, %arg1, %c0_i32 : i32, i32, i32
  }
  func.func @transform_2(%arg0: i32, %arg1: i32) -> (i32, i32, i32) {
    %c0_i32 = arith.constant 0 : i32
    %c0_i32_0 = arith.constant 0 : i32
    return %arg0, %c0_i32, %arg1 : i32, i32, i32
  }
  func.func @transform_3(%arg0: i32, %arg1: i32) -> (i32, i32, i32) {
    %c0_i32 = arith.constant 0 : i32
    %c0_i32_0 = arith.constant 0 : i32
    return %arg0, %arg1, %c0_i32 : i32, i32, i32
  }
  func.func @transform_4(%arg0: i32, %arg1: i32) -> (i32, i32, i32) {
    %c0_i32 = arith.constant 0 : i32
    %c0_i32_0 = arith.constant 0 : i32
    %c0_i32_1 = arith.constant 0 : i32
    return %arg0, %c0_i32, %c0_i32_0 : i32, i32, i32
  }
  func.func @transform_5(%arg0: i32, %arg1: i32) -> (i32, i32) {
    %c0_i32 = arith.constant 0 : i32
    %c0_i32_0 = arith.constant 0 : i32
    %c0_i32_1 = arith.constant 0 : i32
    return %c0_i32, %c0_i32_0 : i32, i32
  }
  func.func @transform_6(%arg0: i32, %arg1: i32) -> (i32, i32) {
    %c0_i32 = arith.constant 0 : i32
    %c0_i32_0 = arith.constant 0 : i32
    %c0_i32_1 = arith.constant 0 : i32
    return %c0_i32, %c0_i32_0 : i32, i32
  }
  func.func @transform_7(%arg0: i32, %arg1: i32) -> (i32, i32) {
    %c0_i32 = arith.constant 0 : i32
    %c0_i32_0 = arith.constant 0 : i32
    %c0_i32_1 = arith.constant 0 : i32
    return %c0_i32, %c0_i32_0 : i32, i32
  }
  func.func @transform_8(%arg0: i32, %arg1: i32) -> (i32, i32) {
    %c0_i32 = arith.constant 0 : i32
    %c0_i32_0 = arith.constant 0 : i32
    %c0_i32_1 = arith.constant 0 : i32
    return %c0_i32, %c0_i32_0 : i32, i32
  }
  func.func @transform_9(%arg0: i32, %arg1: i32) -> (i32, i32) {
    %c0_i32 = arith.constant 0 : i32
    %c0_i32_0 = arith.constant 0 : i32
    %c0_i32_1 = arith.constant 0 : i32
    return %c0_i32, %c0_i32_0 : i32, i32
  }
  func.func @transform_10(%arg0: i32, %arg1: i32) -> (i32, i32) {
    %c0_i32 = arith.constant 0 : i32
    %c0_i32_0 = arith.constant 0 : i32
    %c0_i32_1 = arith.constant 0 : i32
    return %c0_i32, %c0_i32_0 : i32, i32
  }
  func.func @transform_11(%arg0: i32, %arg1: i32) -> (i32, i32) {
    %c0_i32 = arith.constant 0 : i32
    %c0_i32_0 = arith.constant 0 : i32
    %c0_i32_1 = arith.constant 0 : i32
    return %c0_i32, %c0_i32_0 : i32, i32
  }
  func.func @transform_12(%arg0: i32, %arg1: i32) -> (i32, i32) {
    %c0_i32 = arith.constant 0 : i32
    %c0_i32_0 = arith.constant 0 : i32
    %c0_i32_1 = arith.constant 0 : i32
    return %c0_i32, %c0_i32_0 : i32, i32
  }
  func.func @transform_13(%arg0: i32, %arg1: i32) -> (i32, i32) {
    %c0_i32 = arith.constant 0 : i32
    %c0_i32_0 = arith.constant 0 : i32
    %c0_i32_1 = arith.constant 0 : i32
    return %c0_i32, %c0_i32_0 : i32, i32
  }
  func.func @transform_14(%arg0: i32, %arg1: i32) -> (i32, i32) {
    %c0_i32 = arith.constant 0 : i32
    %c0_i32_0 = arith.constant 0 : i32
    %c0_i32_1 = arith.constant 0 : i32
    return %c0_i32, %c0_i32_0 : i32, i32
  }
  func.func @transform_15(%arg0: i32, %arg1: i32) -> (i32, i32, i32) {
    %c0_i32 = arith.constant 0 : i32
    %c0_i32_0 = arith.constant 0 : i32
    return %arg0, %arg1, %c0_i32 : i32, i32, i32
  }
}

module attributes {stable_mosaic.version = 14 : i64} {
  func.func @body(%arg0: i32, %arg1: memref<1x128x256xf32, #tpu.memory_space<vmem>>, %arg2: memref<256x256xf32, #tpu.memory_space<vmem>>, %arg3: memref<1x256xf32, #tpu.memory_space<vmem>>, %arg4: memref<1x128x256xf32, #tpu.memory_space<vmem>>) attributes {dimension_semantics = [#tpu.dimension_semantics<parallel>], iteration_bounds = array<i64: 8>, scalar_prefetch = 0 : i64, scratch_operands = 0 : i64, tpu.core_type = #tpu.core_type<tc>, window_params = [{transform_indices = @transform_0, window_bounds = array<i64: 1, 128, 256>}, {pipeline_mode = #tpu.pipeline_mode<synchronous>, transform_indices = @transform_1, window_bounds = array<i64: 256, 256>}, {pipeline_mode = #tpu.pipeline_mode<synchronous>, transform_indices = @transform_2, window_bounds = array<i64: 1, 256>}, {transform_indices = @transform_3, window_bounds = array<i64: 1, 128, 256>}]} {
    %get3A = arith.constant 0 : index
    %get3A_0 = arith.constant 0 : index
    %get3A_1 = arith.constant 0 : index
    %get3A_2 = vector.load %arg1[%get3A, %get3A_0, %get3A_1] : memref<1x128x256xf32, #tpu.memory_space<vmem>>, vector<1x128x256xf32>
    %get3A_3 = vector.shape_cast %get3A_2 : vector<1x128x256xf32> to vector<128x256xf32>
    %get3A_4 = arith.constant 0 : index
    %get3A_5 = arith.constant 0 : index
    %get3A_6 = vector.load %arg2[%get3A_4, %get3A_5] : memref<256x256xf32, #tpu.memory_space<vmem>>, vector<256x256xf32>
    %dot_general3A = arith.constant dense<0.000000e+00> : vector<128x256xf32>
    %dot_general3A_7 = tpu.matmul %get3A_3, %get3A_6, %dot_general3A {dimension_numbers = #tpu.dot_dimension_numbers<[1], [0], [0], [1], [0, 0, 1, 1], [], []>, transpose_lhs_hint = false} : vector<128x256xf32>, vector<256x256xf32>, vector<128x256xf32> -> vector<128x256xf32>
    %get3A_8 = arith.constant 0 : index
    %get3A_9 = arith.constant 0 : index
    %get3A_10 = vector.load %arg3[%get3A_8, %get3A_9] : memref<1x256xf32, #tpu.memory_space<vmem>>, vector<1x256xf32>
    %add3A = vector.broadcast %get3A_10 : vector<1x256xf32> to vector<128x256xf32>
    %add3A_11 = arith.addf %dot_general3A_7, %add3A : vector<128x256xf32>
    %max3A = arith.constant 0.000000e+00 : f32
    %max3A_12 = vector.broadcast %max3A : f32 to vector<128x256xf32>
    %max3A_13 = arith.maximumf %add3A_11, %max3A_12 : vector<128x256xf32>
    %broadcast_in_dim3A = vector.shape_cast %max3A_13 : vector<128x256xf32> to vector<1x128x256xf32>
    %swap3A = arith.constant 0 : index
    %swap3A_14 = arith.constant 0 : index
    %swap3A_15 = arith.constant 0 : index
    %swap3A_16 = vector.load %arg4[%swap3A, %swap3A_14, %swap3A_15] : memref<1x128x256xf32, #tpu.memory_space<vmem>>, vector<1x128x256xf32>
    tpu.vector_store %arg4[%swap3A, %swap3A_14, %swap3A_15], %broadcast_in_dim3A {strides = array<i32>} : memref<1x128x256xf32, #tpu.memory_space<vmem>>, vector<1x128x256xf32>,
    return
  }
  func.func @transform_0(%arg0: i32) -> (i32, i32, i32) {
    %c0_i32 = arith.constant 0 : i32
    %c0_i32_0 = arith.constant 0 : i32
    %c0_i32_1 = arith.constant 0 : i32
    return %arg0, %c0_i32, %c0_i32_0 : i32, i32, i32
  }
  func.func @transform_1(%arg0: i32) -> (i32, i32) {
    %c0_i32 = arith.constant 0 : i32
    %c0_i32_0 = arith.constant 0 : i32
    %c0_i32_1 = arith.constant 0 : i32
    return %c0_i32, %c0_i32_0 : i32, i32
  }
  func.func @transform_2(%arg0: i32) -> (i32, i32) {
    %c0_i32 = arith.constant 0 : i32
    %c0_i32_0 = arith.constant 0 : i32
    %c0_i32_1 = arith.constant 0 : i32
    return %c0_i32, %c0_i32_0 : i32, i32
  }
  func.func @transform_3(%arg0: i32) -> (i32, i32, i32) {
    %c0_i32 = arith.constant 0 : i32
    %c0_i32_0 = arith.constant 0 : i32
    %c0_i32_1 = arith.constant 0 : i32
    return %arg0, %c0_i32, %c0_i32_0 : i32, i32, i32
  }
}

</mosaic_0001>

<sc_bundles>
// kernel: kernel.14.cloned.1.call-start
scs
__scs_entry_jumppad:
0x0: {  	(pc) =	sbr.rel $0x88, $3  }
0x1: {  	(tag) =	ssettag $0x0;
	lr =	simm.s32 $0x1  }
0x2: {  	[smem:$0x3F88] =	sst lr;
	_ =	strace $0xD0000000  }
0x3: {  	_ = 	snop  }
0x4: {  	_ = 	snop  }
0x5: {  	_ = 	snop  }
0x6: {  	_ = 	snop  }
0x7: {  	_ = 	snop  }
__scs_overlays_trampoline_lowered:
0x8: {  	[smem:$0x3F97] =	sst s0  }
0x9: {  	[smem:$0x3F98] =	sst s1  }
0xa: {  	[smem:$0x3F99] =	sst s2  }
0xb: {  	[smem:$0x3F9A] =	sst s3  }
0xc: {  	[smem:$0x3F9B] =	sst s4  }
0xd: {  	[smem:$0x3F9C] =	sst s5  }
0xe: {  	[smem:$0x3F9D] =	sst s6  }
0xf: {  	[smem:$0x3F9E] =	sst s7  }
0x10: {  	[smem:$0x3F9F] =	sst s8  }
0x11: {  	[smem:$0x3FA0] =	sst s9;
	s0 =	simm.s32 @!p0 $0x0  }
0x12: {  	s1 =	sld [smem:$0x3F86];
	s0 =	simm.s32 @p0 $0x1  }
0x13: {  	[smem:$0x3FA1] =	sst s0;
	s0 =	simm.s32 @!p1 $0x0  }
0x14: {  	s2 =	sld [smem:$0x3F85];
	s0 =	simm.s32 @p1 $0x1  }
0x15: {  	[smem:$0x3FA2] =	sst s0;
	s0 =	simm.s32 @!p2 $0x0  }
0x16: {  	s3 =	sld [smem:$0x3FDB];
	s0 =	simm.s32 @p2 $0x1  }
0x17: {  	s4 =	simm.s32 $0x1BF5;
	[smem:$0x3FA4] =	sst s0  }
0x18: {  	s0 =	sld [smem:$0x3F87];
	_ =	swait.ge [sflag:s4], $0x0  }
0x19: {  	s7 =	sld [smem:$0x3F88]  }
0x1a: {  	s8 =	sadd.s32 $0xFFFFE003, lr  }
0x1b: {  	s9 =	sadd.s32 $0xFFFFFEF7, lr;
	s5 =	simm.s32 $0xFFFFFFFF;
	p2 =	slt.u32 s8, $0xFFFFF086  }
0x1c: {  	p1 =	slt.u32 s9, $0xF7A;
	s5 =	simm.s32 @!p2 $0x0  }
0x1d: {  	s5 =	simm.s32 @p1 $0x1;
	p0 =	seq.s32 s7, s2  }
0x1e: {  	s7 =	smul.u32 @!p0 $0xF7A, s2;
	p2 =	seq.s32 @!p0 s5, $0x0  }
0x1f: {  	s9 =	smul.u32 $0xF7A, s1;
	s8 =	simm.s32 @!p0 $0x1BF5;
	p2 =	por !p2, p0  }
0x20: {  	[sflag:s8] =	ssyncset.s32 @!p0 $0xFFFFF086;
	s6 =	sadd.s32 @!p0 s3, s7;
	s7 =	simm.s32 @!p0 $0x108  }
0x21: {  	s3 =	sadd.s32 s3, s9;
	s6 =	sadd.s32 @!p0 $0x88, s6;
	s7 =	simm.s32 @p2 $0x1082  }
0x22: {  	[simem:s7], [sflag:s8] =	dma.local @!p0 [hbm:s6], $0xF7A  }
0x23: {  	s9 =	sor.u32 $0xD0000000, s2;
	s6 =	simm.s32 $0x108;
	_ =	swait.ge @!p0 [sflag:s8], $0x0  }
0x24: {  	s3 =	sadd.s32 $0x88, s3;
	s6 =	simm.s32 @!p1 $0x1082;
	[sflag:s4] =	ssyncset.s32 $0xFFFFF086  }
0x25: {  	[simem:s6], [sflag:s4] =	dma.local [hbm:s3], $0xF7A  }
0x26: {  	[smem:$0x3F88] =	sst s1;
	(tag) =	ssettag s2;
	_ =	strace s9  }
0x27: {  	s1 =	sld [smem:$0x3F98]  }
0x28: {  	s2 =	sld [smem:$0x3F99]  }
0x29: {  	s4 =	sld [smem:$0x3F9B]  }
0x2a: {  	p0 =	seq.s32 s5, $0x0;
	s5 =	sld [smem:$0x3F9C]  }
0x2b: {  	s6 =	sld [smem:$0x3F9D]  }
0x2c: {  	s7 =	sld [smem:$0x3F9E]  }
0x2d: {  	s3 =	simm.s32 $0x108;
	s8 =	sld [smem:$0x3F9F]  }
0x2e: {  	s3 =	simm.s32 @!p0 $0x1082;
	s9 =	sld [smem:$0x3FA0]  }
0x2f: {  	lr =	sadd.s32 s0, s3;
	s0 =	sld [smem:$0x3F97]  }
0x30: {  	s3 =	sld [smem:$0x3F9A]  }
0x31: {  	[smem:$0x3FA3] =	sst s10  }
0x32: {  	s10 =	sld [smem:$0x3FA1];
	_ =	sdelay $0x3  }
0x33: {  	p0 =	seq.s32 s10, $0x1;
	s10 =	sld [smem:$0x3FA3];
	_ =	sdelay $0x3  }
0x34: {  	[smem:$0x3FA3] =	sst s10  }
0x35: {  	s10 =	sld [smem:$0x3FA2];
	_ =	sdelay $0x3  }
0x36: {  	p1 =	seq.s32 s10, $0x1;
	s10 =	sld [smem:$0x3FA3];
	_ =	sdelay $0x3  }
0x37: {  	[smem:$0x3FA3] =	sst s10  }
0x38: {  	s10 =	sld [smem:$0x3FA4]  }
0x39: {  	_ = 	snop;
	(pc) =	sbr.ind lr, $3  }
0x3a: {  	_ = 	snop  }
0x3b: {  	_ = 	snop  }
0x3c: {  	p2 =	seq.s32 s10, $0x1;
	s10 =	sld [smem:$0x3FA3]  }
0x3d: {  	_ =	shalt  }
0x3e: {  	_ =	shalt  }
0x3f: {  	_ =	shalt  }
0x40: {  	_ =	shalt  }
0x41: {  	_ =	shalt  }
0x42: {  	_ =	shalt  }
0x43: {  	_ =	shalt  }
0x44: {  	_ =	shalt  }
0x45: {  	_ =	shalt  }
0x46: {  	_ =	shalt  }
0x47: {  	_ =	shalt  }
0x48: {  	_ =	shalt  }
0x49: {  	_ =	shalt  }
0x4a: {  	_ =	shalt  }
0x4b: {  	_ =	shalt  }
0x4c: {  	_ =	shalt  }
0x4d: {  	_ =	shalt  }
0x4e: {  	_ =	shalt  }
0x4f: {  	_ =	shalt  }
0x50: {  	_ =	shalt  }
0x51: {  	_ =	shalt  }
0x52: {  	_ =	shalt  }
0x53: {  	_ =	shalt  }
0x54: {  	_ =	shalt  }
0x55: {  	_ =	shalt  }
0x56: {  	_ =	shalt  }
0x57: {  	_ =	shalt  }
0x58: {  	_ =	shalt  }
0x59: {  	_ =	shalt  }
0x5a: {  	_ =	shalt  }
0x5b: {  	_ =	shalt  }
0x5c: {  	_ =	shalt  }
0x5d: {  	_ =	shalt  }
0x5e: {  	_ =	shalt  }
0x5f: {  	_ =	shalt  }
0x60: {  	_ =	shalt  }
0x61: {  	_ =	shalt  }
0x62: {  	_ =	shalt  }
0x63: {  	_ =	shalt  }
0x64: {  	_ =	shalt  }
0x65: {  	_ =	shalt  }
0x66: {  	_ =	shalt  }
0x67: {  	_ =	shalt  }
0x68: {  	_ =	shalt  }
0x69: {  	_ =	shalt  }
0x6a: {  	_ =	shalt  }
0x6b: {  	_ =	shalt  }
0x6c: {  	_ =	shalt  }
0x6d: {  	_ =	shalt  }
0x6e: {  	_ =	shalt  }
0x6f: {  	_ =	shalt  }
0x70: {  	_ =	shalt  }
0x71: {  	_ =	shalt  }
0x72: {  	_ =	shalt  }
0x73: {  	_ =	shalt  }
0x74: {  	_ =	shalt  }
0x75: {  	_ =	shalt  }
0x76: {  	_ =	shalt  }
0x77: {  	_ =	shalt  }
0x78: {  	_ =	shalt  }
0x79: {  	_ =	shalt  }
0x7a: {  	_ =	shalt  }
0x7b: {  	_ =	shalt  }
0x7c: {  	_ =	shalt  }
0x7d: {  	_ =	shalt  }
0x7e: {  	_ =	shalt  }
0x7f: {  	_ =	shalt  }
0x80: {  	_ =	shalt  }
0x81: {  	_ =	shalt  }
0x82: {  	_ =	shalt  }
0x83: {  	_ =	shalt  }
0x84: {  	_ =	shalt  }
0x85: {  	_ =	shalt  }
0x86: {  	_ =	shalt  }
0x87: {  	_ =	shalt  }
.Lfunc_end0:
.L_simem_size_0:
called_computation_lowered:
.L_overlay_start_0:
0x88: {  	s2 =	sld [smem:$0x3FD9]  }
0x89: {  	s3 =	sld [smem:$0x3FFE];
	_ =	sdelay $0x1  }
0x8a: {  	s1 =	srdreg.scid  }
0x8b: {  	s0 =	sand.u32 $0x1, s1  }
0x8c: {  	s14 =	sshll.u32 s0, $0xA;
	s2 =	sadd.s32 s3, s2  }
0x8d: {  	s2 =	sadd.s32 s2, s14  }
0x8e: {  	[smem:$0x3FAF] =	sst s2  }
0x8f: {  	_ = 	snop  }
0x90: {  	s2 =	sld [smem:$0x3FD0];
	_ =	sdelay $0x2  }
0x91: {  	s15 =	simm.s32 $0xB;
	s4 =	simm.s32 $0x10  }
0x92: {  	[smem:s4], [sflag:s15] =	dma.local [hbm:s2], $0x1  }
0x93: {  	_ =	swait.eq [sflag:s15], $0x1  }
0x94: {  	[sflag:s15] =	ssyncset.done $0x0  }
0x95: {  	[sflag:s15] =	ssyncadd.s32 $0xFFFFFFFF  }
0x96: {  	s16 =	sld [smem:$0x11];
	(tm) =	ssettm $0x1  }
0x97: {  	s17 =	sld [smem:$0x3FFB];
	_ =	sdelay $0x3  }
0x98: {  	_ =	strace s17  }
0x99: {  	s3 =	sld [smem:$0x3FFC];
	_ =	sdelay $0x3  }
0x9a: {  	_ =	strace s3  }
0x9b: {  	s3 =	sld [smem:$0x3FFD];
	_ =	sdelay $0x3  }
0x9c: {  	_ =	strace s3  }
0x9d: {  	_ =	strace $0x8FFFFFFF  }
0x9e: {  	s18 =	sld [smem:$0x3FDB];
	_ =	sdelay $0x1  }
0x9f: {  	s19 =	simm.s32 $_scs_section_size  }
0xa0: {  	s5 =	simm.s32 $_size__tile_overlayer_lowered;
	s6 =	simm.s32 $_tile_overlayer_lowered  }
0xa1: {  	s22 =	simm.s32 $0x1BFF;
	s21 =	sshll.u32 s6, $0x1;
	s3 =	sadd.s32 s19, s18  }
0xa2: {  	s7 =	simm.s32 $0x0;
	s20 =	sshll.u32 s5, $0x1;
	s5 =	sadd.s32 s21, s3  }
0xa3: {  	[timem:s7], [sflag:s22] =	dma.local [hbm:s5], s20  }
0xa4: {  	_ =	swait.ge [sflag:s22], s20  }
0xa5: {  	s4 =	ssub.s32 $0x0, s20;
	[sflag:s22] =	ssyncset.done $0x0  }
0xa6: {  	[sflag:s22] =	ssyncadd.s32 s4;
	_ =	sdelay $0x1  }
0xa7: {  	s23 =	simm.s32 $0x1B8B  }
0xa8: {  	_ =	swait.ge [sflag:s23], $0x1  }
0xa9: {  	[sflag:s23] =	ssyncset.done $0x0  }
0xaa: {  	s25 =	simm.s32 $0x1B8E;
	s24 =	sld [smem:$0x3FFE];
	[sflag:s23] =	ssyncadd.s32 $0xFFFFFFFF  }
0xab: {  	s26 =	simm.s32 $execute0_lowered;
	[smem:$0x3FD2] =	sst s25  }
0xac: {  	s5 =	sshll.u32 s26, $0x1;
	_ =	strace $0x80000046;
	[dreg:$0x1] =	wrdreg $0xFFFFFFFF  }
0xad: {  	s28 =	simm.s32 $_size_execute0_lowered;
	s3 =	sadd.s32 s3, s5;
	[dreg:$0x0] =	wrdreg $0x0  }
0xae: {  	s5 =	sshll.u32 s28, $0x1;
	[dreg:$0x2] =	wrdreg s3  }
0xaf: {  	[dreg:$0x3] =	wrdreg s5  }
0xb0: {  	[dreg:$0x4] =	wrdreg $0xC0  }
0xb1: {  	_ =	task [dreg:s7], $0x5FFFF  }
0xb2: {  	[dreg:$0x1] =	wrdreg $0xFFFFFFFF  }
0xb3: {  	[dreg:$0x0] =	wrdreg $0x60  }
0xb4: {  	[dreg:$0x2] =	wrdreg s24  }
0xb5: {  	[dreg:$0x3] =	wrdreg s16  }
0xb6: {  	[dreg:$0x4] =	wrdreg $0xA  }
0xb7: {  	_ =	task.clear_ibuf [dreg:s7], $0x5FFFF;
	_ =	strace $0x90000046  }
0xb8: {  	s29 =	simm.s32 $0xA;
	_ =	strace $0x80000048  }
0xb9: {  	_ =	swait.ge [sflag:s29], $0x1  }
0xba: {  	[sflag:s29] =	ssyncadd.s32 $0xFFFFFFFF  }
0xbb: {  	_ =	strace $0x90000048  }
0xbc: {  	_ =	sfence  }
0xbd: {  	s30 =	sld [smem:$0x0];
	_ =	sdelay $0x2  }
0xbe: {  	s31 =	sshll.u32 s1, $0xD;
	s1 =	sshrl.u32 s1, $0x2  }
0xbf: {  	s3 =	sand.u32 $0x4000, s31;
	s1 =	sadd.s32 s1, s30  }
0xc0: {  	s0 =	sor.u32 s3, s0;
	s1 =	sshll.u32 s1, $0x11  }
0xc1: {  	s0 =	sor.u32 s1, s0  }
0xc2: {  	s0 =	sadd.s32 $0x8F2B, s0  }
0xc3: {  	[sflag:s0] =	ssyncadd.remote.s32 $0x1  }
0xc4: {  	_ =	sfence.sel $0xFFFF  }
0xc5: {  	[dreg:$0x0] =	wrdreg $0xFFFFFFFF;
	(pc) =	sbr.abs _section_cstart, $3  }
0xc6: {  	[dreg:$0x1] =	wrdreg $0xFFFFFFFF  }
0xc7: {  	_ =	task.clear_ibuf [dreg:s7], $0x2FFFF;
	_ =	strace $0x9FFFFFFF  }
0xc8: {  	(tm) =	ssettm $0x7FFFFFFF  }
0xc9: {  	_ =	shalt  }
tec
execute0_lowered:
.L_overlay_start_1:
0x0: {  	(tag) =	ssettag $0x1  }
0x1: {  	s4 =	rddreg [dreg:$0x0]  }
0x2: {  	s10 =	rddreg [dreg:$0x1]  }
0x3: {  	s0 =	rddreg [dreg:$0x2];
	s1 =	simm.s32 $0x0  }
0x4: {  	s5 =	srdreg.scid;
	s2 =	stileid.u32;
	s15 =	simm.s32 $0x0  }
0x5: {  	[smem:$0x7FF] =	sst s1;
	s3 =	sadd.s32 $0x4800, s4;
	s5 =	sand.u32 $0x1, s5  }
0x6: {  	s7 =	sshll.u32 s2, $0xE;
	s6 =	ssub.s32 $0x2, s5;
	s5 =	sshll.u32 s5, $0xD  }
0x7: {  	s11 =	sadd.s32 $0x7800, s4;
	s25 =	sshrl.u32 s6, $0x1;
	s5 =	sor.u32 s5, s7  }
0x8: {  	_ =	strace $0x80000047;
	s12 =	ssub.s32 s6, s25;
	s26 =	sshrl.u32 s5, $0x3  }
0x9: {  	s9 =	sshrl.u32 s5, $0x7;
	s5 =	sadd.s32 s11, s5;
	s4 =	sadd.s32 s10, s26  }
0xa: {  	s28 =	sor.u32 $0x10, s9;
	s13 =	sor.u32 $0x20, s9;
	s14 =	sor.u32 $0x30, s9  }
0xb: {  	s12 =	smax.u32 s12, $0x1;
	s29 =	sshll.u32 s28, $0x4;
	s8 =	sshll.u32 s28, $0x7  }
0xc: {  	s30 =	sshll.u32 s13, $0x4;
	s13 =	sshll.u32 s13, $0x7;
	s31 =	sshll.u32 s14, $0x4  }
0xd: {  	s14 =	sshll.u32 s14, $0x7;
	s6 =	sadd.s32 s10, s29;
	s7 =	sadd.s32 s11, s8  }
0xe: {  	s8 =	sadd.s32 s10, s30;
	s9 =	sadd.s32 s11, s13;
	s10 =	sadd.s32 s10, s31  }
0xf: {  	s11 =	sadd.s32 s11, s14;
	s13 =	simm.s32 $0x1;
	s14 =	simm.s32 $0x18800  }
.LBB2_1:
0x10: {  	[tilespmem:s1], [sflag:$0x1] =	stream.linear.gather [hbm4b:s3+s1], $0x18000, $0x38;
	[tilespmem:$0x1C800] =	vst v63  }
0x11: {  	_ =	swait.ge [sflag:s13], $0x18000  }
0x12: {  	[sflag:s13] =	ssyncset.done $0x0  }
0x13: {  	s16 =	simm.s32 $0x18000;
	[sflag:s13] =	ssyncadd.s32 $0xFFFE8000  }
0x14: {  	[tilespmem:s16], [sflag:$0x1] =	stream.linear.gather [hbm4b:s4+s1], $0x800, $0x38;
	[tilespmem:$0x1C800] =	vst v63  }
0x15: {  	_ =	swait.ge [sflag:s13], $0x800  }
0x16: {  	[sflag:s13] =	ssyncset.done $0x0  }
0x17: {  	[sflag:s13] =	ssyncadd.s32 $0xFFFFF800  }
0x18: {  	v0 =	vld [tilespmem:s16+$0x0];
	_ =	sdelay $0x4  }
0x19: {  	v0 =	vmul.u32 $0x6, v0;
	_ =	sdelay $0x5  }
0x1a: {  	v1 =	vld.idx.msk [tilespmem:v0+s1+$0x0], $0xffff  }
0x1b: {  	v2 =	vor.u32 $0x1, v0;
	_ =	sdelay $0x1  }
0x1c: {  	s17 =	sand.u32 $0x70, s1;
	s18 =	sand.u32 $0x3C00, s1  }
0x1d: {  	s17 =	sor.u32 s17, s18  }
0x1e: {  	[tilespmem:s17+$0x18800] =	vst v1  }
0x1f: {  	v1 =	vld.idx.msk [tilespmem:v2+s1+$0x0], $0xffff  }
0x20: {  	v2 =	vadd.s32 $0x2, v0;
	_ =	sdelay $0x2  }
0x21: {  	s19 =	sadd.s32 $0x18800, s17  }
0x22: {  	[tilespmem:s19+$0x80] =	vst v1  }
0x23: {  	v1 =	vld.idx.msk [tilespmem:v2+s1+$0x0], $0xffff  }
0x24: {  	v2 =	vadd.s32 $0x3, v0;
	_ =	sdelay $0x3  }
0x25: {  	[tilespmem:s19+$0x100] =	vst v1  }
0x26: {  	v1 =	vld.idx.msk [tilespmem:v2+s1+$0x0], $0xffff  }
0x27: {  	v2 =	vadd.s32 $0x4, v0;
	_ =	sdelay $0x3  }
0x28: {  	[tilespmem:s19+$0x180] =	vst v1  }
0x29: {  	v1 =	vld.idx.msk [tilespmem:v2+s1+$0x0], $0xffff  }
0x2a: {  	v0 =	vadd.s32 $0x5, v0;
	_ =	sdelay $0x3  }
0x2b: {  	[tilespmem:s19+$0x200] =	vst v1  }
0x2c: {  	s18 =	simm.s32 $0x0;
	s17 =	simm.s32 $0x10;
	v0 =	vld.idx.msk [tilespmem:v0+s1+$0x0], $0xffff  }
.LBB2_2:
0x2d: {  	_ =	sdelay $0x3  }
0x2e: {  	p0 =	sne.s32 s17, $0x7F0;
	s18 =	sadd.s32 $0x80, s18;
	s16 =	sadd.s32 $0x10, s16;
	[tilespmem:s19+$0x280] =	vst v0  }
0x2f: {  	s19 =	smov.u32 s17;
	s17 =	sadd.s32 $0x10, s17;
	v0 =	vld [tilespmem:s16+$0x0];
	_ =	sdelay $0x4  }
0x30: {  	v0 =	vmul.u32 $0x6, v0;
	_ =	sdelay $0x5  }
0x31: {  	v1 =	vld.idx.msk [tilespmem:v0+s1+$0x0], $0xffff;
	_ =	sdelay $0x1  }
0x32: {  	v2 =	vor.u32 $0x1, v0;
	_ =	sdelay $0x1  }
0x33: {  	s20 =	sand.u32 $0x3C00, s18;
	s19 =	sand.u32 $0x70, s19  }
0x34: {  	s19 =	sor.u32 s19, s20  }
0x35: {  	[tilespmem:s19+$0x18800] =	vst v1  }
0x36: {  	v1 =	vld.idx.msk [tilespmem:v2+s1+$0x0], $0xffff;
	_ =	sdelay $0x1  }
0x37: {  	v2 =	vadd.s32 $0x2, v0;
	_ =	sdelay $0x2  }
0x38: {  	s19 =	sadd.s32 $0x18800, s19  }
0x39: {  	[tilespmem:s19+$0x80] =	vst v1  }
0x3a: {  	v1 =	vld.idx.msk [tilespmem:v2+s1+$0x0], $0xffff;
	_ =	sdelay $0x1  }
0x3b: {  	v2 =	vadd.s32 $0x3, v0;
	_ =	sdelay $0x3  }
0x3c: {  	[tilespmem:s19+$0x100] =	vst v1  }
0x3d: {  	v1 =	vld.idx.msk [tilespmem:v2+s1+$0x0], $0xffff;
	_ =	sdelay $0x1  }
0x3e: {  	v2 =	vadd.s32 $0x4, v0;
	_ =	sdelay $0x3  }
0x3f: {  	[tilespmem:s19+$0x180] =	vst v1  }
0x40: {  	v1 =	vld.idx.msk [tilespmem:v2+s1+$0x0], $0xffff;
	_ =	sdelay $0x1  }
0x41: {  	v0 =	vadd.s32 $0x5, v0  }
.Ltmp0:
0x42: {  	(pc) =	sbr.rel @p0 .LBB2_2-.Ltmp0, $3  }
0x43: {  	_ =	sdelay $0x1  }
0x44: {  	[tilespmem:s19+$0x200] =	vst v1  }
0x45: {  	v0 =	vld.idx.msk [tilespmem:v0+s1+$0x0], $0xffff  }
0x46: {  	_ =	sdelay $0x3  }
0x47: {  	s16 =	simm.s32 $0x0;
	[tilespmem:s19+$0x280] =	vst v0  }
0x48: {  	[hbm4b:s5+s16] =	stream.linear.scatter [tilespmem:s14], [sflag:$0x1], $0x4000, $0x38;
	[tilespmem:$0x1C800] =	vst v63  }
0x49: {  	_ =	swait.ge [sflag:s13], $0x4000  }
0x4a: {  	[sflag:s13] =	ssyncset.done $0x0  }
0x4b: {  	s17 =	simm.s32 $0x18000;
	[sflag:s13] =	ssyncadd.s32 $0xFFFFC000  }
0x4c: {  	[tilespmem:s17], [sflag:$0x1] =	stream.linear.gather [hbm4b:s6+s16], $0x800, $0x38;
	[tilespmem:$0x1C800] =	vst v63  }
0x4d: {  	_ =	swait.ge [sflag:s13], $0x800  }
0x4e: {  	[sflag:s13] =	ssyncset.done $0x0  }
0x4f: {  	[sflag:s13] =	ssyncadd.s32 $0xFFFFF800  }
0x50: {  	v0 =	vld [tilespmem:s17+$0x0];
	_ =	sdelay $0x4  }
0x51: {  	v0 =	vmul.u32 $0x6, v0;
	_ =	sdelay $0x5  }
0x52: {  	v1 =	vld.idx.msk [tilespmem:v0+s1+$0x0], $0xffff  }
0x53: {  	v2 =	vor.u32 $0x1, v0;
	_ =	sdelay $0x1  }
0x54: {  	s18 =	sand.u32 $0x70, s16;
	s31 =	sand.u32 $0x3C00, s16  }
0x55: {  	s18 =	sor.u32 s18, s31  }
0x56: {  	[tilespmem:s18+$0x18800] =	vst v1  }
0x57: {  	v1 =	vld.idx.msk [tilespmem:v2+s1+$0x0], $0xffff  }
0x58: {  	v2 =	vadd.s32 $0x2, v0;
	_ =	sdelay $0x2  }
0x59: {  	s19 =	sadd.s32 $0x18800, s18  }
0x5a: {  	[tilespmem:s19+$0x80] =	vst v1  }
0x5b: {  	v1 =	vld.idx.msk [tilespmem:v2+s1+$0x0], $0xffff  }
0x5c: {  	v2 =	vadd.s32 $0x3, v0;
	_ =	sdelay $0x3  }
0x5d: {  	[tilespmem:s19+$0x100] =	vst v1  }
0x5e: {  	v1 =	vld.idx.msk [tilespmem:v2+s1+$0x0], $0xffff  }
0x5f: {  	v2 =	vadd.s32 $0x4, v0;
	_ =	sdelay $0x3  }
0x60: {  	[tilespmem:s19+$0x180] =	vst v1  }
0x61: {  	v1 =	vld.idx.msk [tilespmem:v2+s1+$0x0], $0xffff  }
0x62: {  	v0 =	vadd.s32 $0x5, v0;
	_ =	sdelay $0x3  }
0x63: {  	[tilespmem:s19+$0x200] =	vst v1  }
0x64: {  	s18 =	simm.s32 $0x10;
	v0 =	vld.idx.msk [tilespmem:v0+s1+$0x0], $0xffff  }
.LBB2_4:
0x65: {  	_ =	sdelay $0x3  }
0x66: {  	p0 =	sne.s32 s18, $0x7F0;
	s16 =	sadd.s32 $0x80, s16;
	s17 =	sadd.s32 $0x10, s17;
	[tilespmem:s19+$0x280] =	vst v0  }
0x67: {  	s19 =	smov.u32 s18;
	s18 =	sadd.s32 $0x10, s18;
	v0 =	vld [tilespmem:s17+$0x0];
	_ =	sdelay $0x4  }
0x68: {  	v0 =	vmul.u32 $0x6, v0;
	_ =	sdelay $0x5  }
0x69: {  	v1 =	vld.idx.msk [tilespmem:v0+s1+$0x0], $0xffff;
	_ =	sdelay $0x1  }
0x6a: {  	v2 =	vor.u32 $0x1, v0;
	_ =	sdelay $0x1  }
0x6b: {  	s20 =	sand.u32 $0x3C00, s16;
	s19 =	sand.u32 $0x70, s19  }
0x6c: {  	s19 =	sor.u32 s19, s20  }
0x6d: {  	[tilespmem:s19+$0x18800] =	vst v1  }
0x6e: {  	v1 =	vld.idx.msk [tilespmem:v2+s1+$0x0], $0xffff;
	_ =	sdelay $0x1  }
0x6f: {  	v2 =	vadd.s32 $0x2, v0;
	_ =	sdelay $0x2  }
0x70: {  	s19 =	sadd.s32 $0x18800, s19  }
0x71: {  	[tilespmem:s19+$0x80] =	vst v1  }
0x72: {  	v1 =	vld.idx.msk [tilespmem:v2+s1+$0x0], $0xffff;
	_ =	sdelay $0x1  }
0x73: {  	v2 =	vadd.s32 $0x3, v0;
	_ =	sdelay $0x3  }
0x74: {  	[tilespmem:s19+$0x100] =	vst v1  }
0x75: {  	v1 =	vld.idx.msk [tilespmem:v2+s1+$0x0], $0xffff;
	_ =	sdelay $0x1  }
0x76: {  	v2 =	vadd.s32 $0x4, v0;
	_ =	sdelay $0x3  }
0x77: {  	[tilespmem:s19+$0x180] =	vst v1  }
0x78: {  	v1 =	vld.idx.msk [tilespmem:v2+s1+$0x0], $0xffff;
	_ =	sdelay $0x1  }
0x79: {  	v0 =	vadd.s32 $0x5, v0  }
.Ltmp1:
0x7a: {  	(pc) =	sbr.rel @p0 .LBB2_4-.Ltmp1, $3  }
0x7b: {  	_ =	sdelay $0x1  }
0x7c: {  	[tilespmem:s19+$0x200] =	vst v1  }
0x7d: {  	v0 =	vld.idx.msk [tilespmem:v0+s1+$0x0], $0xffff  }
0x7e: {  	_ =	sdelay $0x3  }
0x7f: {  	s16 =	simm.s32 $0x0;
	[tilespmem:s19+$0x280] =	vst v0  }
0x80: {  	[hbm4b:s7+s16] =	stream.linear.scatter [tilespmem:s14], [sflag:$0x1], $0x4000, $0x38;
	[tilespmem:$0x1C800] =	vst v63  }
0x81: {  	_ =	swait.ge [sflag:s13], $0x4000  }
0x82: {  	[sflag:s13] =	ssyncset.done $0x0  }
0x83: {  	s17 =	simm.s32 $0x18000;
	[sflag:s13] =	ssyncadd.s32 $0xFFFFC000  }
0x84: {  	[tilespmem:s17], [sflag:$0x1] =	stream.linear.gather [hbm4b:s8+s16], $0x800, $0x38;
	[tilespmem:$0x1C800] =	vst v63  }
0x85: {  	_ =	swait.ge [sflag:s13], $0x800  }
0x86: {  	[sflag:s13] =	ssyncset.done $0x0  }
0x87: {  	[sflag:s13] =	ssyncadd.s32 $0xFFFFF800  }
0x88: {  	v0 =	vld [tilespmem:s17+$0x0];
	_ =	sdelay $0x4  }
0x89: {  	v0 =	vmul.u32 $0x6, v0;
	_ =	sdelay $0x5  }
0x8a: {  	v1 =	vld.idx.msk [tilespmem:v0+s1+$0x0], $0xffff  }
0x8b: {  	v2 =	vor.u32 $0x1, v0;
	_ =	sdelay $0x1  }
0x8c: {  	s18 =	sand.u32 $0x70, s16;
	s31 =	sand.u32 $0x3C00, s16  }
0x8d: {  	s18 =	sor.u32 s18, s31  }
0x8e: {  	[tilespmem:s18+$0x18800] =	vst v1  }
0x8f: {  	v1 =	vld.idx.msk [tilespmem:v2+s1+$0x0], $0xffff  }
0x90: {  	v2 =	vadd.s32 $0x2, v0;
	_ =	sdelay $0x2  }
0x91: {  	s19 =	sadd.s32 $0x18800, s18  }
0x92: {  	[tilespmem:s19+$0x80] =	vst v1  }
0x93: {  	v1 =	vld.idx.msk [tilespmem:v2+s1+$0x0], $0xffff  }
0x94: {  	v2 =	vadd.s32 $0x3, v0;
	_ =	sdelay $0x3  }
0x95: {  	[tilespmem:s19+$0x100] =	vst v1  }
0x96: {  	v1 =	vld.idx.msk [tilespmem:v2+s1+$0x0], $0xffff  }
0x97: {  	v2 =	vadd.s32 $0x4, v0;
	_ =	sdelay $0x3  }
0x98: {  	[tilespmem:s19+$0x180] =	vst v1  }
0x99: {  	v1 =	vld.idx.msk [tilespmem:v2+s1+$0x0], $0xffff  }
0x9a: {  	v0 =	vadd.s32 $0x5, v0;
	_ =	sdelay $0x3  }
0x9b: {  	[tilespmem:s19+$0x200] =	vst v1  }
0x9c: {  	s18 =	simm.s32 $0x10;
	v0 =	vld.idx.msk [tilespmem:v0+s1+$0x0], $0xffff  }
.LBB2_6:
0x9d: {  	_ =	sdelay $0x3  }
0x9e: {  	p0 =	sne.s32 s18, $0x7F0;
	s16 =	sadd.s32 $0x80, s16;
	s17 =	sadd.s32 $0x10, s17;
	[tilespmem:s19+$0x280] =	vst v0  }
0x9f: {  	s19 =	smov.u32 s18;
	s18 =	sadd.s32 $0x10, s18;
	v0 =	vld [tilespmem:s17+$0x0];
	_ =	sdelay $0x4  }
0xa0: {  	v0 =	vmul.u32 $0x6, v0;
	_ =	sdelay $0x5  }
0xa1: {  	v1 =	vld.idx.msk [tilespmem:v0+s1+$0x0], $0xffff;
	_ =	sdelay $0x1  }
0xa2: {  	v2 =	vor.u32 $0x1, v0;
	_ =	sdelay $0x1  }
0xa3: {  	s20 =	sand.u32 $0x3C00, s16;
	s19 =	sand.u32 $0x70, s19  }
0xa4: {  	s19 =	sor.u32 s19, s20  }
0xa5: {  	[tilespmem:s19+$0x18800] =	vst v1  }
0xa6: {  	v1 =	vld.idx.msk [tilespmem:v2+s1+$0x0], $0xffff;
	_ =	sdelay $0x1  }
0xa7: {  	v2 =	vadd.s32 $0x2, v0;
	_ =	sdelay $0x2  }
0xa8: {  	s19 =	sadd.s32 $0x18800, s19  }
0xa9: {  	[tilespmem:s19+$0x80] =	vst v1  }
0xaa: {  	v1 =	vld.idx.msk [tilespmem:v2+s1+$0x0], $0xffff;
	_ =	sdelay $0x1  }
0xab: {  	v2 =	vadd.s32 $0x3, v0;
	_ =	sdelay $0x3  }
0xac: {  	[tilespmem:s19+$0x100] =	vst v1  }
0xad: {  	v1 =	vld.idx.msk [tilespmem:v2+s1+$0x0], $0xffff;
	_ =	sdelay $0x1  }
0xae: {  	v2 =	vadd.s32 $0x4, v0;
	_ =	sdelay $0x3  }
0xaf: {  	[tilespmem:s19+$0x180] =	vst v1  }
0xb0: {  	v1 =	vld.idx.msk [tilespmem:v2+s1+$0x0], $0xffff;
	_ =	sdelay $0x1  }
0xb1: {  	v0 =	vadd.s32 $0x5, v0  }
.Ltmp2:
0xb2: {  	(pc) =	sbr.rel @p0 .LBB2_6-.Ltmp2, $3  }
0xb3: {  	_ =	sdelay $0x1  }
0xb4: {  	[tilespmem:s19+$0x200] =	vst v1  }
0xb5: {  	v0 =	vld.idx.msk [tilespmem:v0+s1+$0x0], $0xffff  }
0xb6: {  	_ =	sdelay $0x3  }
0xb7: {  	s16 =	simm.s32 $0x0;
	[tilespmem:s19+$0x280] =	vst v0  }
0xb8: {  	[hbm4b:s9+s16] =	stream.linear.scatter [tilespmem:s14], [sflag:$0x1], $0x4000, $0x38;
	[tilespmem:$0x1C800] =	vst v63  }
0xb9: {  	_ =	swait.ge [sflag:s13], $0x4000  }
0xba: {  	[sflag:s13] =	ssyncset.done $0x0  }
0xbb: {  	s17 =	simm.s32 $0x18000;
	[sflag:s13] =	ssyncadd.s32 $0xFFFFC000  }
0xbc: {  	[tilespmem:s17], [sflag:$0x1] =	stream.linear.gather [hbm4b:s10+s16], $0x800, $0x38;
	[tilespmem:$0x1C800] =	vst v63  }
0xbd: {  	_ =	swait.ge [sflag:s13], $0x800  }
0xbe: {  	[sflag:s13] =	ssyncset.done $0x0  }
0xbf: {  	[sflag:s13] =	ssyncadd.s32 $0xFFFFF800  }
0xc0: {  	v0 =	vld [tilespmem:s17+$0x0];
	_ =	sdelay $0x4  }
0xc1: {  	v0 =	vmul.u32 $0x6, v0;
	_ =	sdelay $0x5  }
0xc2: {  	v1 =	vld.idx.msk [tilespmem:v0+s1+$0x0], $0xffff  }
0xc3: {  	v2 =	vor.u32 $0x1, v0;
	_ =	sdelay $0x1  }
0xc4: {  	s18 =	sand.u32 $0x70, s16;
	s31 =	sand.u32 $0x3C00, s16  }
0xc5: {  	s18 =	sor.u32 s18, s31  }
0xc6: {  	[tilespmem:s18+$0x18800] =	vst v1  }
0xc7: {  	v1 =	vld.idx.msk [tilespmem:v2+s1+$0x0], $0xffff  }
0xc8: {  	v2 =	vadd.s32 $0x2, v0;
	_ =	sdelay $0x2  }
0xc9: {  	s19 =	sadd.s32 $0x18800, s18  }
0xca: {  	[tilespmem:s19+$0x80] =	vst v1  }
0xcb: {  	v1 =	vld.idx.msk [tilespmem:v2+s1+$0x0], $0xffff  }
0xcc: {  	v2 =	vadd.s32 $0x3, v0;
	_ =	sdelay $0x3  }
0xcd: {  	[tilespmem:s19+$0x100] =	vst v1  }
0xce: {  	v1 =	vld.idx.msk [tilespmem:v2+s1+$0x0], $0xffff  }
0xcf: {  	v2 =	vadd.s32 $0x4, v0;
	_ =	sdelay $0x3  }
0xd0: {  	[tilespmem:s19+$0x180] =	vst v1  }
0xd1: {  	v1 =	vld.idx.msk [tilespmem:v2+s1+$0x0], $0xffff  }
0xd2: {  	v0 =	vadd.s32 $0x5, v0;
	_ =	sdelay $0x3  }
0xd3: {  	[tilespmem:s19+$0x200] =	vst v1  }
0xd4: {  	s18 =	simm.s32 $0x10;
	v0 =	vld.idx.msk [tilespmem:v0+s1+$0x0], $0xffff  }
.LBB2_8:
0xd5: {  	_ =	sdelay $0x3  }
0xd6: {  	p0 =	sne.s32 s18, $0x7F0;
	s16 =	sadd.s32 $0x80, s16;
	s17 =	sadd.s32 $0x10, s17;
	[tilespmem:s19+$0x280] =	vst v0  }
0xd7: {  	s19 =	smov.u32 s18;
	s18 =	sadd.s32 $0x10, s18;
	v0 =	vld [tilespmem:s17+$0x0];
	_ =	sdelay $0x4  }
0xd8: {  	v0 =	vmul.u32 $0x6, v0;
	_ =	sdelay $0x5  }
0xd9: {  	v1 =	vld.idx.msk [tilespmem:v0+s1+$0x0], $0xffff;
	_ =	sdelay $0x1  }
0xda: {  	v2 =	vor.u32 $0x1, v0;
	_ =	sdelay $0x1  }
0xdb: {  	s20 =	sand.u32 $0x3C00, s16;
	s19 =	sand.u32 $0x70, s19  }
0xdc: {  	s19 =	sor.u32 s19, s20  }
0xdd: {  	[tilespmem:s19+$0x18800] =	vst v1  }
0xde: {  	v1 =	vld.idx.msk [tilespmem:v2+s1+$0x0], $0xffff;
	_ =	sdelay $0x1  }
0xdf: {  	v2 =	vadd.s32 $0x2, v0;
	_ =	sdelay $0x2  }
0xe0: {  	s19 =	sadd.s32 $0x18800, s19  }
0xe1: {  	[tilespmem:s19+$0x80] =	vst v1  }
0xe2: {  	v1 =	vld.idx.msk [tilespmem:v2+s1+$0x0], $0xffff;
	_ =	sdelay $0x1  }
0xe3: {  	v2 =	vadd.s32 $0x3, v0;
	_ =	sdelay $0x3  }
0xe4: {  	[tilespmem:s19+$0x100] =	vst v1  }
0xe5: {  	v1 =	vld.idx.msk [tilespmem:v2+s1+$0x0], $0xffff;
	_ =	sdelay $0x1  }
0xe6: {  	v2 =	vadd.s32 $0x4, v0;
	_ =	sdelay $0x3  }
0xe7: {  	[tilespmem:s19+$0x180] =	vst v1  }
0xe8: {  	v1 =	vld.idx.msk [tilespmem:v2+s1+$0x0], $0xffff;
	_ =	sdelay $0x1  }
0xe9: {  	v0 =	vadd.s32 $0x5, v0  }
.Ltmp3:
0xea: {  	(pc) =	sbr.rel @p0 .LBB2_8-.Ltmp3, $3  }
0xeb: {  	_ =	sdelay $0x1  }
0xec: {  	[tilespmem:s19+$0x200] =	vst v1  }
0xed: {  	v0 =	vld.idx.msk [tilespmem:v0+s1+$0x0], $0xffff  }
0xee: {  	_ =	sdelay $0x1  }
0xef: {  	s15 =	sadd.s32 $0x1, s15  }
0xf0: {  	p0 =	sne.s32 s15, s12  }
.Ltmp4:
0xf1: {  	[tilespmem:s19+$0x280] =	vst v0;
	(pc) =	sbr.rel @p0 .LBB2_1-.Ltmp4, $4  }
0xf2: {  	[hbm4b:s11+s1] =	stream.linear.scatter [tilespmem:s14], [sflag:$0x1], $0x4000, $0x38;
	[tilespmem:$0x1C800] =	vst v63  }
0xf3: {  	_ =	swait.ge [sflag:s13], $0x4000  }
0xf4: {  	[sflag:s13] =	ssyncset.done $0x0  }
0xf5: {  	[sflag:s13] =	ssyncadd.s32 $0xFFFFC000  }
0xf6: {  	_ =	sfence.sel $0x180000  }
0xf7: {  	[bflag:$0x0] =	sbarrier.arrive $0xFFFF  }
0xf8: {  	p0 =	sne.s32 s2, $0x0;
	_ =	strace $0x90000047  }
0xf9: {  	s0 =	sadd.s32 @!p0 $0x100000, s0;
	[bflag:$0x2] =	sbarrier.arrive $0xFFFF  }
0xfa: {  	[sflag:s0] =	ssyncadd.tile.s32 @!p0 $0x1;
	_ =	shalt  }
.Lfunc_end2:
_tile_overlayer_lowered:
.L_overlay_start_2:
0xfb: {  	(tag) =	ssettag $0x2  }
0xfc: {  	s0 =	rddreg [dreg:$0x0];
	s2 =	stileid.u32  }
0xfd: {  	s1 =	rddreg [dreg:$0x1];
	p0 =	sne.s32 s2, $0x0  }
0xfe: {  	s3 =	rddreg [dreg:$0x2];
	[bflag:$0x3] =	sbarrier.arrive $0xFFFF;
	s2 =	simm.s32 @!p0 $0x1C01  }
0xff: {  	[timem:s3], [sflag:s2] =	dma.local @!p0 [hbm:s0], s1  }
0x100: {  	s0 =	simm.s32 @!p0 $0x1  }
0x101: {  	_ =	swait.ge @!p0 [sflag:s0], s1  }
0x102: {  	s1 =	ssub.s32 @!p0 $0x0, s1;
	[sflag:s0] =	ssyncset.done @!p0 $0x0  }
0x103: {  	[sflag:s0] =	ssyncadd.s32 @!p0 s1  }
0x104: {  	[bflag:$0x3] =	sbarrier.arrive $0xFFFF  }
0x105: {  	_ =	shalt  }

// kernel: kernel.17.cloned.1.call-start
scs
__scs_entry_jumppad:
0x0: {  	(pc) =	sbr.rel $0x88, $3  }
0x1: {  	(tag) =	ssettag $0x0;
	lr =	simm.s32 $0x1  }
0x2: {  	[smem:$0x3F88] =	sst lr;
	_ =	strace $0xD0000000  }
0x3: {  	_ = 	snop  }
0x4: {  	_ = 	snop  }
0x5: {  	_ = 	snop  }
0x6: {  	_ = 	snop  }
0x7: {  	_ = 	snop  }
__scs_overlays_trampoline_lowered:
0x8: {  	[smem:$0x3F97] =	sst s0  }
0x9: {  	[smem:$0x3F98] =	sst s1  }
0xa: {  	[smem:$0x3F99] =	sst s2  }
0xb: {  	[smem:$0x3F9A] =	sst s3  }
0xc: {  	[smem:$0x3F9B] =	sst s4  }
0xd: {  	[smem:$0x3F9C] =	sst s5  }
0xe: {  	[smem:$0x3F9D] =	sst s6  }
0xf: {  	[smem:$0x3F9E] =	sst s7  }
0x10: {  	[smem:$0x3F9F] =	sst s8  }
0x11: {  	[smem:$0x3FA0] =	sst s9;
	s0 =	simm.s32 @!p0 $0x0  }
0x12: {  	s1 =	sld [smem:$0x3F86];
	s0 =	simm.s32 @p0 $0x1  }
0x13: {  	[smem:$0x3FA1] =	sst s0;
	s0 =	simm.s32 @!p1 $0x0  }
0x14: {  	s2 =	sld [smem:$0x3F85];
	s0 =	simm.s32 @p1 $0x1  }
0x15: {  	[smem:$0x3FA2] =	sst s0;
	s0 =	simm.s32 @!p2 $0x0  }
0x16: {  	s3 =	sld [smem:$0x3FDB];
	s0 =	simm.s32 @p2 $0x1  }
0x17: {  	s4 =	simm.s32 $0x1BF5;
	[smem:$0x3FA4] =	sst s0  }
0x18: {  	s0 =	sld [smem:$0x3F87];
	_ =	swait.ge [sflag:s4], $0x0  }
0x19: {  	s7 =	sld [smem:$0x3F88]  }
0x1a: {  	s8 =	sadd.s32 $0xFFFFE003, lr  }
0x1b: {  	s9 =	sadd.s32 $0xFFFFFEF7, lr;
	s5 =	simm.s32 $0xFFFFFFFF;
	p2 =	slt.u32 s8, $0xFFFFF086  }
0x1c: {  	p1 =	slt.u32 s9, $0xF7A;
	s5 =	simm.s32 @!p2 $0x0  }
0x1d: {  	s5 =	simm.s32 @p1 $0x1;
	p0 =	seq.s32 s7, s2  }
0x1e: {  	s7 =	smul.u32 @!p0 $0xF7A, s2;
	p2 =	seq.s32 @!p0 s5, $0x0  }
0x1f: {  	s9 =	smul.u32 $0xF7A, s1;
	s8 =	simm.s32 @!p0 $0x1BF5;
	p2 =	por !p2, p0  }
0x20: {  	[sflag:s8] =	ssyncset.s32 @!p0 $0xFFFFF086;
	s6 =	sadd.s32 @!p0 s3, s7;
	s7 =	simm.s32 @!p0 $0x108  }
0x21: {  	s3 =	sadd.s32 s3, s9;
	s6 =	sadd.s32 @!p0 $0x88, s6;
	s7 =	simm.s32 @p2 $0x1082  }
0x22: {  	[simem:s7], [sflag:s8] =	dma.local @!p0 [hbm:s6], $0xF7A  }
0x23: {  	s9 =	sor.u32 $0xD0000000, s2;
	s6 =	simm.s32 $0x108;
	_ =	swait.ge @!p0 [sflag:s8], $0x0  }
0x24: {  	s3 =	sadd.s32 $0x88, s3;
	s6 =	simm.s32 @!p1 $0x1082;
	[sflag:s4] =	ssyncset.s32 $0xFFFFF086  }
0x25: {  	[simem:s6], [sflag:s4] =	dma.local [hbm:s3], $0xF7A  }
0x26: {  	[smem:$0x3F88] =	sst s1;
	(tag) =	ssettag s2;
	_ =	strace s9  }
0x27: {  	s1 =	sld [smem:$0x3F98]  }
0x28: {  	s2 =	sld [smem:$0x3F99]  }
0x29: {  	s4 =	sld [smem:$0x3F9B]  }
0x2a: {  	p0 =	seq.s32 s5, $0x0;
	s5 =	sld [smem:$0x3F9C]  }
0x2b: {  	s6 =	sld [smem:$0x3F9D]  }
0x2c: {  	s7 =	sld [smem:$0x3F9E]  }
0x2d: {  	s3 =	simm.s32 $0x108;
	s8 =	sld [smem:$0x3F9F]  }
0x2e: {  	s3 =	simm.s32 @!p0 $0x1082;
	s9 =	sld [smem:$0x3FA0]  }
0x2f: {  	lr =	sadd.s32 s0, s3;
	s0 =	sld [smem:$0x3F97]  }
0x30: {  	s3 =	sld [smem:$0x3F9A]  }
0x31: {  	[smem:$0x3FA3] =	sst s10  }
0x32: {  	s10 =	sld [smem:$0x3FA1];
	_ =	sdelay $0x3  }
0x33: {  	p0 =	seq.s32 s10, $0x1;
	s10 =	sld [smem:$0x3FA3];
	_ =	sdelay $0x3  }
0x34: {  	[smem:$0x3FA3] =	sst s10  }
0x35: {  	s10 =	sld [smem:$0x3FA2];
	_ =	sdelay $0x3  }
0x36: {  	p1 =	seq.s32 s10, $0x1;
	s10 =	sld [smem:$0x3FA3];
	_ =	sdelay $0x3  }
0x37: {  	[smem:$0x3FA3] =	sst s10  }
0x38: {  	s10 =	sld [smem:$0x3FA4]  }
0x39: {  	_ = 	snop;
	(pc) =	sbr.ind lr, $3  }
0x3a: {  	_ = 	snop  }
0x3b: {  	_ = 	snop  }
0x3c: {  	p2 =	seq.s32 s10, $0x1;
	s10 =	sld [smem:$0x3FA3]  }
0x3d: {  	_ =	shalt  }
0x3e: {  	_ =	shalt  }
0x3f: {  	_ =	shalt  }
0x40: {  	_ =	shalt  }
0x41: {  	_ =	shalt  }
0x42: {  	_ =	shalt  }
0x43: {  	_ =	shalt  }
0x44: {  	_ =	shalt  }
0x45: {  	_ =	shalt  }
0x46: {  	_ =	shalt  }
0x47: {  	_ =	shalt  }
0x48: {  	_ =	shalt  }
0x49: {  	_ =	shalt  }
0x4a: {  	_ =	shalt  }
0x4b: {  	_ =	shalt  }
0x4c: {  	_ =	shalt  }
0x4d: {  	_ =	shalt  }
0x4e: {  	_ =	shalt  }
0x4f: {  	_ =	shalt  }
0x50: {  	_ =	shalt  }
0x51: {  	_ =	shalt  }
0x52: {  	_ =	shalt  }
0x53: {  	_ =	shalt  }
0x54: {  	_ =	shalt  }
0x55: {  	_ =	shalt  }
0x56: {  	_ =	shalt  }
0x57: {  	_ =	shalt  }
0x58: {  	_ =	shalt  }
0x59: {  	_ =	shalt  }
0x5a: {  	_ =	shalt  }
0x5b: {  	_ =	shalt  }
0x5c: {  	_ =	shalt  }
0x5d: {  	_ =	shalt  }
0x5e: {  	_ =	shalt  }
0x5f: {  	_ =	shalt  }
0x60: {  	_ =	shalt  }
0x61: {  	_ =	shalt  }
0x62: {  	_ =	shalt  }
0x63: {  	_ =	shalt  }
0x64: {  	_ =	shalt  }
0x65: {  	_ =	shalt  }
0x66: {  	_ =	shalt  }
0x67: {  	_ =	shalt  }
0x68: {  	_ =	shalt  }
0x69: {  	_ =	shalt  }
0x6a: {  	_ =	shalt  }
0x6b: {  	_ =	shalt  }
0x6c: {  	_ =	shalt  }
0x6d: {  	_ =	shalt  }
0x6e: {  	_ =	shalt  }
0x6f: {  	_ =	shalt  }
0x70: {  	_ =	shalt  }
0x71: {  	_ =	shalt  }
0x72: {  	_ =	shalt  }
0x73: {  	_ =	shalt  }
0x74: {  	_ =	shalt  }
0x75: {  	_ =	shalt  }
0x76: {  	_ =	shalt  }
0x77: {  	_ =	shalt  }
0x78: {  	_ =	shalt  }
0x79: {  	_ =	shalt  }
0x7a: {  	_ =	shalt  }
0x7b: {  	_ =	shalt  }
0x7c: {  	_ =	shalt  }
0x7d: {  	_ =	shalt  }
0x7e: {  	_ =	shalt  }
0x7f: {  	_ =	shalt  }
0x80: {  	_ =	shalt  }
0x81: {  	_ =	shalt  }
0x82: {  	_ =	shalt  }
0x83: {  	_ =	shalt  }
0x84: {  	_ =	shalt  }
0x85: {  	_ =	shalt  }
0x86: {  	_ =	shalt  }
0x87: {  	_ =	shalt  }
.Lfunc_end0:
.L_simem_size_0:
called_computation.1_lowered:
.L_overlay_start_0:
0x88: {  	s2 =	sld [smem:$0x3FD9]  }
0x89: {  	s3 =	sld [smem:$0x3FFE];
	_ =	sdelay $0x1  }
0x8a: {  	s1 =	srdreg.scid  }
0x8b: {  	s0 =	sand.u32 $0x1, s1  }
0x8c: {  	s15 =	sshll.u32 s0, $0xA;
	s2 =	sadd.s32 s3, s2  }
0x8d: {  	s2 =	sadd.s32 s2, s15  }
0x8e: {  	[smem:$0x3FAF] =	sst s2  }
0x8f: {  	_ = 	snop  }
0x90: {  	s2 =	sld [smem:$0x3FD0];
	_ =	sdelay $0x2  }
0x91: {  	s16 =	simm.s32 $0xB;
	s4 =	simm.s32 $0x10  }
0x92: {  	[smem:s4], [sflag:s16] =	dma.local [hbm:s2], $0x1  }
0x93: {  	_ =	swait.eq [sflag:s16], $0x1  }
0x94: {  	[sflag:s16] =	ssyncset.done $0x0  }
0x95: {  	[sflag:s16] =	ssyncadd.s32 $0xFFFFFFFF  }
0x96: {  	s17 =	sld [smem:$0x10];
	(tm) =	ssettm $0x1  }
0x97: {  	s18 =	sld [smem:$0x3FFB];
	_ =	sdelay $0x3  }
0x98: {  	_ =	strace s18  }
0x99: {  	s2 =	sld [smem:$0x3FFC];
	_ =	sdelay $0x3  }
0x9a: {  	_ =	strace s2  }
0x9b: {  	s2 =	sld [smem:$0x3FFD];
	_ =	sdelay $0x3  }
0x9c: {  	_ =	strace s2  }
0x9d: {  	_ =	strace $0x8FFFFFFF  }
0x9e: {  	s19 =	sld [smem:$0x3FDB];
	_ =	sdelay $0x1  }
0x9f: {  	s20 =	simm.s32 $_scs_section_size  }
0xa0: {  	s5 =	simm.s32 $_size__tile_overlayer_lowered;
	s6 =	simm.s32 $_tile_overlayer_lowered  }
0xa1: {  	s7 =	simm.s32 $0x1BFF;
	s21 =	sshll.u32 s6, $0x1;
	s4 =	sadd.s32 s20, s19  }
0xa2: {  	s22 =	simm.s32 $0x0;
	s5 =	sshll.u32 s5, $0x1;
	s6 =	sadd.s32 s21, s4  }
0xa3: {  	[timem:s22], [sflag:s7] =	dma.local [hbm:s6], s5  }
0xa4: {  	_ =	swait.ge [sflag:s7], s5  }
0xa5: {  	s5 =	ssub.s32 $0x0, s5;
	[sflag:s7] =	ssyncset.done $0x0  }
0xa6: {  	[sflag:s7] =	ssyncadd.s32 s5;
	_ =	sdelay $0x1  }
0xa7: {  	s23 =	simm.s32 $0x1B8B  }
0xa8: {  	_ =	swait.ge [sflag:s23], $0x1  }
0xa9: {  	[sflag:s23] =	ssyncset.done $0x0  }
0xaa: {  	[sflag:s23] =	ssyncadd.s32 $0xFFFFFFFF  }
0xab: {  	s5 =	sld [smem:$0x0]  }
0xac: {  	s6 =	sand.u32 $0xFFFFFFFE, s1  }
0xad: {  	p0 =	sne.s32 s1, s6  }
0xae: {  	s6 =	sshll.u32 @p0 s6, $0xE  }
0xaf: {  	s6 =	sadd.s32 @p0 $0x11B8D, s6;
	s7 =	sshll.u32 @p0 s5, $0x11  }
0xb0: {  	s6 =	sor.u32 @p0 s7, s6  }
0xb1: {  	[sflag:s6] =	ssyncadd.remote.s32 @p0 $0x1;
	_ =	sdelay $0x1  }
0xb2: {  	s6 =	simm.s32 @p0 $0x1B8D  }
0xb3: {  	_ =	swait.eq @p0 [sflag:s6], $0x1  }
0xb4: {  	[sflag:s6] =	ssyncadd.s32 @p0 $0xFFFFFFFF  }
0xb5: {  	s7 =	sshll.u32 @!p0 s1, $0xE  }
0xb6: {  	s7 =	sor.u32 @!p0 $0x4000, s7;
	s6 =	simm.s32 @!p0 $0x1B8D  }
0xb7: {  	s5 =	sshll.u32 @!p0 s5, $0x11;
	s7 =	sadd.s32 @!p0 $0x11B8D, s7;
	_ =	swait.eq @!p0 [sflag:s6], $0x1  }
0xb8: {  	s5 =	sor.u32 @!p0 s5, s7;
	[sflag:s6] =	ssyncadd.s32 @!p0 $0xFFFFFFFF  }
0xb9: {  	s25 =	simm.s32 $0x1B8E;
	s24 =	sld [smem:$0x3FFE];
	[sflag:s5] =	ssyncadd.remote.s32 @!p0 $0x1  }
0xba: {  	s26 =	simm.s32 $execute0_lowered;
	[smem:$0x3FD2] =	sst s25  }
0xbb: {  	s6 =	sshll.u32 s26, $0x1;
	_ =	strace $0x80000049;
	[dreg:$0x1] =	wrdreg $0xFFFFFFFF  }
0xbc: {  	s28 =	simm.s32 $_size_execute0_lowered;
	s4 =	sadd.s32 s4, s6;
	[dreg:$0x0] =	wrdreg $0x0  }
0xbd: {  	s6 =	sshll.u32 s28, $0x1;
	[dreg:$0x2] =	wrdreg s4  }
0xbe: {  	[dreg:$0x3] =	wrdreg s6  }
0xbf: {  	[dreg:$0x4] =	wrdreg $0xC0  }
0xc0: {  	_ =	task [dreg:s22], $0x5FFFF  }
0xc1: {  	[dreg:$0x1] =	wrdreg $0xFFFFFFFF  }
0xc2: {  	[dreg:$0x0] =	wrdreg $0x60  }
0xc3: {  	[dreg:$0x2] =	wrdreg s24  }
0xc4: {  	[dreg:$0x3] =	wrdreg s17  }
0xc5: {  	[dreg:$0x4] =	wrdreg $0x9  }
0xc6: {  	_ =	task.clear_ibuf [dreg:s22], $0x5FFFF;
	_ =	strace $0x90000049  }
0xc7: {  	s29 =	simm.s32 $0x9;
	_ =	strace $0x8000004B  }
0xc8: {  	_ =	swait.ge [sflag:s29], $0x1  }
0xc9: {  	[sflag:s29] =	ssyncadd.s32 $0xFFFFFFFF  }
0xca: {  	_ =	strace $0x9000004B  }
0xcb: {  	_ =	sfence  }
0xcc: {  	s30 =	sld [smem:$0x0];
	_ =	sdelay $0x2  }
0xcd: {  	s31 =	sshll.u32 s1, $0xD;
	s1 =	sshrl.u32 s1, $0x2  }
0xce: {  	s4 =	sand.u32 $0x4000, s31;
	s1 =	sadd.s32 s1, s30  }
0xcf: {  	s0 =	sor.u32 s4, s0;
	s1 =	sshll.u32 s1, $0x11  }
0xd0: {  	s0 =	sor.u32 s1, s0  }
0xd1: {  	s0 =	sadd.s32 $0x8F2B, s0  }
0xd2: {  	[sflag:s0] =	ssyncadd.remote.s32 $0x1  }
0xd3: {  	_ =	sfence.sel $0xFFFF  }
0xd4: {  	[dreg:$0x0] =	wrdreg $0xFFFFFFFF;
	(pc) =	sbr.abs _section_cstart, $3  }
0xd5: {  	[dreg:$0x1] =	wrdreg $0xFFFFFFFF  }
0xd6: {  	_ =	task.clear_ibuf [dreg:s22], $0x2FFFF;
	_ =	strace $0x9FFFFFFF  }
0xd7: {  	(tm) =	ssettm $0x7FFFFFFF  }
tec
execute0_lowered:
.L_overlay_start_1:
0x0: {  	(tag) =	ssettag $0x1  }
0x1: {  	s4 =	rddreg [dreg:$0x0]  }
0x2: {  	s5 =	rddreg [dreg:$0x1];
	s2 =	srdreg.scid  }
0x3: {  	s0 =	rddreg [dreg:$0x2];
	s1 =	stileid.u32  }
0x4: {  	s9 =	simm.s32 $0x3800;
	s10 =	simm.s32 $0x0;
	s3 =	sand.u32 $0x1, s2  }
0x5: {  	s2 =	simm.s32 $0x0;
	s6 =	sshll.u32 s1, $0xC;
	s7 =	sshll.u32 s3, $0xB  }
0x6: {  	[smem:$0x7FF] =	sst s2;
	s8 =	ssub.s32 $0x2, s3;
	s6 =	sor.u32 s7, s6  }
0x7: {  	s3 =	sadd.s32 $0x47800, s4;
	_ =	strace $0x8000004A;
	s7 =	sshrl.u32 s6, $0x3  }
0x8: {  	s31 =	sshrl.u32 s8, $0x1;
	s6 =	sshrl.u32 s6, $0x1;
	s4 =	sadd.s32 s7, s4  }
0x9: {  	s7 =	ssub.s32 s8, s31;
	s5 =	sadd.s32 s5, s6;
	s8 =	simm.s32 $0x3000  }
0xa: {  	s4 =	sadd.s32 $0x47E00, s4;
	s6 =	smax.u32 s7, $0x1;
	s7 =	simm.s32 $0x1  }
.LBB2_1:
0xb: {  	[tilespmem:s2], [sflag:$0x1] =	stream.linear.gather [hbm4b:s3+s2], $0x3000, $0x38;
	[tilespmem:$0x5800] =	vst v63  }
0xc: {  	_ =	swait.ge [sflag:s7], $0x3000  }
0xd: {  	[sflag:s7] =	ssyncset.done $0x0  }
0xe: {  	[sflag:s7] =	ssyncadd.s32 $0xFFFFD000  }
0xf: {  	[tilespmem:s8], [sflag:$0x1] =	stream.linear.gather [hbm4b:s4+s2], $0x800, $0x38;
	[tilespmem:$0x5800] =	vst v63  }
0x10: {  	_ =	swait.ge [sflag:s7], $0x800  }
0x11: {  	[sflag:s7] =	ssyncset.done $0x0  }
0x12: {  	s11 =	simm.s32 $0x0;
	[sflag:s7] =	ssyncadd.s32 $0xFFFFF800  }
0x13: {  	v0 =	vld [tilespmem:s11+$0x3000];
	_ =	sdelay $0x4  }
0x14: {  	v0 =	vmul.u32 $0x3, v0;
	_ =	sdelay $0x5  }
0x15: {  	v1 =	vld.idx.msk [tilespmem:v0+s2+$0x0], $0xffff  }
0x16: {  	v2 =	vadd.s32 $0x1, v0;
	_ =	sdelay $0x1  }
0x17: {  	s31 =	sand.u32 $0x70, s2;
	s12 =	sand.u32 $0x1E00, s2  }
0x18: {  	s14 =	sor.u32 s31, s12  }
0x19: {  	[tilespmem:s14+$0x3800] =	vst v1  }
0x1a: {  	v1 =	vld.idx.msk [tilespmem:v2+s2+$0x0], $0xffff  }
0x1b: {  	v0 =	vadd.s32 $0x2, v0;
	_ =	sdelay $0x3  }
0x1c: {  	[tilespmem:s14+$0x3880] =	vst v1  }
0x1d: {  	v0 =	vld.idx.msk [tilespmem:v0+s2+$0x0], $0xffff;
	_ =	sdelay $0x2  }
0x1e: {  	s13 =	simm.s32 $0x20;
	s12 =	simm.s32 $0x40;
	s11 =	simm.s32 $0x10  }
.LBB2_2:
0x1f: {  	p0 =	sne.s32 s13, $0x7F0  }
0x20: {  	s15 =	sshra.s32 s12, $0x2;
	[tilespmem:s14+$0x3900] =	vst v0;
	s14 =	smov.u32 s13;
	s13 =	sadd.s32 $0x10, s13  }
0x21: {  	v0 =	vld [tilespmem:s15+$0x3000];
	_ =	sdelay $0x4  }
0x22: {  	v0 =	vmul.u32 $0x3, v0;
	_ =	sdelay $0x5  }
0x23: {  	v1 =	vld.idx.msk [tilespmem:v0+s2+$0x0], $0xffff;
	_ =	sdelay $0x1  }
0x24: {  	v2 =	vadd.s32 $0x1, v0;
	_ =	sdelay $0x1  }
0x25: {  	s16 =	sand.u32 $0x1E00, s12;
	s15 =	sand.u32 $0x70, s11;
	s11 =	smov.u32 s14  }
0x26: {  	s14 =	sor.u32 s15, s16  }
0x27: {  	[tilespmem:s14+$0x3800] =	vst v1  }
0x28: {  	v1 =	vld.idx.msk [tilespmem:v2+s2+$0x0], $0xffff;
	_ =	sdelay $0x1  }
0x29: {  	v0 =	vadd.s32 $0x2, v0;
	_ =	sdelay $0x3  }
0x2a: {  	[tilespmem:s14+$0x3880] =	vst v1  }
0x2b: {  	v0 =	vld.idx.msk [tilespmem:v0+s2+$0x0], $0xffff  }
.Ltmp0:
0x2c: {  	(pc) =	sbr.rel @p0 .LBB2_2-.Ltmp0, $2  }
0x2d: {  	_ =	sdelay $0x2  }
0x2e: {  	s12 =	sadd.s32 $0x40, s12  }
0x2f: {  	s13 =	sshra.s32 s12, $0x2;
	[tilespmem:s14+$0x3900] =	vst v0  }
0x30: {  	v0 =	vld [tilespmem:s13+$0x3000];
	_ =	sdelay $0x4  }
0x31: {  	v0 =	vmul.u32 $0x3, v0;
	_ =	sdelay $0x5  }
0x32: {  	v1 =	vld.idx.msk [tilespmem:v0+s2+$0x0], $0xffff  }
0x33: {  	v2 =	vadd.s32 $0x1, v0;
	_ =	sdelay $0x1  }
0x34: {  	s11 =	sand.u32 $0x70, s11;
	s31 =	sand.u32 $0x1E00, s12  }
0x35: {  	s11 =	sor.u32 s11, s31  }
0x36: {  	[tilespmem:s11+$0x3800] =	vst v1  }
0x37: {  	v1 =	vld.idx.msk [tilespmem:v2+s2+$0x0], $0xffff  }
0x38: {  	v0 =	vadd.s32 $0x2, v0;
	_ =	sdelay $0x3  }
0x39: {  	[tilespmem:s11+$0x3880] =	vst v1  }
0x3a: {  	v0 =	vld.idx.msk [tilespmem:v0+s2+$0x0], $0xffff;
	_ =	sdelay $0x2  }
0x3b: {  	s10 =	sadd.s32 $0x1, s10  }
0x3c: {  	p0 =	sne.s32 s10, s6  }
.Ltmp1:
0x3d: {  	[tilespmem:s11+$0x3900] =	vst v0;
	(pc) =	sbr.rel @p0 .LBB2_1-.Ltmp1, $4  }
0x3e: {  	[hbm4b:s5+s2] =	stream.linear.scatter [tilespmem:s9], [sflag:$0x1], $0x2000, $0x38;
	[tilespmem:$0x5800] =	vst v63  }
0x3f: {  	_ =	swait.ge [sflag:s7], $0x2000  }
0x40: {  	[sflag:s7] =	ssyncset.done $0x0  }
0x41: {  	[sflag:s7] =	ssyncadd.s32 $0xFFFFE000  }
0x42: {  	_ =	sfence.sel $0x180000  }
0x43: {  	[bflag:$0x0] =	sbarrier.arrive $0xFFFF  }
0x44: {  	p0 =	sne.s32 s1, $0x0;
	_ =	strace $0x9000004A  }
0x45: {  	s0 =	sadd.s32 @!p0 $0x100000, s0;
	[bflag:$0x2] =	sbarrier.arrive $0xFFFF  }
0x46: {  	[sflag:s0] =	ssyncadd.tile.s32 @!p0 $0x1;
	_ =	shalt  }
.Lfunc_end2:
_tile_overlayer_lowered:
.L_overlay_start_2:
0x47: {  	(tag) =	ssettag $0x2  }
0x48: {  	s0 =	rddreg [dreg:$0x0];
	s2 =	stileid.u32  }
0x49: {  	s1 =	rddreg [dreg:$0x1];
	p0 =	sne.s32 s2, $0x0  }
0x4a: {  	s3 =	rddreg [dreg:$0x2];
	[bflag:$0x3] =	sbarrier.arrive $0xFFFF;
	s2 =	simm.s32 @!p0 $0x1C01  }
0x4b: {  	[timem:s3], [sflag:s2] =	dma.local @!p0 [hbm:s0], s1  }
0x4c: {  	s0 =	simm.s32 @!p0 $0x1  }
0x4d: {  	_ =	swait.ge @!p0 [sflag:s0], s1  }
0x4e: {  	s1 =	ssub.s32 @!p0 $0x0, s1;
	[sflag:s0] =	ssyncset.done @!p0 $0x0  }
0x4f: {  	[sflag:s0] =	ssyncadd.s32 @!p0 s1  }
0x50: {  	[bflag:$0x3] =	sbarrier.arrive $0xFFFF  }
0x51: {  	_ =	shalt  }

// kernel: kernel.20.cloned.1.call-start
scs
__scs_entry_jumppad:
0x0: {  	(pc) =	sbr.rel $0x88, $3  }
0x1: {  	(tag) =	ssettag $0x0;
	lr =	simm.s32 $0x1  }
0x2: {  	[smem:$0x3F88] =	sst lr;
	_ =	strace $0xD0000000  }
0x3: {  	_ = 	snop  }
0x4: {  	_ = 	snop  }
0x5: {  	_ = 	snop  }
0x6: {  	_ = 	snop  }
0x7: {  	_ = 	snop  }
__scs_overlays_trampoline_lowered:
0x8: {  	[smem:$0x3F97] =	sst s0  }
0x9: {  	[smem:$0x3F98] =	sst s1  }
0xa: {  	[smem:$0x3F99] =	sst s2  }
0xb: {  	[smem:$0x3F9A] =	sst s3  }
0xc: {  	[smem:$0x3F9B] =	sst s4  }
0xd: {  	[smem:$0x3F9C] =	sst s5  }
0xe: {  	[smem:$0x3F9D] =	sst s6  }
0xf: {  	[smem:$0x3F9E] =	sst s7  }
0x10: {  	[smem:$0x3F9F] =	sst s8  }
0x11: {  	[smem:$0x3FA0] =	sst s9;
	s0 =	simm.s32 @!p0 $0x0  }
0x12: {  	s1 =	sld [smem:$0x3F86];
	s0 =	simm.s32 @p0 $0x1  }
0x13: {  	[smem:$0x3FA1] =	sst s0;
	s0 =	simm.s32 @!p1 $0x0  }
0x14: {  	s2 =	sld [smem:$0x3F85];
	s0 =	simm.s32 @p1 $0x1  }
0x15: {  	[smem:$0x3FA2] =	sst s0;
	s0 =	simm.s32 @!p2 $0x0  }
0x16: {  	s3 =	sld [smem:$0x3FDB];
	s0 =	simm.s32 @p2 $0x1  }
0x17: {  	s4 =	simm.s32 $0x1BF5;
	[smem:$0x3FA4] =	sst s0  }
0x18: {  	s0 =	sld [smem:$0x3F87];
	_ =	swait.ge [sflag:s4], $0x0  }
0x19: {  	s7 =	sld [smem:$0x3F88]  }
0x1a: {  	s8 =	sadd.s32 $0xFFFFE003, lr  }
0x1b: {  	s9 =	sadd.s32 $0xFFFFFEF7, lr;
	s5 =	simm.s32 $0xFFFFFFFF;
	p2 =	slt.u32 s8, $0xFFFFF086  }
0x1c: {  	p1 =	slt.u32 s9, $0xF7A;
	s5 =	simm.s32 @!p2 $0x0  }
0x1d: {  	s5 =	simm.s32 @p1 $0x1;
	p0 =	seq.s32 s7, s2  }
0x1e: {  	s7 =	smul.u32 @!p0 $0xF7A, s2;
	p2 =	seq.s32 @!p0 s5, $0x0  }
0x1f: {  	s9 =	smul.u32 $0xF7A, s1;
	s8 =	simm.s32 @!p0 $0x1BF5;
	p2 =	por !p2, p0  }
0x20: {  	[sflag:s8] =	ssyncset.s32 @!p0 $0xFFFFF086;
	s6 =	sadd.s32 @!p0 s3, s7;
	s7 =	simm.s32 @!p0 $0x108  }
0x21: {  	s3 =	sadd.s32 s3, s9;
	s6 =	sadd.s32 @!p0 $0x88, s6;
	s7 =	simm.s32 @p2 $0x1082  }
0x22: {  	[simem:s7], [sflag:s8] =	dma.local @!p0 [hbm:s6], $0xF7A  }
0x23: {  	s9 =	sor.u32 $0xD0000000, s2;
	s6 =	simm.s32 $0x108;
	_ =	swait.ge @!p0 [sflag:s8], $0x0  }
0x24: {  	s3 =	sadd.s32 $0x88, s3;
	s6 =	simm.s32 @!p1 $0x1082;
	[sflag:s4] =	ssyncset.s32 $0xFFFFF086  }
0x25: {  	[simem:s6], [sflag:s4] =	dma.local [hbm:s3], $0xF7A  }
0x26: {  	[smem:$0x3F88] =	sst s1;
	(tag) =	ssettag s2;
	_ =	strace s9  }
0x27: {  	s1 =	sld [smem:$0x3F98]  }
0x28: {  	s2 =	sld [smem:$0x3F99]  }
0x29: {  	s4 =	sld [smem:$0x3F9B]  }
0x2a: {  	p0 =	seq.s32 s5, $0x0;
	s5 =	sld [smem:$0x3F9C]  }
0x2b: {  	s6 =	sld [smem:$0x3F9D]  }
0x2c: {  	s7 =	sld [smem:$0x3F9E]  }
0x2d: {  	s3 =	simm.s32 $0x108;
	s8 =	sld [smem:$0x3F9F]  }
0x2e: {  	s3 =	simm.s32 @!p0 $0x1082;
	s9 =	sld [smem:$0x3FA0]  }
0x2f: {  	lr =	sadd.s32 s0, s3;
	s0 =	sld [smem:$0x3F97]  }
0x30: {  	s3 =	sld [smem:$0x3F9A]  }
0x31: {  	[smem:$0x3FA3] =	sst s10  }
0x32: {  	s10 =	sld [smem:$0x3FA1];
	_ =	sdelay $0x3  }
0x33: {  	p0 =	seq.s32 s10, $0x1;
	s10 =	sld [smem:$0x3FA3];
	_ =	sdelay $0x3  }
0x34: {  	[smem:$0x3FA3] =	sst s10  }
0x35: {  	s10 =	sld [smem:$0x3FA2];
	_ =	sdelay $0x3  }
0x36: {  	p1 =	seq.s32 s10, $0x1;
	s10 =	sld [smem:$0x3FA3];
	_ =	sdelay $0x3  }
0x37: {  	[smem:$0x3FA3] =	sst s10  }
0x38: {  	s10 =	sld [smem:$0x3FA4]  }
0x39: {  	_ = 	snop;
	(pc) =	sbr.ind lr, $3  }
0x3a: {  	_ = 	snop  }
0x3b: {  	_ = 	snop  }
0x3c: {  	p2 =	seq.s32 s10, $0x1;
	s10 =	sld [smem:$0x3FA3]  }
0x3d: {  	_ =	shalt  }
0x3e: {  	_ =	shalt  }
0x3f: {  	_ =	shalt  }
0x40: {  	_ =	shalt  }
0x41: {  	_ =	shalt  }
0x42: {  	_ =	shalt  }
0x43: {  	_ =	shalt  }
0x44: {  	_ =	shalt  }
0x45: {  	_ =	shalt  }
0x46: {  	_ =	shalt  }
0x47: {  	_ =	shalt  }
0x48: {  	_ =	shalt  }
0x49: {  	_ =	shalt  }
0x4a: {  	_ =	shalt  }
0x4b: {  	_ =	shalt  }
0x4c: {  	_ =	shalt  }
0x4d: {  	_ =	shalt  }
0x4e: {  	_ =	shalt  }
0x4f: {  	_ =	shalt  }
0x50: {  	_ =	shalt  }
0x51: {  	_ =	shalt  }
0x52: {  	_ =	shalt  }
0x53: {  	_ =	shalt  }
0x54: {  	_ =	shalt  }
0x55: {  	_ =	shalt  }
0x56: {  	_ =	shalt  }
0x57: {  	_ =	shalt  }
0x58: {  	_ =	shalt  }
0x59: {  	_ =	shalt  }
0x5a: {  	_ =	shalt  }
0x5b: {  	_ =	shalt  }
0x5c: {  	_ =	shalt  }
0x5d: {  	_ =	shalt  }
0x5e: {  	_ =	shalt  }
0x5f: {  	_ =	shalt  }
0x60: {  	_ =	shalt  }
0x61: {  	_ =	shalt  }
0x62: {  	_ =	shalt  }
0x63: {  	_ =	shalt  }
0x64: {  	_ =	shalt  }
0x65: {  	_ =	shalt  }
0x66: {  	_ =	shalt  }
0x67: {  	_ =	shalt  }
0x68: {  	_ =	shalt  }
0x69: {  	_ =	shalt  }
0x6a: {  	_ =	shalt  }
0x6b: {  	_ =	shalt  }
0x6c: {  	_ =	shalt  }
0x6d: {  	_ =	shalt  }
0x6e: {  	_ =	shalt  }
0x6f: {  	_ =	shalt  }
0x70: {  	_ =	shalt  }
0x71: {  	_ =	shalt  }
0x72: {  	_ =	shalt  }
0x73: {  	_ =	shalt  }
0x74: {  	_ =	shalt  }
0x75: {  	_ =	shalt  }
0x76: {  	_ =	shalt  }
0x77: {  	_ =	shalt  }
0x78: {  	_ =	shalt  }
0x79: {  	_ =	shalt  }
0x7a: {  	_ =	shalt  }
0x7b: {  	_ =	shalt  }
0x7c: {  	_ =	shalt  }
0x7d: {  	_ =	shalt  }
0x7e: {  	_ =	shalt  }
0x7f: {  	_ =	shalt  }
0x80: {  	_ =	shalt  }
0x81: {  	_ =	shalt  }
0x82: {  	_ =	shalt  }
0x83: {  	_ =	shalt  }
0x84: {  	_ =	shalt  }
0x85: {  	_ =	shalt  }
0x86: {  	_ =	shalt  }
0x87: {  	_ =	shalt  }
.Lfunc_end0:
.L_simem_size_0:
called_computation.2_lowered:
.L_overlay_start_0:
0x88: {  	s2 =	sld [smem:$0x3FD9]  }
0x89: {  	s3 =	sld [smem:$0x3FFE];
	_ =	sdelay $0x1  }
0x8a: {  	s1 =	srdreg.scid  }
0x8b: {  	s0 =	sand.u32 $0x1, s1  }
0x8c: {  	s17 =	sshll.u32 s0, $0xA;
	s2 =	sadd.s32 s3, s2  }
0x8d: {  	s2 =	sadd.s32 s2, s17  }
0x8e: {  	[smem:$0x3FAF] =	sst s2  }
0x8f: {  	_ = 	snop  }
0x90: {  	(tm) =	ssettm $0x1  }
0x91: {  	s18 =	sld [smem:$0x3FFB];
	_ =	sdelay $0x3  }
0x92: {  	_ =	strace s18  }
0x93: {  	s2 =	sld [smem:$0x3FFC];
	_ =	sdelay $0x3  }
0x94: {  	_ =	strace s2  }
0x95: {  	s2 =	sld [smem:$0x3FFD];
	_ =	sdelay $0x3  }
0x96: {  	_ =	strace s2  }
0x97: {  	_ =	strace $0x8FFFFFFF  }
0x98: {  	s19 =	sld [smem:$0x3FDB];
	_ =	sdelay $0x1  }
0x99: {  	s20 =	simm.s32 $_scs_section_size  }
0x9a: {  	s4 =	simm.s32 $_size__tile_overlayer_lowered;
	s5 =	simm.s32 $_tile_overlayer_lowered  }
0x9b: {  	s6 =	simm.s32 $0x1BFF;
	s21 =	sshll.u32 s5, $0x1;
	s3 =	sadd.s32 s20, s19  }
0x9c: {  	s22 =	simm.s32 $0x0;
	s4 =	sshll.u32 s4, $0x1;
	s5 =	sadd.s32 s21, s3  }
0x9d: {  	[timem:s22], [sflag:s6] =	dma.local [hbm:s5], s4  }
0x9e: {  	_ =	swait.ge [sflag:s6], s4  }
0x9f: {  	s4 =	ssub.s32 $0x0, s4;
	[sflag:s6] =	ssyncset.done $0x0  }
0xa0: {  	[sflag:s6] =	ssyncadd.s32 s4;
	_ =	sdelay $0x1  }
0xa1: {  	s23 =	simm.s32 $0x1B8B  }
0xa2: {  	_ =	swait.ge [sflag:s23], $0x1  }
0xa3: {  	[sflag:s23] =	ssyncset.done $0x0  }
0xa4: {  	[sflag:s23] =	ssyncadd.s32 $0xFFFFFFFF  }
0xa5: {  	s4 =	sld [smem:$0x0]  }
0xa6: {  	s5 =	sand.u32 $0xFFFFFFFE, s1  }
0xa7: {  	p0 =	sne.s32 s1, s5  }
0xa8: {  	s5 =	sshll.u32 @p0 s5, $0xE  }
0xa9: {  	s5 =	sadd.s32 @p0 $0x11B8D, s5;
	s6 =	sshll.u32 @p0 s4, $0x11  }
0xaa: {  	s5 =	sor.u32 @p0 s6, s5  }
0xab: {  	[sflag:s5] =	ssyncadd.remote.s32 @p0 $0x1;
	_ =	sdelay $0x1  }
0xac: {  	s5 =	simm.s32 @p0 $0x1B8D  }
0xad: {  	_ =	swait.eq @p0 [sflag:s5], $0x1  }
0xae: {  	[sflag:s5] =	ssyncadd.s32 @p0 $0xFFFFFFFF  }
0xaf: {  	s6 =	sshll.u32 @!p0 s1, $0xE  }
0xb0: {  	s6 =	sor.u32 @!p0 $0x4000, s6;
	s5 =	simm.s32 @!p0 $0x1B8D  }
0xb1: {  	s4 =	sshll.u32 @!p0 s4, $0x11;
	s6 =	sadd.s32 @!p0 $0x11B8D, s6;
	_ =	swait.eq @!p0 [sflag:s5], $0x1  }
0xb2: {  	s4 =	sor.u32 @!p0 s4, s6;
	[sflag:s5] =	ssyncadd.s32 @!p0 $0xFFFFFFFF  }
0xb3: {  	s25 =	simm.s32 $0x1B8E;
	s24 =	sld [smem:$0x3FFE];
	[sflag:s4] =	ssyncadd.remote.s32 @!p0 $0x1  }
0xb4: {  	s26 =	simm.s32 $execute0_lowered;
	[smem:$0x3FD2] =	sst s25  }
0xb5: {  	s5 =	sshll.u32 s26, $0x1;
	_ =	strace $0x8000004C;
	[dreg:$0x1] =	wrdreg $0xFFFFFFFF  }
0xb6: {  	s28 =	simm.s32 $_size_execute0_lowered;
	s3 =	sadd.s32 s3, s5;
	[dreg:$0x0] =	wrdreg $0x0  }
0xb7: {  	s5 =	sshll.u32 s28, $0x1;
	[dreg:$0x2] =	wrdreg s3  }
0xb8: {  	[dreg:$0x3] =	wrdreg s5  }
0xb9: {  	[dreg:$0x4] =	wrdreg $0xC0  }
0xba: {  	_ =	task [dreg:s22], $0x5FFFF  }
0xbb: {  	[dreg:$0x1] =	wrdreg $0xFFFFFFFF  }
0xbc: {  	[dreg:$0x0] =	wrdreg $0x60  }
0xbd: {  	[dreg:$0x2] =	wrdreg s24  }
0xbe: {  	[dreg:$0x3] =	wrdreg $0xA  }
0xbf: {  	_ =	task.clear_ibuf [dreg:s22], $0x4FFFF;
	_ =	strace $0x9000004C  }
0xc0: {  	s29 =	simm.s32 $0xA;
	_ =	strace $0x8000004E  }
0xc1: {  	_ =	swait.ge [sflag:s29], $0x1  }
0xc2: {  	[sflag:s29] =	ssyncadd.s32 $0xFFFFFFFF  }
0xc3: {  	_ =	strace $0x9000004E  }
0xc4: {  	_ =	sfence  }
0xc5: {  	s30 =	sld [smem:$0x0];
	_ =	sdelay $0x2  }
0xc6: {  	s31 =	sshll.u32 s1, $0xD;
	s1 =	sshrl.u32 s1, $0x2  }
0xc7: {  	s4 =	sand.u32 $0x4000, s31;
	s1 =	sadd.s32 s1, s30  }
0xc8: {  	s0 =	sor.u32 s4, s0;
	s1 =	sshll.u32 s1, $0x11  }
0xc9: {  	s0 =	sor.u32 s1, s0  }
0xca: {  	s0 =	sadd.s32 $0x8F2B, s0  }
0xcb: {  	[sflag:s0] =	ssyncadd.remote.s32 $0x1  }
0xcc: {  	_ =	sfence.sel $0xFFFF  }
0xcd: {  	[dreg:$0x0] =	wrdreg $0xFFFFFFFF;
	(pc) =	sbr.abs _section_cstart, $3  }
0xce: {  	[dreg:$0x1] =	wrdreg $0xFFFFFFFF  }
0xcf: {  	_ =	task.clear_ibuf [dreg:s22], $0x2FFFF;
	_ =	strace $0x9FFFFFFF  }
0xd0: {  	(tm) =	ssettm $0x7FFFFFFF  }
0xd1: {  	_ =	shalt  }
tec
execute0_lowered:
.L_overlay_start_1:
0x0: {  	(tag) =	ssettag $0x1  }
0x1: {  	s1 =	srdreg.scid  }
0x2: {  	s0 =	stileid.u32;
	s14 =	sand.u32 $0x1, s1  }
0x3: {  	s8 =	rddreg [dreg:$0x0];
	s3 =	sshll.u32 s0, $0xC;
	s4 =	sshll.u32 s14, $0xB  }
0x4: {  	s2 =	simm.s32 $0x0;
	s1 =	rddreg [dreg:$0x1];
	s13 =	sor.u32 s4, s3  }
0x5: {  	[smem:$0x7FF] =	sst s2;
	s15 =	sadd.s32 $0x47E00, s8;
	s3 =	sshrl.u32 s13, $0x3  }
0x6: {  	_ =	strace $0x8000004D;
	s4 =	sadd.s32 s15, s3;
	s3 =	simm.s32 $0x2  }
0x7: {  	[tilespmem:s2], [sflag:$0x2] =	stream.linear.gather [hbm4b:s4+s2], $0x200, $0x38;
	[tilespmem:$0x10200] =	vst v63  }
0x8: {  	_ =	swait.ge [sflag:s3], $0x200  }
0x9: {  	s6 =	simm.s32 $0x200;
	[sflag:s3] =	ssyncset.done $0x0  }
0xa: {  	s7 =	simm.s32 $0x1;
	s5 =	sadd.s32 $0x4800, s8;
	[sflag:s3] =	ssyncadd.s32 $0xFFFFFE00  }
0xb: {  	[tilespmem:s6], [sflag:$0x1] =	stream.indirect.gather [hbm4b:s5+s6], $0x80, s2, s6, $0xb8;
	[tilespmem:$0x10200] =	vst v63  }
0xc: {  	_ =	swait.ge [sflag:s7], $0x10000  }
0xd: {  	s16 =	sadd.s32 $0x49E00, s8;
	s29 =	sshll.u32 s13, $0x4;
	[sflag:s7] =	ssyncset.done $0x0  }
0xe: {  	s8 =	sadd.s32 s16, s29;
	[sflag:s7] =	ssyncadd.s32 $0xFFFF0000  }
0xf: {  	[hbm4b:s8+s2] =	stream.linear.scatter [tilespmem:s6], [sflag:$0x2], $0x10000, $0x38;
	[tilespmem:$0x10200] =	vst v63  }
0x10: {  	s10 =	sor.u32 $0x200, s13;
	_ =	swait.ge [sflag:s3], $0x10000  }
0x11: {  	s9 =	sshrl.u32 s10, $0x3;
	[sflag:s3] =	ssyncset.done $0x0  }
0x12: {  	s9 =	sadd.s32 s15, s9;
	[sflag:s3] =	ssyncadd.s32 $0xFFFF0000  }
0x13: {  	[tilespmem:s2], [sflag:$0x2] =	stream.linear.gather [hbm4b:s9+s2], $0x200, $0x38;
	[tilespmem:$0x10200] =	vst v63  }
0x14: {  	_ =	swait.ge [sflag:s3], $0x200  }
0x15: {  	[sflag:s3] =	ssyncset.done $0x0  }
0x16: {  	[sflag:s3] =	ssyncadd.s32 $0xFFFFFE00  }
0x17: {  	[tilespmem:s6], [sflag:$0x1] =	stream.indirect.gather [hbm4b:s5+s6], $0x80, s2, s6, $0xb8;
	[tilespmem:$0x10200] =	vst v63  }
0x18: {  	_ =	swait.ge [sflag:s7], $0x10000  }
0x19: {  	s10 =	sshll.u32 s10, $0x4;
	[sflag:s7] =	ssyncset.done $0x0  }
0x1a: {  	s10 =	sadd.s32 s16, s10;
	[sflag:s7] =	ssyncadd.s32 $0xFFFF0000  }
0x1b: {  	[hbm4b:s10+s2] =	stream.linear.scatter [tilespmem:s6], [sflag:$0x2], $0x10000, $0x38;
	[tilespmem:$0x10200] =	vst v63  }
0x1c: {  	s12 =	sor.u32 $0x400, s13;
	_ =	swait.ge [sflag:s3], $0x10000  }
0x1d: {  	s11 =	sshrl.u32 s12, $0x3;
	[sflag:s3] =	ssyncset.done $0x0  }
0x1e: {  	s11 =	sadd.s32 s15, s11;
	[sflag:s3] =	ssyncadd.s32 $0xFFFF0000  }
0x1f: {  	[tilespmem:s2], [sflag:$0x2] =	stream.linear.gather [hbm4b:s11+s2], $0x200, $0x38;
	[tilespmem:$0x10200] =	vst v63  }
0x20: {  	_ =	swait.ge [sflag:s3], $0x200  }
0x21: {  	[sflag:s3] =	ssyncset.done $0x0  }
0x22: {  	[sflag:s3] =	ssyncadd.s32 $0xFFFFFE00  }
0x23: {  	[tilespmem:s6], [sflag:$0x1] =	stream.indirect.gather [hbm4b:s5+s6], $0x80, s2, s6, $0xb8;
	[tilespmem:$0x10200] =	vst v63  }
0x24: {  	_ =	swait.ge [sflag:s7], $0x10000  }
0x25: {  	s12 =	sshll.u32 s12, $0x4;
	[sflag:s7] =	ssyncset.done $0x0  }
0x26: {  	s12 =	sadd.s32 s16, s12;
	[sflag:s7] =	ssyncadd.s32 $0xFFFF0000  }
0x27: {  	[hbm4b:s12+s2] =	stream.linear.scatter [tilespmem:s6], [sflag:$0x2], $0x10000, $0x38;
	[tilespmem:$0x10200] =	vst v63  }
0x28: {  	s17 =	sor.u32 $0x600, s13;
	_ =	swait.ge [sflag:s3], $0x10000  }
0x29: {  	s13 =	sshrl.u32 s17, $0x3;
	[sflag:s3] =	ssyncset.done $0x0  }
0x2a: {  	s14 =	ssub.s32 $0x2, s14;
	s13 =	sadd.s32 s15, s13;
	[sflag:s3] =	ssyncadd.s32 $0xFFFF0000  }
0x2b: {  	[tilespmem:s2], [sflag:$0x2] =	stream.linear.gather [hbm4b:s13+s2], $0x200, $0x38;
	[tilespmem:$0x10200] =	vst v63  }
0x2c: {  	s30 =	sshrl.u32 s14, $0x1;
	_ =	swait.ge [sflag:s3], $0x200  }
0x2d: {  	s15 =	ssub.s32 s14, s30;
	[sflag:s3] =	ssyncset.done $0x0  }
0x2e: {  	s15 =	smax.u32 s15, $0x1;
	[sflag:s3] =	ssyncadd.s32 $0xFFFFFE00  }
0x2f: {  	[tilespmem:s6], [sflag:$0x1] =	stream.indirect.gather [hbm4b:s5+s6], $0x80, s2, s6, $0xb8;
	[tilespmem:$0x10200] =	vst v63  }
0x30: {  	p0 =	sne.s32 s15, $0x1;
	_ =	swait.ge [sflag:s7], $0x10000  }
.Ltmp0:
0x31: {  	s31 =	sshll.u32 s17, $0x4;
	[sflag:s7] =	ssyncset.done $0x0;
	(pc) =	sbr.rel @!p0 .LBB2_2-.Ltmp0, $4  }
0x32: {  	s14 =	sadd.s32 s16, s31;
	[sflag:s7] =	ssyncadd.s32 $0xFFFF0000  }
0x33: {  	[hbm4b:s14+s2] =	stream.linear.scatter [tilespmem:s6], [sflag:$0x2], $0x10000, $0x38;
	[tilespmem:$0x10200] =	vst v63  }
0x34: {  	_ =	swait.ge [sflag:s3], $0x10000  }
0x35: {  	s15 =	sadd.s32 $0xFFFFFFFF, s15;
	[sflag:s3] =	ssyncset.done $0x0  }
.LBB2_1:
0x36: {  	p0 =	sne.s32 s15, $0x1;
	s15 =	sadd.s32 $0xFFFFFFFF, s15;
	[sflag:s3] =	ssyncadd.s32 $0xFFFF0000  }
0x37: {  	[tilespmem:s2], [sflag:$0x2] =	stream.linear.gather [hbm4b:s4+s2], $0x200, $0x38;
	[tilespmem:$0x10200] =	vst v63  }
0x38: {  	_ =	swait.ge [sflag:s3], $0x200  }
0x39: {  	[sflag:s3] =	ssyncset.done $0x0  }
0x3a: {  	[sflag:s3] =	ssyncadd.s32 $0xFFFFFE00  }
0x3b: {  	[tilespmem:s6], [sflag:$0x1] =	stream.indirect.gather [hbm4b:s5+s6], $0x80, s2, s6, $0xb8;
	[tilespmem:$0x10200] =	vst v63  }
0x3c: {  	_ =	swait.ge [sflag:s7], $0x10000  }
0x3d: {  	[sflag:s7] =	ssyncset.done $0x0  }
0x3e: {  	[sflag:s7] =	ssyncadd.s32 $0xFFFF0000  }
0x3f: {  	[hbm4b:s8+s2] =	stream.linear.scatter [tilespmem:s6], [sflag:$0x2], $0x10000, $0x38;
	[tilespmem:$0x10200] =	vst v63  }
0x40: {  	_ =	swait.ge [sflag:s3], $0x10000  }
0x41: {  	[sflag:s3] =	ssyncset.done $0x0  }
0x42: {  	[sflag:s3] =	ssyncadd.s32 $0xFFFF0000  }
0x43: {  	[tilespmem:s2], [sflag:$0x2] =	stream.linear.gather [hbm4b:s9+s2], $0x200, $0x38;
	[tilespmem:$0x10200] =	vst v63  }
0x44: {  	_ =	swait.ge [sflag:s3], $0x200  }
0x45: {  	[sflag:s3] =	ssyncset.done $0x0  }
0x46: {  	[sflag:s3] =	ssyncadd.s32 $0xFFFFFE00  }
0x47: {  	[tilespmem:s6], [sflag:$0x1] =	stream.indirect.gather [hbm4b:s5+s6], $0x80, s2, s6, $0xb8;
	[tilespmem:$0x10200] =	vst v63  }
0x48: {  	_ =	swait.ge [sflag:s7], $0x10000  }
0x49: {  	[sflag:s7] =	ssyncset.done $0x0  }
0x4a: {  	[sflag:s7] =	ssyncadd.s32 $0xFFFF0000  }
0x4b: {  	[hbm4b:s10+s2] =	stream.linear.scatter [tilespmem:s6], [sflag:$0x2], $0x10000, $0x38;
	[tilespmem:$0x10200] =	vst v63  }
0x4c: {  	_ =	swait.ge [sflag:s3], $0x10000  }
0x4d: {  	[sflag:s3] =	ssyncset.done $0x0  }
0x4e: {  	[sflag:s3] =	ssyncadd.s32 $0xFFFF0000  }
0x4f: {  	[tilespmem:s2], [sflag:$0x2] =	stream.linear.gather [hbm4b:s11+s2], $0x200, $0x38;
	[tilespmem:$0x10200] =	vst v63  }
0x50: {  	_ =	swait.ge [sflag:s3], $0x200  }
0x51: {  	[sflag:s3] =	ssyncset.done $0x0  }
0x52: {  	[sflag:s3] =	ssyncadd.s32 $0xFFFFFE00  }
0x53: {  	[tilespmem:s6], [sflag:$0x1] =	stream.indirect.gather [hbm4b:s5+s6], $0x80, s2, s6, $0xb8;
	[tilespmem:$0x10200] =	vst v63  }
0x54: {  	_ =	swait.ge [sflag:s7], $0x10000  }
0x55: {  	[sflag:s7] =	ssyncset.done $0x0  }
0x56: {  	[sflag:s7] =	ssyncadd.s32 $0xFFFF0000  }
0x57: {  	[hbm4b:s12+s2] =	stream.linear.scatter [tilespmem:s6], [sflag:$0x2], $0x10000, $0x38;
	[tilespmem:$0x10200] =	vst v63  }
0x58: {  	_ =	swait.ge [sflag:s3], $0x10000  }
0x59: {  	[sflag:s3] =	ssyncset.done $0x0  }
0x5a: {  	[sflag:s3] =	ssyncadd.s32 $0xFFFF0000  }
0x5b: {  	[tilespmem:s2], [sflag:$0x2] =	stream.linear.gather [hbm4b:s13+s2], $0x200, $0x38;
	[tilespmem:$0x10200] =	vst v63  }
0x5c: {  	_ =	swait.ge [sflag:s3], $0x200  }
0x5d: {  	[sflag:s3] =	ssyncset.done $0x0  }
0x5e: {  	[sflag:s3] =	ssyncadd.s32 $0xFFFFFE00  }
0x5f: {  	[tilespmem:s6], [sflag:$0x1] =	stream.indirect.gather [hbm4b:s5+s6], $0x80, s2, s6, $0xb8;
	[tilespmem:$0x10200] =	vst v63  }
0x60: {  	_ =	swait.ge [sflag:s7], $0x10000  }
.Ltmp1:
0x61: {  	[sflag:s7] =	ssyncset.done $0x0;
	(pc) =	sbr.rel @p0 .LBB2_1-.Ltmp1, $4  }
0x62: {  	[sflag:s7] =	ssyncadd.s32 $0xFFFF0000  }
0x63: {  	[hbm4b:s14+s2] =	stream.linear.scatter [tilespmem:s6], [sflag:$0x2], $0x10000, $0x38;
	[tilespmem:$0x10200] =	vst v63  }
0x64: {  	_ =	swait.ge [sflag:s3], $0x10000  }
0x65: {  	[sflag:s3] =	ssyncset.done $0x0  }
.LBB2_2:
0x66: {  	[sflag:s3] =	ssyncadd.s32 $0xFFFF0000  }
0x67: {  	_ =	sfence.sel $0x180000  }
0x68: {  	[bflag:$0x0] =	sbarrier.arrive $0xFFFF  }
0x69: {  	p0 =	sne.s32 s0, $0x0;
	_ =	strace $0x9000004D  }
0x6a: {  	s0 =	sadd.s32 @!p0 $0x100000, s1;
	[bflag:$0x2] =	sbarrier.arrive $0xFFFF  }
0x6b: {  	[sflag:s0] =	ssyncadd.tile.s32 @!p0 $0x1;
	_ =	shalt  }
.Lfunc_end2:
_tile_overlayer_lowered:
.L_overlay_start_2:
0x6c: {  	(tag) =	ssettag $0x2  }
0x6d: {  	s0 =	rddreg [dreg:$0x0];
	s2 =	stileid.u32  }
0x6e: {  	s1 =	rddreg [dreg:$0x1];
	p0 =	sne.s32 s2, $0x0  }
0x6f: {  	s3 =	rddreg [dreg:$0x2];
	[bflag:$0x3] =	sbarrier.arrive $0xFFFF;
	s2 =	simm.s32 @!p0 $0x1C02  }
0x70: {  	[timem:s3], [sflag:s2] =	dma.local @!p0 [hbm:s0], s1  }
0x71: {  	s0 =	simm.s32 @!p0 $0x2  }
0x72: {  	_ =	swait.ge @!p0 [sflag:s0], s1  }
0x73: {  	s1 =	ssub.s32 @!p0 $0x0, s1;
	[sflag:s0] =	ssyncset.done @!p0 $0x0  }
0x74: {  	[sflag:s0] =	ssyncadd.s32 @!p0 s1  }
0x75: {  	[bflag:$0x3] =	sbarrier.arrive $0xFFFF  }
0x76: {  	_ =	shalt  }

</sc_bundles>
